<compile_context>
chip_gen: v7x
topology: tpu7x:2x2x1
jax: 0.10.2.dev20260603
libtpu: 0.0.44.dev20260713+nightly
codegen_flags: <defaults>
</compile_context>

<pallas_src>
import functools

import jax
import jax.numpy as jnp
from jax import lax
from jax.experimental import pallas as pl
from jax.experimental.pallas import tpu as pltpu
from jax.experimental.pallas import tpu_sc as plsc

_NC = 2
_NS = 16
_NW = _NC * _NS
_C = 128
_RING = 2
_L = 128


@functools.lru_cache(maxsize=None)
def _build_transpose(V, D):
    full = V // _L
    rem = V % _L
    base = full // _NW
    pairs = base // 2
    odd = base % 2
    extra = full % _NW
    scale = jnp.float32(float(D) ** -0.5)
    mesh = plsc.VectorSubcoreMesh(core_axis_name="c", subcore_axis_name="s")

    @functools.partial(
        pl.kernel,
        mesh=mesh,
        compiler_params=pltpu.CompilerParams(
            use_tc_tiling_on_sc=True, needs_layout_passes=False),
        out_type=jax.ShapeDtypeStruct((V, _L), jnp.float32),
        scratch_types=(
            [pltpu.VMEM((D, _L), jnp.float32) for _ in range(2)]
            + [pltpu.VMEM((_L, _L), jnp.float32) for _ in range(2)]
            + ([pltpu.VMEM((rem, D), jnp.float32)] if rem else [])
            + [pltpu.SemaphoreType.DMA for _ in range(4)]
        ),
    )
    def body(tab_hbm, *args):
        if rem:
            tail_hbm, w_hbm, in0, in1, wb0, wb1, tbuf, gi0, gi1, so0, so1 = args
        else:
            w_hbm, in0, in1, wb0, wb1, gi0, gi1, so0, so1 = args
        ins, wbs = (in0, in1), (wb0, wb1)
        gsems, ssems = (gi0, gi1), (so0, so1)
        wid = lax.axis_index("s") * _NC + lax.axis_index("c")

        def in_copy(blk, slot):
            off = pl.multiple_of(blk * _L, _L)
            return pltpu.make_async_copy(
                tab_hbm.at[:, pl.ds(off, _L)], ins[slot], gsems[slot])

        def out_copy(row0, n, slot):
            return pltpu.make_async_copy(
                wbs[slot].at[pl.ds(0, n)],
                w_hbm.at[pl.ds(row0, n)], ssems[slot])

        bases = [lax.iota(jnp.int32, 16) + j * 16 for j in range(D // 16)]

        def transpose(in_ref, w_ref):
            @plsc.parallel_loop(0, _L, unroll=8)
            def _(d):
                dv = jnp.full((16,), d, jnp.int32)
                for j in range(D // 16):
                    c = (dv + bases[j]) & (_L - 1)
                    v = plsc.load_gather(in_ref, [bases[j], c])
                    plsc.store_scatter(w_ref, [c, bases[j]], v * scale)

        in_copy(wid, 0).start()
        in_copy(wid + _NW, 1).start()

        def pair_step(g, carry):
            for slot in range(2):
                blk = wid + _NW * (2 * g + slot)
                in_copy(blk, slot).wait()

                @pl.when(g > 0)
                def _():
                    out_copy(0, _L, slot).wait()

                transpose(ins[slot], wbs[slot])
                out_copy(blk * _L, _L, slot).start()

                @pl.when(g + 1 < pairs)
                def _():
                    in_copy(blk + 2 * _NW, slot).start()

            return carry

        lax.fori_loop(0, pairs, pair_step, 0)
        out_copy(0, _L, 0).wait()
        out_copy(0, _L, 1).wait()

        if odd:
            blk = wid + _NW * (2 * pairs)
            in_copy(blk, 0).start()
            in_copy(blk, 0).wait()
            transpose(ins[0], wbs[0])
            out_copy(blk * _L, _L, 0).start()
            out_copy(0, _L, 0).wait()

        if extra:
            @pl.when(wid < extra)
            def _():
                blk = _NW * base + wid
                in_copy(blk, 0).start()
                in_copy(blk, 0).wait()
                transpose(ins[0], wbs[0])
                out_copy(blk * _L, _L, 0).start()
                out_copy(0, _L, 0).wait()

        if rem:
            @pl.when(wid == extra % _NW)
            def _():
                tc = pltpu.make_async_copy(tail_hbm, tbuf, gsems[1])
                tc.start()
                tc.wait()

                @plsc.parallel_loop(0, rem)
                def _(i):
                    for j in range(D // 16):
                        wbs[1][i, pl.ds(j * 16, 16)] = tbuf[i, pl.ds(j * 16, 16)]

                out_copy(V - rem, rem, 1).start()
                out_copy(0, rem, 1).wait()

    return body


@functools.lru_cache(maxsize=None)
def _build_gather(N, D, V):
    per_w = N // _NW
    n_chunks = per_w // _C
    n_super = n_chunks // _RING
    mesh = plsc.VectorSubcoreMesh(core_axis_name="c", subcore_axis_name="s")

    @functools.partial(
        pl.kernel,
        mesh=mesh,
        compiler_params=pltpu.CompilerParams(use_tc_tiling_on_sc=True),
        out_type=jax.ShapeDtypeStruct((N, D), jnp.float32),
        scratch_types=(
            [pltpu.VMEM((per_w,), jnp.int32)]
            + [pltpu.VMEM((_C, _L), jnp.float32) for _ in range(_RING)]
            + [pltpu.VMEM((_C, D), jnp.float32) for _ in range(_RING)]
            + [pltpu.SemaphoreType.DMA for _ in range(2 * _RING)]
        ),
    )
    def body(x_hbm, w_hbm, out_hbm, idx_v, *rest):
        rows = rest[:_RING]
        stage = rest[_RING:2 * _RING]
        gsems = rest[2 * _RING:3 * _RING]
        ssems = rest[3 * _RING:]
        wid = lax.axis_index("s") * _NC + lax.axis_index("c")
        base = wid * per_w

        pltpu.sync_copy(x_hbm.at[pl.ds(base, per_w)], idx_v)

        def g_copy(chunk, slot):
            return pltpu.make_async_copy(
                w_hbm.at[idx_v.at[pl.ds(chunk * _C, _C)]],
                rows[slot], gsems[slot])

        def s_copy(chunk, slot):
            return pltpu.make_async_copy(
                stage[slot],
                out_hbm.at[pl.ds(base + chunk * _C, _C)], ssems[slot])

        def compact(slot):
            rbuf, sbuf = rows[slot], stage[slot]

            @plsc.parallel_loop(0, _C, unroll=8)
            def _(i):
                for j in range(D // 16):
                    sbuf[i, pl.ds(j * 16, 16)] = rbuf[i, pl.ds(j * 16, 16)]

        for slot in range(_RING):
            g_copy(slot, slot).start()

        def super_step(g, carry):
            c0 = g * _RING
            for slot in range(_RING):
                g_copy(c0 + slot, slot).wait()

                @pl.when(g > 0)
                def _():
                    s_copy(c0 + slot, slot).wait()

                compact(slot)
                s_copy(c0 + slot, slot).start()

                @pl.when(g + 1 < n_super)
                def _():
                    g_copy(c0 + _RING + slot, slot).start()

            return carry

        lax.fori_loop(0, n_super, super_step, 0)

        for slot in range(_RING):
            s_copy(n_chunks - _RING + slot, slot).wait()

    return body


def kernel(x, table):
    B, S = x.shape
    V, D = table.shape
    N = B * S
    xf = x.reshape(N).astype(jnp.int32)
    rem = V % _L
    args = (table.T,)
    if rem:
        args += (table[V - rem:, :] * jnp.float32(float(D) ** -0.5),)
    w = _build_transpose(V, D)(*args)
    out = _build_gather(N, D, V)(xf, w)
    return out.reshape(B, S, D)

# --- scband reference (transcript-rebuilt; emitter-appended) ---
"""Pipeline reference for scband-input-embeddings-22402549416478 (READ-ONLY COPY).

The authoritative reference and input builder live on the scoring server;
editing this copy changes nothing except your own understanding.
"""

import jax, jax.numpy as jnp
import numpy as np

D_MODEL = 64
VOCAB_SIZE = 1000000

def setup_inputs(seed: int = 0) -> dict:
    key = jax.random.key(seed)
    k1, k2 = jax.random.split(key)
    x = jax.random.randint(k1, (4096, 200), 0, VOCAB_SIZE, dtype=jnp.int64 if jax.config.jax_enable_x64 else jnp.int32)
    table = jax.random.normal(k2, (VOCAB_SIZE, D_MODEL), dtype=jnp.float32)
    return {"x": x, "table": table}

def reference(x, table):
    sqrt_d = D_MODEL ** (-0.5)
    out = jnp.take(table, x, axis=0) * sqrt_d
    return out

if __name__ == "__main__":
    import jax
    _d = setup_inputs()
    print(jax.jit(kernel)(*tuple(_d.values())))

</pallas_src>

<mosaic_0001>
#map = affine_map<(d0, d1) -> (0)>
#map1 = affine_map<(d0, d1) -> (0, 0)>
module attributes {stable_mosaic.version = 14 : i64} {
  func.func @body(%arg0: i32, %arg1: i32, %arg2: memref<819200xi32, #tpu.memory_space<hbm>>, %arg3: memref<1000000x128xf32, #tpu.memory_space<hbm>>, %arg4: memref<819200x64xf32, #tpu.memory_space<hbm>>, %arg5: memref<25600xi32, #tpu.memory_space<vmem>>, %arg6: memref<128x128xf32, #tpu.memory_space<vmem>>, %arg7: memref<128x128xf32, #tpu.memory_space<vmem>>, %arg8: memref<128x64xf32, #tpu.memory_space<vmem>>, %arg9: memref<128x64xf32, #tpu.memory_space<vmem>>, %arg10: memref<!tpu.dma_semaphore, #tpu.memory_space<semaphore_mem>>, %arg11: memref<!tpu.dma_semaphore, #tpu.memory_space<semaphore_mem>>, %arg12: memref<!tpu.dma_semaphore, #tpu.memory_space<semaphore_mem>>, %arg13: memref<!tpu.dma_semaphore, #tpu.memory_space<semaphore_mem>>) attributes {dimension_semantics = [#tpu.dimension_semantics<core_parallel>, #tpu.dimension_semantics<subcore_parallel>], iteration_bounds = array<i64: 2, 16>, scalar_prefetch = 0 : i64, scratch_operands = 9 : i64, tpu.core_type = #tpu.core_type<sc_vector_subcore>, window_params = [{transform_indices = #map}, {transform_indices = #map1}, {transform_indices = #map1}]} {
    %mul3A = arith.constant 2 : i32
    %mul3A_0 = arith.muli %arg1, %mul3A : i32
    %add3A = arith.addi %mul3A_0, %arg0 : i32
    %mul3A_1 = arith.constant 25600 : i32
    %mul3A_2 = arith.muli %add3A, %mul3A_1 : i32
    "tpu.region"() ({
      %run_scoped3A = tpu.sem_alloc : memref<!tpu.dma_semaphore, #tpu.memory_space<semaphore_mem>>
      %dma_start3A_28 = tpu.memref_slice %arg2[%mul3A_2] : memref<819200xi32, #tpu.memory_space<hbm>> -> memref<25600xi32, #tpu.memory_space<hbm>>
      %dma_start3A_29 = tpu.memref_slice %arg2[%mul3A_2] : memref<819200xi32, #tpu.memory_space<hbm>> -> memref<25600xi32, #tpu.memory_space<hbm>>
      tpu.enqueue_dma source(%dma_start3A_29 : memref<25600xi32, #tpu.memory_space<hbm>>) target(%arg5 : memref<25600xi32, #tpu.memory_space<vmem>>) target_semaphore(%run_scoped3A : memref<!tpu.dma_semaphore, #tpu.memory_space<semaphore_mem>>)
      %dma_wait3A_30 = tpu.memref_slice %arg2[%mul3A_2] : memref<819200xi32, #tpu.memory_space<hbm>> -> memref<25600xi32, #tpu.memory_space<hbm>>
      %dma_wait3A_31 = tpu.memref_slice %arg2[%mul3A_2] : memref<819200xi32, #tpu.memory_space<hbm>> -> memref<25600xi32, #tpu.memory_space<hbm>>
      tpu.wait_dma2 semaphore(%run_scoped3A : memref<!tpu.dma_semaphore, #tpu.memory_space<semaphore_mem>>) src(%dma_wait3A_31 : memref<25600xi32, #tpu.memory_space<hbm>>) dst(%arg5 : memref<25600xi32, #tpu.memory_space<vmem>>)
      tpu.yield
    }) : () -> ()
    %dma_start3A = arith.constant 0 : i32
    %dma_start3A_3 = tpu.memref_slice %arg5[%dma_start3A] : memref<25600xi32, #tpu.memory_space<vmem>> -> memref<128xi32, #tpu.memory_space<vmem>>
    %dma_start3A_4 = arith.constant 0 : i32
    %dma_start3A_5 = arith.constant 0 : i32
    %dma_start3A_6 = tpu.memref_slice %arg3[%dma_start3A_4, %dma_start3A_5] : memref<1000000x128xf32, #tpu.memory_space<hbm>> -> memref<1000000x128xf32, #tpu.memory_space<hbm>>
    tpu.enqueue_indirect_dma source(%dma_start3A_6 : memref<1000000x128xf32, #tpu.memory_space<hbm>>) target(%arg6 : memref<128x128xf32, #tpu.memory_space<vmem>>) offsets(%dma_start3A_3 : memref<128xi32, #tpu.memory_space<vmem>>) semaphore(%arg10 : memref<!tpu.dma_semaphore, #tpu.memory_space<semaphore_mem>>)
    %dma_start3A_7 = arith.constant 128 : i32
    %dma_start3A_8 = tpu.memref_slice %arg5[%dma_start3A_7] : memref<25600xi32, #tpu.memory_space<vmem>> -> memref<128xi32, #tpu.memory_space<vmem>>
    %dma_start3A_9 = arith.constant 0 : i32
    %dma_start3A_10 = arith.constant 0 : i32
    %dma_start3A_11 = tpu.memref_slice %arg3[%dma_start3A_9, %dma_start3A_10] : memref<1000000x128xf32, #tpu.memory_space<hbm>> -> memref<1000000x128xf32, #tpu.memory_space<hbm>>
    tpu.enqueue_indirect_dma source(%dma_start3A_11 : memref<1000000x128xf32, #tpu.memory_space<hbm>>) target(%arg7 : memref<128x128xf32, #tpu.memory_space<vmem>>) offsets(%dma_start3A_8 : memref<128xi32, #tpu.memory_space<vmem>>) semaphore(%arg11 : memref<!tpu.dma_semaphore, #tpu.memory_space<semaphore_mem>>)
    %scan3A = arith.constant 0 : i32
    %scan3A_12 = arith.constant 0 : i32
    %scan3A_13 = arith.constant 100 : i32
    %scan3A_14 = arith.addi %scan3A_12, %scan3A_13 : i32
    %scan3A_15 = arith.constant 1 : i32
    scf.for %scan3A_28 = %scan3A_12 to %scan3A_14 step %scan3A_15  : i32 {
      %mul3A_29 = arith.constant 2 : i32
      %mul3A_30 = arith.muli %scan3A_28, %mul3A_29 : i32
      %add3A_31 = arith.constant 0 : i32
      %add3A_32 = arith.addi %mul3A_30, %add3A_31 : i32
      %mul3A_33 = arith.constant 128 : i32
      %mul3A_34 = arith.muli %add3A_32, %mul3A_33 : i32
      %dma_wait3A_35 = tpu.memref_slice %arg5[%mul3A_34] : memref<25600xi32, #tpu.memory_space<vmem>> -> memref<128xi32, #tpu.memory_space<vmem>>
      %dma_wait3A_36 = arith.constant 0 : i32
      %dma_wait3A_37 = arith.constant 0 : i32
      %dma_wait3A_38 = tpu.memref_slice %arg3[%dma_wait3A_36, %dma_wait3A_37] : memref<1000000x128xf32, #tpu.memory_space<hbm>> -> memref<1000000x128xf32, #tpu.memory_space<hbm>>
      tpu.wait_indirect_dma semaphore(%arg10 : memref<!tpu.dma_semaphore, #tpu.memory_space<semaphore_mem>>) src(%dma_wait3A_38 : memref<1000000x128xf32, #tpu.memory_space<hbm>>) dst(%arg6 : memref<128x128xf32, #tpu.memory_space<vmem>>)
      %gt3A = arith.constant 0 : i32
      %gt3A_39 = arith.cmpi sgt, %scan3A_28, %gt3A : i32
      %convert_element_type3A = arith.extui %gt3A_39 : i1 to i32
      %cond3A = arith.constant 0 : i32
      %cond3A_40 = arith.cmpi ne, %convert_element_type3A, %cond3A : i32
      scf.if %cond3A_40 {
        %add3A_90 = arith.constant 0 : i32
        %add3A_91 = arith.addi %mul3A_30, %add3A_90 : i32
        %mul3A_92 = arith.constant 128 : i32
        %mul3A_93 = arith.muli %add3A_91, %mul3A_92 : i32
        %add3A_94 = arith.addi %mul3A_2, %mul3A_93 : i32
        %dma_wait3A_95 = arith.constant 0 : i32
        %dma_wait3A_96 = tpu.memref_slice %arg4[%add3A_94, %dma_wait3A_95] : memref<819200x64xf32, #tpu.memory_space<hbm>> -> memref<128x64xf32, #tpu.memory_space<hbm>>
        %dma_wait3A_97 = arith.constant 0 : i32
        %dma_wait3A_98 = tpu.memref_slice %arg4[%add3A_94, %dma_wait3A_97] : memref<819200x64xf32, #tpu.memory_space<hbm>> -> memref<128x64xf32, #tpu.memory_space<hbm>>
        tpu.wait_dma2 semaphore(%arg12 : memref<!tpu.dma_semaphore, #tpu.memory_space<semaphore_mem>>) src(%arg8 : memref<128x64xf32, #tpu.memory_space<vmem>>) dst(%dma_wait3A_98 : memref<128x64xf32, #tpu.memory_space<hbm>>)
      } else {
      }
      %parallel_loop3A = arith.constant 0 : i32
      %parallel_loop3A_41 = arith.constant 128 : i32
      %parallel_loop3A_42 = arith.constant 1 : i32
      scf.for %parallel_loop3A_90 = %parallel_loop3A to %parallel_loop3A_41 step %parallel_loop3A_42  : i32 {
        %parallel_loop3A_91 = arith.index_cast %parallel_loop3A_90 : i32 to index
        %parallel_loop3A_92 = arith.constant 0 : index
        %parallel_loop3A_93 = tpu.vector_load %arg6[%parallel_loop3A_91, %parallel_loop3A_92] {strides = array<i32>} : memref<128x128xf32, #tpu.memory_space<vmem>>, vector<1x16xf32>,
        %parallel_loop3A_94 = vector.shape_cast %parallel_loop3A_93 : vector<1x16xf32> to vector<16xf32>
        %parallel_loop3A_95 = arith.index_cast %parallel_loop3A_90 : i32 to index
        %parallel_loop3A_96 = arith.constant 0 : index
        %parallel_loop3A_97 = tpu.vector_load %arg8[%parallel_loop3A_95, %parallel_loop3A_96] {strides = array<i32>} : memref<128x64xf32, #tpu.memory_space<vmem>>, vector<1x16xf32>,
        %parallel_loop3A_98 = vector.shape_cast %parallel_loop3A_97 : vector<1x16xf32> to vector<16xf32>
        %parallel_loop3A_99 = vector.shape_cast %parallel_loop3A_94 : vector<16xf32> to vector<1x16xf32>
        tpu.vector_store %arg8[%parallel_loop3A_95, %parallel_loop3A_96], %parallel_loop3A_99 {strides = array<i32>} : memref<128x64xf32, #tpu.memory_space<vmem>>, vector<1x16xf32>,
        %parallel_loop3A_100 = arith.index_cast %parallel_loop3A_90 : i32 to index
        %parallel_loop3A_101 = arith.constant 16 : index
        %parallel_loop3A_102 = tpu.vector_load %arg6[%parallel_loop3A_100, %parallel_loop3A_101] {strides = array<i32>} : memref<128x128xf32, #tpu.memory_space<vmem>>, vector<1x16xf32>,
        %parallel_loop3A_103 = vector.shape_cast %parallel_loop3A_102 : vector<1x16xf32> to vector<16xf32>
        %parallel_loop3A_104 = arith.index_cast %parallel_loop3A_90 : i32 to index
        %parallel_loop3A_105 = arith.constant 16 : index
        %parallel_loop3A_106 = tpu.vector_load %arg8[%parallel_loop3A_104, %parallel_loop3A_105] {strides = array<i32>} : memref<128x64xf32, #tpu.memory_space<vmem>>, vector<1x16xf32>,
        %parallel_loop3A_107 = vector.shape_cast %parallel_loop3A_106 : vector<1x16xf32> to vector<16xf32>
        %parallel_loop3A_108 = vector.shape_cast %parallel_loop3A_103 : vector<16xf32> to vector<1x16xf32>
        tpu.vector_store %arg8[%parallel_loop3A_104, %parallel_loop3A_105], %parallel_loop3A_108 {strides = array<i32>} : memref<128x64xf32, #tpu.memory_space<vmem>>, vector<1x16xf32>,
        %parallel_loop3A_109 = arith.index_cast %parallel_loop3A_90 : i32 to index
        %parallel_loop3A_110 = arith.constant 32 : index
        %parallel_loop3A_111 = tpu.vector_load %arg6[%parallel_loop3A_109, %parallel_loop3A_110] {strides = array<i32>} : memref<128x128xf32, #tpu.memory_space<vmem>>, vector<1x16xf32>,
        %parallel_loop3A_112 = vector.shape_cast %parallel_loop3A_111 : vector<1x16xf32> to vector<16xf32>
        %parallel_loop3A_113 = arith.index_cast %parallel_loop3A_90 : i32 to index
        %parallel_loop3A_114 = arith.constant 32 : index
        %parallel_loop3A_115 = tpu.vector_load %arg8[%parallel_loop3A_113, %parallel_loop3A_114] {strides = array<i32>} : memref<128x64xf32, #tpu.memory_space<vmem>>, vector<1x16xf32>,
        %parallel_loop3A_116 = vector.shape_cast %parallel_loop3A_115 : vector<1x16xf32> to vector<16xf32>
        %parallel_loop3A_117 = vector.shape_cast %parallel_loop3A_112 : vector<16xf32> to vector<1x16xf32>
        tpu.vector_store %arg8[%parallel_loop3A_113, %parallel_loop3A_114], %parallel_loop3A_117 {strides = array<i32>} : memref<128x64xf32, #tpu.memory_space<vmem>>, vector<1x16xf32>,
        %parallel_loop3A_118 = arith.index_cast %parallel_loop3A_90 : i32 to index
        %parallel_loop3A_119 = arith.constant 48 : index
        %parallel_loop3A_120 = tpu.vector_load %arg6[%parallel_loop3A_118, %parallel_loop3A_119] {strides = array<i32>} : memref<128x128xf32, #tpu.memory_space<vmem>>, vector<1x16xf32>,
        %parallel_loop3A_121 = vector.shape_cast %parallel_loop3A_120 : vector<1x16xf32> to vector<16xf32>
        %parallel_loop3A_122 = arith.index_cast %parallel_loop3A_90 : i32 to index
        %parallel_loop3A_123 = arith.constant 48 : index
        %parallel_loop3A_124 = tpu.vector_load %arg8[%parallel_loop3A_122, %parallel_loop3A_123] {strides = array<i32>} : memref<128x64xf32, #tpu.memory_space<vmem>>, vector<1x16xf32>,
        %parallel_loop3A_125 = vector.shape_cast %parallel_loop3A_124 : vector<1x16xf32> to vector<16xf32>
        %parallel_loop3A_126 = vector.shape_cast %parallel_loop3A_121 : vector<16xf32> to vector<1x16xf32>
        tpu.vector_store %arg8[%parallel_loop3A_122, %parallel_loop3A_123], %parallel_loop3A_126 {strides = array<i32>} : memref<128x64xf32, #tpu.memory_space<vmem>>, vector<1x16xf32>,
      } {sc.loop_unroll_factor = 8 : i64, sc.parallel_access}
      %add3A_43 = arith.constant 0 : i32
      %add3A_44 = arith.addi %mul3A_30, %add3A_43 : i32
      %mul3A_45 = arith.constant 128 : i32
      %mul3A_46 = arith.muli %add3A_44, %mul3A_45 : i32
      %add3A_47 = arith.addi %mul3A_2, %mul3A_46 : i32
      %dma_start3A_48 = arith.constant 0 : i32
      %dma_start3A_49 = tpu.memref_slice %arg4[%add3A_47, %dma_start3A_48] : memref<819200x64xf32, #tpu.memory_space<hbm>> -> memref<128x64xf32, #tpu.memory_space<hbm>>
      %dma_start3A_50 = arith.constant 0 : i32
      %dma_start3A_51 = tpu.memref_slice %arg4[%add3A_47, %dma_start3A_50] : memref<819200x64xf32, #tpu.memory_space<hbm>> -> memref<128x64xf32, #tpu.memory_space<hbm>>
      tpu.enqueue_dma source(%arg8 : memref<128x64xf32, #tpu.memory_space<vmem>>) target(%dma_start3A_51 : memref<128x64xf32, #tpu.memory_space<hbm>>) target_semaphore(%arg12 : memref<!tpu.dma_semaphore, #tpu.memory_space<semaphore_mem>>)
      %add3A_52 = arith.constant 1 : i32
      %add3A_53 = arith.addi %scan3A_28, %add3A_52 : i32
      %lt3A = arith.constant 100 : i32
      %lt3A_54 = arith.cmpi slt, %add3A_53, %lt3A : i32
      %convert_element_type3A_55 = arith.extui %lt3A_54 : i1 to i32
      %cond3A_56 = arith.constant 0 : i32
      %cond3A_57 = arith.cmpi ne, %convert_element_type3A_55, %cond3A_56 : i32
      scf.if %cond3A_57 {
        %add3A_90 = arith.constant 2 : i32
        %add3A_91 = arith.addi %mul3A_30, %add3A_90 : i32
        %add3A_92 = arith.constant 0 : i32
        %add3A_93 = arith.addi %add3A_91, %add3A_92 : i32
        %mul3A_94 = arith.constant 128 : i32
        %mul3A_95 = arith.muli %add3A_93, %mul3A_94 : i32
        %dma_start3A_96 = tpu.memref_slice %arg5[%mul3A_95] : memref<25600xi32, #tpu.memory_space<vmem>> -> memref<128xi32, #tpu.memory_space<vmem>>
        %dma_start3A_97 = arith.constant 0 : i32
        %dma_start3A_98 = arith.constant 0 : i32
        %dma_start3A_99 = tpu.memref_slice %arg3[%dma_start3A_97, %dma_start3A_98] : memref<1000000x128xf32, #tpu.memory_space<hbm>> -> memref<1000000x128xf32, #tpu.memory_space<hbm>>
        tpu.enqueue_indirect_dma source(%dma_start3A_99 : memref<1000000x128xf32, #tpu.memory_space<hbm>>) target(%arg6 : memref<128x128xf32, #tpu.memory_space<vmem>>) offsets(%dma_start3A_96 : memref<128xi32, #tpu.memory_space<vmem>>) semaphore(%arg10 : memref<!tpu.dma_semaphore, #tpu.memory_space<semaphore_mem>>)
      } else {
      }
      %add3A_58 = arith.constant 1 : i32
      %add3A_59 = arith.addi %mul3A_30, %add3A_58 : i32
      %mul3A_60 = arith.constant 128 : i32
      %mul3A_61 = arith.muli %add3A_59, %mul3A_60 : i32
      %dma_wait3A_62 = tpu.memref_slice %arg5[%mul3A_61] : memref<25600xi32, #tpu.memory_space<vmem>> -> memref<128xi32, #tpu.memory_space<vmem>>
      %dma_wait3A_63 = arith.constant 0 : i32
      %dma_wait3A_64 = arith.constant 0 : i32
      %dma_wait3A_65 = tpu.memref_slice %arg3[%dma_wait3A_63, %dma_wait3A_64] : memref<1000000x128xf32, #tpu.memory_space<hbm>> -> memref<1000000x128xf32, #tpu.memory_space<hbm>>
      tpu.wait_indirect_dma semaphore(%arg11 : memref<!tpu.dma_semaphore, #tpu.memory_space<semaphore_mem>>) src(%dma_wait3A_65 : memref<1000000x128xf32, #tpu.memory_space<hbm>>) dst(%arg7 : memref<128x128xf32, #tpu.memory_space<vmem>>)
      %gt3A_66 = arith.constant 0 : i32
      %gt3A_67 = arith.cmpi sgt, %scan3A_28, %gt3A_66 : i32
      %convert_element_type3A_68 = arith.extui %gt3A_67 : i1 to i32
      %cond3A_69 = arith.constant 0 : i32
      %cond3A_70 = arith.cmpi ne, %convert_element_type3A_68, %cond3A_69 : i32
      scf.if %cond3A_70 {
        %add3A_90 = arith.constant 1 : i32
        %add3A_91 = arith.addi %mul3A_30, %add3A_90 : i32
        %mul3A_92 = arith.constant 128 : i32
        %mul3A_93 = arith.muli %add3A_91, %mul3A_92 : i32
        %add3A_94 = arith.addi %mul3A_2, %mul3A_93 : i32
        %dma_wait3A_95 = arith.constant 0 : i32
        %dma_wait3A_96 = tpu.memref_slice %arg4[%add3A_94, %dma_wait3A_95] : memref<819200x64xf32, #tpu.memory_space<hbm>> -> memref<128x64xf32, #tpu.memory_space<hbm>>
        %dma_wait3A_97 = arith.constant 0 : i32
        %dma_wait3A_98 = tpu.memref_slice %arg4[%add3A_94, %dma_wait3A_97] : memref<819200x64xf32, #tpu.memory_space<hbm>> -> memref<128x64xf32, #tpu.memory_space<hbm>>
        tpu.wait_dma2 semaphore(%arg13 : memref<!tpu.dma_semaphore, #tpu.memory_space<semaphore_mem>>) src(%arg9 : memref<128x64xf32, #tpu.memory_space<vmem>>) dst(%dma_wait3A_98 : memref<128x64xf32, #tpu.memory_space<hbm>>)
      } else {
      }
      %parallel_loop3A_71 = arith.constant 0 : i32
      %parallel_loop3A_72 = arith.constant 128 : i32
      %parallel_loop3A_73 = arith.constant 1 : i32
      scf.for %parallel_loop3A_90 = %parallel_loop3A_71 to %parallel_loop3A_72 step %parallel_loop3A_73  : i32 {
        %parallel_loop3A_91 = arith.index_cast %parallel_loop3A_90 : i32 to index
        %parallel_loop3A_92 = arith.constant 0 : index
        %parallel_loop3A_93 = tpu.vector_load %arg7[%parallel_loop3A_91, %parallel_loop3A_92] {strides = array<i32>} : memref<128x128xf32, #tpu.memory_space<vmem>>, vector<1x16xf32>,
        %parallel_loop3A_94 = vector.shape_cast %parallel_loop3A_93 : vector<1x16xf32> to vector<16xf32>
        %parallel_loop3A_95 = arith.index_cast %parallel_loop3A_90 : i32 to index
        %parallel_loop3A_96 = arith.constant 0 : index
        %parallel_loop3A_97 = tpu.vector_load %arg9[%parallel_loop3A_95, %parallel_loop3A_96] {strides = array<i32>} : memref<128x64xf32, #tpu.memory_space<vmem>>, vector<1x16xf32>,
        %parallel_loop3A_98 = vector.shape_cast %parallel_loop3A_97 : vector<1x16xf32> to vector<16xf32>
        %parallel_loop3A_99 = vector.shape_cast %parallel_loop3A_94 : vector<16xf32> to vector<1x16xf32>
        tpu.vector_store %arg9[%parallel_loop3A_95, %parallel_loop3A_96], %parallel_loop3A_99 {strides = array<i32>} : memref<128x64xf32, #tpu.memory_space<vmem>>, vector<1x16xf32>,
        %parallel_loop3A_100 = arith.index_cast %parallel_loop3A_90 : i32 to index
        %parallel_loop3A_101 = arith.constant 16 : index
        %parallel_loop3A_102 = tpu.vector_load %arg7[%parallel_loop3A_100, %parallel_loop3A_101] {strides = array<i32>} : memref<128x128xf32, #tpu.memory_space<vmem>>, vector<1x16xf32>,
        %parallel_loop3A_103 = vector.shape_cast %parallel_loop3A_102 : vector<1x16xf32> to vector<16xf32>
        %parallel_loop3A_104 = arith.index_cast %parallel_loop3A_90 : i32 to index
        %parallel_loop3A_105 = arith.constant 16 : index
        %parallel_loop3A_106 = tpu.vector_load %arg9[%parallel_loop3A_104, %parallel_loop3A_105] {strides = array<i32>} : memref<128x64xf32, #tpu.memory_space<vmem>>, vector<1x16xf32>,
        %parallel_loop3A_107 = vector.shape_cast %parallel_loop3A_106 : vector<1x16xf32> to vector<16xf32>
        %parallel_loop3A_108 = vector.shape_cast %parallel_loop3A_103 : vector<16xf32> to vector<1x16xf32>
        tpu.vector_store %arg9[%parallel_loop3A_104, %parallel_loop3A_105], %parallel_loop3A_108 {strides = array<i32>} : memref<128x64xf32, #tpu.memory_space<vmem>>, vector<1x16xf32>,
        %parallel_loop3A_109 = arith.index_cast %parallel_loop3A_90 : i32 to index
        %parallel_loop3A_110 = arith.constant 32 : index
        %parallel_loop3A_111 = tpu.vector_load %arg7[%parallel_loop3A_109, %parallel_loop3A_110] {strides = array<i32>} : memref<128x128xf32, #tpu.memory_space<vmem>>, vector<1x16xf32>,
        %parallel_loop3A_112 = vector.shape_cast %parallel_loop3A_111 : vector<1x16xf32> to vector<16xf32>
        %parallel_loop3A_113 = arith.index_cast %parallel_loop3A_90 : i32 to index
        %parallel_loop3A_114 = arith.constant 32 : index
        %parallel_loop3A_115 = tpu.vector_load %arg9[%parallel_loop3A_113, %parallel_loop3A_114] {strides = array<i32>} : memref<128x64xf32, #tpu.memory_space<vmem>>, vector<1x16xf32>,
        %parallel_loop3A_116 = vector.shape_cast %parallel_loop3A_115 : vector<1x16xf32> to vector<16xf32>
        %parallel_loop3A_117 = vector.shape_cast %parallel_loop3A_112 : vector<16xf32> to vector<1x16xf32>
        tpu.vector_store %arg9[%parallel_loop3A_113, %parallel_loop3A_114], %parallel_loop3A_117 {strides = array<i32>} : memref<128x64xf32, #tpu.memory_space<vmem>>, vector<1x16xf32>,
        %parallel_loop3A_118 = arith.index_cast %parallel_loop3A_90 : i32 to index
        %parallel_loop3A_119 = arith.constant 48 : index
        %parallel_loop3A_120 = tpu.vector_load %arg7[%parallel_loop3A_118, %parallel_loop3A_119] {strides = array<i32>} : memref<128x128xf32, #tpu.memory_space<vmem>>, vector<1x16xf32>,
        %parallel_loop3A_121 = vector.shape_cast %parallel_loop3A_120 : vector<1x16xf32> to vector<16xf32>
        %parallel_loop3A_122 = arith.index_cast %parallel_loop3A_90 : i32 to index
        %parallel_loop3A_123 = arith.constant 48 : index
        %parallel_loop3A_124 = tpu.vector_load %arg9[%parallel_loop3A_122, %parallel_loop3A_123] {strides = array<i32>} : memref<128x64xf32, #tpu.memory_space<vmem>>, vector<1x16xf32>,
        %parallel_loop3A_125 = vector.shape_cast %parallel_loop3A_124 : vector<1x16xf32> to vector<16xf32>
        %parallel_loop3A_126 = vector.shape_cast %parallel_loop3A_121 : vector<16xf32> to vector<1x16xf32>
        tpu.vector_store %arg9[%parallel_loop3A_122, %parallel_loop3A_123], %parallel_loop3A_126 {strides = array<i32>} : memref<128x64xf32, #tpu.memory_space<vmem>>, vector<1x16xf32>,
      } {sc.loop_unroll_factor = 8 : i64, sc.parallel_access}
      %add3A_74 = arith.constant 1 : i32
      %add3A_75 = arith.addi %mul3A_30, %add3A_74 : i32
      %mul3A_76 = arith.constant 128 : i32
      %mul3A_77 = arith.muli %add3A_75, %mul3A_76 : i32
      %add3A_78 = arith.addi %mul3A_2, %mul3A_77 : i32
      %dma_start3A_79 = arith.constant 0 : i32
      %dma_start3A_80 = tpu.memref_slice %arg4[%add3A_78, %dma_start3A_79] : memref<819200x64xf32, #tpu.memory_space<hbm>> -> memref<128x64xf32, #tpu.memory_space<hbm>>
      %dma_start3A_81 = arith.constant 0 : i32
      %dma_start3A_82 = tpu.memref_slice %arg4[%add3A_78, %dma_start3A_81] : memref<819200x64xf32, #tpu.memory_space<hbm>> -> memref<128x64xf32, #tpu.memory_space<hbm>>
      tpu.enqueue_dma source(%arg9 : memref<128x64xf32, #tpu.memory_space<vmem>>) target(%dma_start3A_82 : memref<128x64xf32, #tpu.memory_space<hbm>>) target_semaphore(%arg13 : memref<!tpu.dma_semaphore, #tpu.memory_space<semaphore_mem>>)
      %add3A_83 = arith.constant 1 : i32
      %add3A_84 = arith.addi %scan3A_28, %add3A_83 : i32
      %lt3A_85 = arith.constant 100 : i32
      %lt3A_86 = arith.cmpi slt, %add3A_84, %lt3A_85 : i32
      %convert_element_type3A_87 = arith.extui %lt3A_86 : i1 to i32
      %cond3A_88 = arith.constant 0 : i32
      %cond3A_89 = arith.cmpi ne, %convert_element_type3A_87, %cond3A_88 : i32
      scf.if %cond3A_89 {
        %add3A_90 = arith.constant 2 : i32
        %add3A_91 = arith.addi %mul3A_30, %add3A_90 : i32
        %add3A_92 = arith.constant 1 : i32
        %add3A_93 = arith.addi %add3A_91, %add3A_92 : i32
        %mul3A_94 = arith.constant 128 : i32
        %mul3A_95 = arith.muli %add3A_93, %mul3A_94 : i32
        %dma_start3A_96 = tpu.memref_slice %arg5[%mul3A_95] : memref<25600xi32, #tpu.memory_space<vmem>> -> memref<128xi32, #tpu.memory_space<vmem>>
        %dma_start3A_97 = arith.constant 0 : i32
        %dma_start3A_98 = arith.constant 0 : i32
        %dma_start3A_99 = tpu.memref_slice %arg3[%dma_start3A_97, %dma_start3A_98] : memref<1000000x128xf32, #tpu.memory_space<hbm>> -> memref<1000000x128xf32, #tpu.memory_space<hbm>>
        tpu.enqueue_indirect_dma source(%dma_start3A_99 : memref<1000000x128xf32, #tpu.memory_space<hbm>>) target(%arg7 : memref<128x128xf32, #tpu.memory_space<vmem>>) offsets(%dma_start3A_96 : memref<128xi32, #tpu.memory_space<vmem>>) semaphore(%arg11 : memref<!tpu.dma_semaphore, #tpu.memory_space<semaphore_mem>>)
      } else {
      }
    }
    %scan3A_16 = arith.constant 100 : i32
    %add3A_17 = arith.constant 25344 : i32
    %add3A_18 = arith.addi %mul3A_2, %add3A_17 : i32
    %dma_wait3A = arith.constant 0 : i32
    %dma_wait3A_19 = tpu.memref_slice %arg4[%add3A_18, %dma_wait3A] : memref<819200x64xf32, #tpu.memory_space<hbm>> -> memref<128x64xf32, #tpu.memory_space<hbm>>
    %dma_wait3A_20 = arith.constant 0 : i32
    %dma_wait3A_21 = tpu.memref_slice %arg4[%add3A_18, %dma_wait3A_20] : memref<819200x64xf32, #tpu.memory_space<hbm>> -> memref<128x64xf32, #tpu.memory_space<hbm>>
    tpu.wait_dma2 semaphore(%arg12 : memref<!tpu.dma_semaphore, #tpu.memory_space<semaphore_mem>>) src(%arg8 : memref<128x64xf32, #tpu.memory_space<vmem>>) dst(%dma_wait3A_21 : memref<128x64xf32, #tpu.memory_space<hbm>>)
    %add3A_22 = arith.constant 25472 : i32
    %add3A_23 = arith.addi %mul3A_2, %add3A_22 : i32
    %dma_wait3A_24 = arith.constant 0 : i32
    %dma_wait3A_25 = tpu.memref_slice %arg4[%add3A_23, %dma_wait3A_24] : memref<819200x64xf32, #tpu.memory_space<hbm>> -> memref<128x64xf32, #tpu.memory_space<hbm>>
    %dma_wait3A_26 = arith.constant 0 : i32
    %dma_wait3A_27 = tpu.memref_slice %arg4[%add3A_23, %dma_wait3A_26] : memref<819200x64xf32, #tpu.memory_space<hbm>> -> memref<128x64xf32, #tpu.memory_space<hbm>>
    tpu.wait_dma2 semaphore(%arg13 : memref<!tpu.dma_semaphore, #tpu.memory_space<semaphore_mem>>) src(%arg9 : memref<128x64xf32, #tpu.memory_space<vmem>>) dst(%dma_wait3A_27 : memref<128x64xf32, #tpu.memory_space<hbm>>)
    return
  }
}

#map = affine_map<(d0, d1) -> (0, 0)>
#map1 = affine_map<(d0, d1) -> (0)>
module attributes {stable_mosaic.version = 14 : i64} {
  func.func @_rewritten_body(%arg0: i32, %arg1: i32, %arg2: memref<64x1000000xf32, #tpu.memory_space<hbm>>, %arg3: memref<64x64xf32, #tpu.memory_space<hbm>>, %arg4: memref<1xf32, #tpu.memory_space<hbm>>, %arg5: memref<1000000x128xf32, #tpu.memory_space<hbm>>, %arg6: memref<64x128xf32, #tpu.memory_space<vmem>>, %arg7: memref<64x128xf32, #tpu.memory_space<vmem>>, %arg8: memref<128x128xf32, #tpu.memory_space<vmem>>, %arg9: memref<128x128xf32, #tpu.memory_space<vmem>>, %arg10: memref<64x64xf32, #tpu.memory_space<vmem>>, %arg11: memref<!tpu.dma_semaphore, #tpu.memory_space<semaphore_mem>>, %arg12: memref<!tpu.dma_semaphore, #tpu.memory_space<semaphore_mem>>, %arg13: memref<!tpu.dma_semaphore, #tpu.memory_space<semaphore_mem>>, %arg14: memref<!tpu.dma_semaphore, #tpu.memory_space<semaphore_mem>>) attributes {dimension_semantics = [#tpu.dimension_semantics<core_parallel>, #tpu.dimension_semantics<subcore_parallel>], iteration_bounds = array<i64: 2, 16>, scalar_prefetch = 0 : i64, scratch_operands = 9 : i64, tpu.core_type = #tpu.core_type<sc_vector_subcore>, window_params = [{transform_indices = #map}, {transform_indices = #map}, {transform_indices = #map1}, {transform_indices = #map}]} {
    %empty_ref3A = memref.alloca() : memref<16xf32, #tpu.memory_space<vmem>>
    "tpu.region"() ({
      %run_scoped3A = tpu.sem_alloc : memref<!tpu.dma_semaphore, #tpu.memory_space<semaphore_mem>>
      %dma_start3A_65 = arith.constant 0 : i32
      %dma_start3A_66 = tpu.memref_slice %empty_ref3A[%dma_start3A_65] : memref<16xf32, #tpu.memory_space<vmem>> -> memref<1xf32, #tpu.memory_space<vmem>>
      %dma_start3A_67 = arith.constant 0 : i32
      %dma_start3A_68 = tpu.memref_slice %empty_ref3A[%dma_start3A_67] : memref<16xf32, #tpu.memory_space<vmem>> -> memref<1xf32, #tpu.memory_space<vmem>>
      tpu.enqueue_dma source(%arg4 : memref<1xf32, #tpu.memory_space<hbm>>) target(%dma_start3A_68 : memref<1xf32, #tpu.memory_space<vmem>>) target_semaphore(%run_scoped3A : memref<!tpu.dma_semaphore, #tpu.memory_space<semaphore_mem>>)
      %dma_wait3A_69 = arith.constant 0 : i32
      %dma_wait3A_70 = tpu.memref_slice %empty_ref3A[%dma_wait3A_69] : memref<16xf32, #tpu.memory_space<vmem>> -> memref<1xf32, #tpu.memory_space<vmem>>
      %dma_wait3A_71 = arith.constant 0 : i32
      %dma_wait3A_72 = tpu.memref_slice %empty_ref3A[%dma_wait3A_71] : memref<16xf32, #tpu.memory_space<vmem>> -> memref<1xf32, #tpu.memory_space<vmem>>
      tpu.wait_dma2 semaphore(%run_scoped3A : memref<!tpu.dma_semaphore, #tpu.memory_space<semaphore_mem>>) src(%arg4 : memref<1xf32, #tpu.memory_space<hbm>>) dst(%dma_wait3A_72 : memref<1xf32, #tpu.memory_space<vmem>>)
      tpu.yield
    }) : () -> ()
    %get3A = arith.constant 0 : index
    %get3A_0 = tpu.vector_load %empty_ref3A[%get3A] {strides = array<i32>} : memref<16xf32, #tpu.memory_space<vmem>>, vector<16xf32>,
    %slice3A = vector.extract_strided_slice %get3A_0 {offsets = [0], sizes = [1], strides = [1]} : vector<16xf32> to vector<1xf32>
    %squeeze3A = vector.extract %slice3A[0] : f32 from vector<1xf32>
    %mul3A = arith.constant 2 : i32
    %mul3A_1 = arith.muli %arg1, %mul3A : i32
    %add3A = arith.addi %mul3A_1, %arg0 : i32
    %iota3A = tpu.iota {dimensions = array<i32: 0>} : vector<16xi32>
    %add3A_2 = arith.constant 0 : i32
    %add3A_3 = vector.broadcast %add3A_2 : i32 to vector<16xi32>
    %add3A_4 = arith.addi %iota3A, %add3A_3 : vector<16xi32>
    %iota3A_5 = tpu.iota {dimensions = array<i32: 0>} : vector<16xi32>
    %add3A_6 = arith.constant 16 : i32
    %add3A_7 = vector.broadcast %add3A_6 : i32 to vector<16xi32>
    %add3A_8 = arith.addi %iota3A_5, %add3A_7 : vector<16xi32>
    %iota3A_9 = tpu.iota {dimensions = array<i32: 0>} : vector<16xi32>
    %add3A_10 = arith.constant 32 : i32
    %add3A_11 = vector.broadcast %add3A_10 : i32 to vector<16xi32>
    %add3A_12 = arith.addi %iota3A_9, %add3A_11 : vector<16xi32>
    %iota3A_13 = tpu.iota {dimensions = array<i32: 0>} : vector<16xi32>
    %add3A_14 = arith.constant 48 : i32
    %add3A_15 = vector.broadcast %add3A_14 : i32 to vector<16xi32>
    %add3A_16 = arith.addi %iota3A_13, %add3A_15 : vector<16xi32>
    %mul3A_17 = arith.constant 128 : i32
    %mul3A_18 = arith.muli %add3A, %mul3A_17 : i32
    %multiple_of3A = tpu.assume_multiple %mul3A_18, 128 : i32
    %dma_start3A = arith.constant 0 : i32
    %dma_start3A_19 = tpu.memref_slice %arg2[%dma_start3A, %multiple_of3A] : memref<64x1000000xf32, #tpu.memory_space<hbm>> -> memref<64x128xf32, #tpu.memory_space<hbm>>
    %dma_start3A_20 = arith.constant 0 : i32
    %dma_start3A_21 = tpu.memref_slice %arg2[%dma_start3A_20, %multiple_of3A] : memref<64x1000000xf32, #tpu.memory_space<hbm>> -> memref<64x128xf32, #tpu.memory_space<hbm>>
    tpu.enqueue_dma source(%dma_start3A_21 : memref<64x128xf32, #tpu.memory_space<hbm>>) target(%arg6 : memref<64x128xf32, #tpu.memory_space<vmem>>) target_semaphore(%arg11 : memref<!tpu.dma_semaphore, #tpu.memory_space<semaphore_mem>>)
    %add3A_22 = arith.constant 32 : i32
    %add3A_23 = arith.addi %add3A, %add3A_22 : i32
    %mul3A_24 = arith.constant 128 : i32
    %mul3A_25 = arith.muli %add3A_23, %mul3A_24 : i32
    %multiple_of3A_26 = tpu.assume_multiple %mul3A_25, 128 : i32
    %dma_start3A_27 = arith.constant 0 : i32
    %dma_start3A_28 = tpu.memref_slice %arg2[%dma_start3A_27, %multiple_of3A_26] : memref<64x1000000xf32, #tpu.memory_space<hbm>> -> memref<64x128xf32, #tpu.memory_space<hbm>>
    %dma_start3A_29 = arith.constant 0 : i32
    %dma_start3A_30 = tpu.memref_slice %arg2[%dma_start3A_29, %multiple_of3A_26] : memref<64x1000000xf32, #tpu.memory_space<hbm>> -> memref<64x128xf32, #tpu.memory_space<hbm>>
    tpu.enqueue_dma source(%dma_start3A_30 : memref<64x128xf32, #tpu.memory_space<hbm>>) target(%arg7 : memref<64x128xf32, #tpu.memory_space<vmem>>) target_semaphore(%arg12 : memref<!tpu.dma_semaphore, #tpu.memory_space<semaphore_mem>>)
    %scan3A = arith.constant 0 : i32
    %scan3A_31 = arith.constant 0 : i32
    %scan3A_32 = arith.constant 122 : i32
    %scan3A_33 = arith.addi %scan3A_31, %scan3A_32 : i32
    %scan3A_34 = arith.constant 1 : i32
    scf.for %scan3A_65 = %scan3A_31 to %scan3A_33 step %scan3A_34  : i32 {
      %mul3A_66 = arith.constant 2 : i32
      %mul3A_67 = arith.muli %mul3A_66, %scan3A_65 : i32
      %add3A_68 = arith.constant 0 : i32
      %add3A_69 = arith.addi %mul3A_67, %add3A_68 : i32
      %mul3A_70 = arith.constant 32 : i32
      %mul3A_71 = arith.muli %mul3A_70, %add3A_69 : i32
      %add3A_72 = arith.addi %add3A, %mul3A_71 : i32
      %mul3A_73 = arith.constant 128 : i32
      %mul3A_74 = arith.muli %add3A_72, %mul3A_73 : i32
      %multiple_of3A_75 = tpu.assume_multiple %mul3A_74, 128 : i32
      %dma_wait3A_76 = arith.constant 0 : i32
      %dma_wait3A_77 = tpu.memref_slice %arg2[%dma_wait3A_76, %multiple_of3A_75] : memref<64x1000000xf32, #tpu.memory_space<hbm>> -> memref<64x128xf32, #tpu.memory_space<hbm>>
      %dma_wait3A_78 = arith.constant 0 : i32
      %dma_wait3A_79 = tpu.memref_slice %arg2[%dma_wait3A_78, %multiple_of3A_75] : memref<64x1000000xf32, #tpu.memory_space<hbm>> -> memref<64x128xf32, #tpu.memory_space<hbm>>
      tpu.wait_dma2 semaphore(%arg11 : memref<!tpu.dma_semaphore, #tpu.memory_space<semaphore_mem>>) src(%dma_wait3A_79 : memref<64x128xf32, #tpu.memory_space<hbm>>) dst(%arg6 : memref<64x128xf32, #tpu.memory_space<vmem>>)
      %gt3A = arith.constant 0 : i32
      %gt3A_80 = arith.cmpi sgt, %scan3A_65, %gt3A : i32
      %convert_element_type3A_81 = arith.extui %gt3A_80 : i1 to i32
      %cond3A_82 = arith.constant 0 : i32
      %cond3A_83 = arith.cmpi ne, %convert_element_type3A_81, %cond3A_82 : i32
      scf.if %cond3A_83 {
        %dma_wait3A_146 = arith.constant 0 : i32
        %dma_wait3A_147 = arith.constant 0 : i32
        %dma_wait3A_148 = tpu.memref_slice %arg8[%dma_wait3A_146, %dma_wait3A_147] : memref<128x128xf32, #tpu.memory_space<vmem>> -> memref<128x128xf32, #tpu.memory_space<vmem>>
        %dma_wait3A_149 = arith.constant 0 : i32
        %dma_wait3A_150 = arith.constant 0 : i32
        %dma_wait3A_151 = tpu.memref_slice %arg5[%dma_wait3A_149, %dma_wait3A_150] : memref<1000000x128xf32, #tpu.memory_space<hbm>> -> memref<128x128xf32, #tpu.memory_space<hbm>>
        %dma_wait3A_152 = arith.constant 0 : i32
        %dma_wait3A_153 = arith.constant 0 : i32
        %dma_wait3A_154 = tpu.memref_slice %arg5[%dma_wait3A_152, %dma_wait3A_153] : memref<1000000x128xf32, #tpu.memory_space<hbm>> -> memref<128x128xf32, #tpu.memory_space<hbm>>
        %dma_wait3A_155 = arith.constant 0 : i32
        %dma_wait3A_156 = arith.constant 0 : i32
        %dma_wait3A_157 = tpu.memref_slice %arg8[%dma_wait3A_155, %dma_wait3A_156] : memref<128x128xf32, #tpu.memory_space<vmem>> -> memref<128x128xf32, #tpu.memory_space<vmem>>
        tpu.wait_dma2 semaphore(%arg13 : memref<!tpu.dma_semaphore, #tpu.memory_space<semaphore_mem>>) src(%dma_wait3A_157 : memref<128x128xf32, #tpu.memory_space<vmem>>) dst(%dma_wait3A_154 : memref<128x128xf32, #tpu.memory_space<hbm>>)
      } else {
      }
      %parallel_loop3A = arith.constant 0 : i32
      %parallel_loop3A_84 = arith.constant 128 : i32
      %parallel_loop3A_85 = arith.constant 1 : i32
      scf.for %parallel_loop3A_146 = %parallel_loop3A to %parallel_loop3A_84 step %parallel_loop3A_85  : i32 {
        %parallel_loop3A_147 = vector.broadcast %parallel_loop3A_146 : i32 to vector<16xi32>
        %parallel_loop3A_148 = arith.addi %parallel_loop3A_147, %add3A_4 : vector<16xi32>
        %parallel_loop3A_149 = arith.constant 127 : i32
        %parallel_loop3A_150 = vector.broadcast %parallel_loop3A_149 : i32 to vector<16xi32>
        %parallel_loop3A_151 = arith.andi %parallel_loop3A_148, %parallel_loop3A_150 : vector<16xi32>
        %parallel_loop3A_152 = tpu.vector_load_idx %arg6[%add3A_4, %parallel_loop3A_151] : memref<64x128xf32, #tpu.memory_space<vmem>>[vector<16xi32>, vector<16xi32>], vector<16xf32>,
        %parallel_loop3A_153 = vector.broadcast %squeeze3A : f32 to vector<16xf32>
        %parallel_loop3A_154 = arith.mulf %parallel_loop3A_152, %parallel_loop3A_153 : vector<16xf32>
        tpu.vector_store_idx %arg8[%parallel_loop3A_151, %add3A_4], %parallel_loop3A_154 : memref<128x128xf32, #tpu.memory_space<vmem>>[vector<16xi32>, vector<16xi32>], vector<16xf32>,
        %parallel_loop3A_155 = arith.addi %parallel_loop3A_147, %add3A_8 : vector<16xi32>
        %parallel_loop3A_156 = arith.constant 127 : i32
        %parallel_loop3A_157 = vector.broadcast %parallel_loop3A_156 : i32 to vector<16xi32>
        %parallel_loop3A_158 = arith.andi %parallel_loop3A_155, %parallel_loop3A_157 : vector<16xi32>
        %parallel_loop3A_159 = tpu.vector_load_idx %arg6[%add3A_8, %parallel_loop3A_158] : memref<64x128xf32, #tpu.memory_space<vmem>>[vector<16xi32>, vector<16xi32>], vector<16xf32>,
        %parallel_loop3A_160 = vector.broadcast %squeeze3A : f32 to vector<16xf32>
        %parallel_loop3A_161 = arith.mulf %parallel_loop3A_159, %parallel_loop3A_160 : vector<16xf32>
        tpu.vector_store_idx %arg8[%parallel_loop3A_158, %add3A_8], %parallel_loop3A_161 : memref<128x128xf32, #tpu.memory_space<vmem>>[vector<16xi32>, vector<16xi32>], vector<16xf32>,
        %parallel_loop3A_162 = arith.addi %parallel_loop3A_147, %add3A_12 : vector<16xi32>
        %parallel_loop3A_163 = arith.constant 127 : i32
        %parallel_loop3A_164 = vector.broadcast %parallel_loop3A_163 : i32 to vector<16xi32>
        %parallel_loop3A_165 = arith.andi %parallel_loop3A_162, %parallel_loop3A_164 : vector<16xi32>
        %parallel_loop3A_166 = tpu.vector_load_idx %arg6[%add3A_12, %parallel_loop3A_165] : memref<64x128xf32, #tpu.memory_space<vmem>>[vector<16xi32>, vector<16xi32>], vector<16xf32>,
        %parallel_loop3A_167 = vector.broadcast %squeeze3A : f32 to vector<16xf32>
        %parallel_loop3A_168 = arith.mulf %parallel_loop3A_166, %parallel_loop3A_167 : vector<16xf32>
        tpu.vector_store_idx %arg8[%parallel_loop3A_165, %add3A_12], %parallel_loop3A_168 : memref<128x128xf32, #tpu.memory_space<vmem>>[vector<16xi32>, vector<16xi32>], vector<16xf32>,
        %parallel_loop3A_169 = arith.addi %parallel_loop3A_147, %add3A_16 : vector<16xi32>
        %parallel_loop3A_170 = arith.constant 127 : i32
        %parallel_loop3A_171 = vector.broadcast %parallel_loop3A_170 : i32 to vector<16xi32>
        %parallel_loop3A_172 = arith.andi %parallel_loop3A_169, %parallel_loop3A_171 : vector<16xi32>
        %parallel_loop3A_173 = tpu.vector_load_idx %arg6[%add3A_16, %parallel_loop3A_172] : memref<64x128xf32, #tpu.memory_space<vmem>>[vector<16xi32>, vector<16xi32>], vector<16xf32>,
        %parallel_loop3A_174 = vector.broadcast %squeeze3A : f32 to vector<16xf32>
        %parallel_loop3A_175 = arith.mulf %parallel_loop3A_173, %parallel_loop3A_174 : vector<16xf32>
        tpu.vector_store_idx %arg8[%parallel_loop3A_172, %add3A_16], %parallel_loop3A_175 : memref<128x128xf32, #tpu.memory_space<vmem>>[vector<16xi32>, vector<16xi32>], vector<16xf32>,
      } {sc.loop_unroll_factor = 8 : i64, sc.parallel_access}
      %mul3A_86 = arith.constant 128 : i32
      %mul3A_87 = arith.muli %add3A_72, %mul3A_86 : i32
      %dma_start3A_88 = arith.constant 0 : i32
      %dma_start3A_89 = arith.constant 0 : i32
      %dma_start3A_90 = tpu.memref_slice %arg8[%dma_start3A_88, %dma_start3A_89] : memref<128x128xf32, #tpu.memory_space<vmem>> -> memref<128x128xf32, #tpu.memory_space<vmem>>
      %dma_start3A_91 = arith.constant 0 : i32
      %dma_start3A_92 = tpu.memref_slice %arg5[%mul3A_87, %dma_start3A_91] : memref<1000000x128xf32, #tpu.memory_space<hbm>> -> memref<128x128xf32, #tpu.memory_space<hbm>>
      %dma_start3A_93 = arith.constant 0 : i32
      %dma_start3A_94 = tpu.memref_slice %arg5[%mul3A_87, %dma_start3A_93] : memref<1000000x128xf32, #tpu.memory_space<hbm>> -> memref<128x128xf32, #tpu.memory_space<hbm>>
      %dma_start3A_95 = arith.constant 0 : i32
      %dma_start3A_96 = arith.constant 0 : i32
      %dma_start3A_97 = tpu.memref_slice %arg8[%dma_start3A_95, %dma_start3A_96] : memref<128x128xf32, #tpu.memory_space<vmem>> -> memref<128x128xf32, #tpu.memory_space<vmem>>
      tpu.enqueue_dma source(%dma_start3A_97 : memref<128x128xf32, #tpu.memory_space<vmem>>) target(%dma_start3A_94 : memref<128x128xf32, #tpu.memory_space<hbm>>) target_semaphore(%arg13 : memref<!tpu.dma_semaphore, #tpu.memory_space<semaphore_mem>>)
      %add3A_98 = arith.constant 1 : i32
      %add3A_99 = arith.addi %scan3A_65, %add3A_98 : i32
      %lt3A_100 = arith.constant 122 : i32
      %lt3A_101 = arith.cmpi slt, %add3A_99, %lt3A_100 : i32
      %convert_element_type3A_102 = arith.extui %lt3A_101 : i1 to i32
      %cond3A_103 = arith.constant 0 : i32
      %cond3A_104 = arith.cmpi ne, %convert_element_type3A_102, %cond3A_103 : i32
      scf.if %cond3A_104 {
        %add3A_146 = arith.constant 64 : i32
        %add3A_147 = arith.addi %add3A_72, %add3A_146 : i32
        %mul3A_148 = arith.constant 128 : i32
        %mul3A_149 = arith.muli %add3A_147, %mul3A_148 : i32
        %multiple_of3A_150 = tpu.assume_multiple %mul3A_149, 128 : i32
        %dma_start3A_151 = arith.constant 0 : i32
        %dma_start3A_152 = tpu.memref_slice %arg2[%dma_start3A_151, %multiple_of3A_150] : memref<64x1000000xf32, #tpu.memory_space<hbm>> -> memref<64x128xf32, #tpu.memory_space<hbm>>
        %dma_start3A_153 = arith.constant 0 : i32
        %dma_start3A_154 = tpu.memref_slice %arg2[%dma_start3A_153, %multiple_of3A_150] : memref<64x1000000xf32, #tpu.memory_space<hbm>> -> memref<64x128xf32, #tpu.memory_space<hbm>>
        tpu.enqueue_dma source(%dma_start3A_154 : memref<64x128xf32, #tpu.memory_space<hbm>>) target(%arg6 : memref<64x128xf32, #tpu.memory_space<vmem>>) target_semaphore(%arg11 : memref<!tpu.dma_semaphore, #tpu.memory_space<semaphore_mem>>)
      } else {
      }
      %mul3A_105 = arith.constant 2 : i32
      %mul3A_106 = arith.muli %mul3A_105, %scan3A_65 : i32
      %add3A_107 = arith.constant 1 : i32
      %add3A_108 = arith.addi %mul3A_106, %add3A_107 : i32
      %mul3A_109 = arith.constant 32 : i32
      %mul3A_110 = arith.muli %mul3A_109, %add3A_108 : i32
      %add3A_111 = arith.addi %add3A, %mul3A_110 : i32
      %mul3A_112 = arith.constant 128 : i32
      %mul3A_113 = arith.muli %add3A_111, %mul3A_112 : i32
      %multiple_of3A_114 = tpu.assume_multiple %mul3A_113, 128 : i32
      %dma_wait3A_115 = arith.constant 0 : i32
      %dma_wait3A_116 = tpu.memref_slice %arg2[%dma_wait3A_115, %multiple_of3A_114] : memref<64x1000000xf32, #tpu.memory_space<hbm>> -> memref<64x128xf32, #tpu.memory_space<hbm>>
      %dma_wait3A_117 = arith.constant 0 : i32
      %dma_wait3A_118 = tpu.memref_slice %arg2[%dma_wait3A_117, %multiple_of3A_114] : memref<64x1000000xf32, #tpu.memory_space<hbm>> -> memref<64x128xf32, #tpu.memory_space<hbm>>
      tpu.wait_dma2 semaphore(%arg12 : memref<!tpu.dma_semaphore, #tpu.memory_space<semaphore_mem>>) src(%dma_wait3A_118 : memref<64x128xf32, #tpu.memory_space<hbm>>) dst(%arg7 : memref<64x128xf32, #tpu.memory_space<vmem>>)
      %gt3A_119 = arith.constant 0 : i32
      %gt3A_120 = arith.cmpi sgt, %scan3A_65, %gt3A_119 : i32
      %convert_element_type3A_121 = arith.extui %gt3A_120 : i1 to i32
      %cond3A_122 = arith.constant 0 : i32
      %cond3A_123 = arith.cmpi ne, %convert_element_type3A_121, %cond3A_122 : i32
      scf.if %cond3A_123 {
        %dma_wait3A_146 = arith.constant 0 : i32
        %dma_wait3A_147 = arith.constant 0 : i32
        %dma_wait3A_148 = tpu.memref_slice %arg9[%dma_wait3A_146, %dma_wait3A_147] : memref<128x128xf32, #tpu.memory_space<vmem>> -> memref<128x128xf32, #tpu.memory_space<vmem>>
        %dma_wait3A_149 = arith.constant 0 : i32
        %dma_wait3A_150 = arith.constant 0 : i32
        %dma_wait3A_151 = tpu.memref_slice %arg5[%dma_wait3A_149, %dma_wait3A_150] : memref<1000000x128xf32, #tpu.memory_space<hbm>> -> memref<128x128xf32, #tpu.memory_space<hbm>>
        %dma_wait3A_152 = arith.constant 0 : i32
        %dma_wait3A_153 = arith.constant 0 : i32
        %dma_wait3A_154 = tpu.memref_slice %arg5[%dma_wait3A_152, %dma_wait3A_153] : memref<1000000x128xf32, #tpu.memory_space<hbm>> -> memref<128x128xf32, #tpu.memory_space<hbm>>
        %dma_wait3A_155 = arith.constant 0 : i32
        %dma_wait3A_156 = arith.constant 0 : i32
        %dma_wait3A_157 = tpu.memref_slice %arg9[%dma_wait3A_155, %dma_wait3A_156] : memref<128x128xf32, #tpu.memory_space<vmem>> -> memref<128x128xf32, #tpu.memory_space<vmem>>
        tpu.wait_dma2 semaphore(%arg14 : memref<!tpu.dma_semaphore, #tpu.memory_space<semaphore_mem>>) src(%dma_wait3A_157 : memref<128x128xf32, #tpu.memory_space<vmem>>) dst(%dma_wait3A_154 : memref<128x128xf32, #tpu.memory_space<hbm>>)
      } else {
      }
      %parallel_loop3A_124 = arith.constant 0 : i32
      %parallel_loop3A_125 = arith.constant 128 : i32
      %parallel_loop3A_126 = arith.constant 1 : i32
      scf.for %parallel_loop3A_146 = %parallel_loop3A_124 to %parallel_loop3A_125 step %parallel_loop3A_126  : i32 {
        %parallel_loop3A_147 = vector.broadcast %parallel_loop3A_146 : i32 to vector<16xi32>
        %parallel_loop3A_148 = arith.addi %parallel_loop3A_147, %add3A_4 : vector<16xi32>
        %parallel_loop3A_149 = arith.constant 127 : i32
        %parallel_loop3A_150 = vector.broadcast %parallel_loop3A_149 : i32 to vector<16xi32>
        %parallel_loop3A_151 = arith.andi %parallel_loop3A_148, %parallel_loop3A_150 : vector<16xi32>
        %parallel_loop3A_152 = tpu.vector_load_idx %arg7[%add3A_4, %parallel_loop3A_151] : memref<64x128xf32, #tpu.memory_space<vmem>>[vector<16xi32>, vector<16xi32>], vector<16xf32>,
        %parallel_loop3A_153 = vector.broadcast %squeeze3A : f32 to vector<16xf32>
        %parallel_loop3A_154 = arith.mulf %parallel_loop3A_152, %parallel_loop3A_153 : vector<16xf32>
        tpu.vector_store_idx %arg9[%parallel_loop3A_151, %add3A_4], %parallel_loop3A_154 : memref<128x128xf32, #tpu.memory_space<vmem>>[vector<16xi32>, vector<16xi32>], vector<16xf32>,
        %parallel_loop3A_155 = arith.addi %parallel_loop3A_147, %add3A_8 : vector<16xi32>
        %parallel_loop3A_156 = arith.constant 127 : i32
        %parallel_loop3A_157 = vector.broadcast %parallel_loop3A_156 : i32 to vector<16xi32>
        %parallel_loop3A_158 = arith.andi %parallel_loop3A_155, %parallel_loop3A_157 : vector<16xi32>
        %parallel_loop3A_159 = tpu.vector_load_idx %arg7[%add3A_8, %parallel_loop3A_158] : memref<64x128xf32, #tpu.memory_space<vmem>>[vector<16xi32>, vector<16xi32>], vector<16xf32>,
        %parallel_loop3A_160 = vector.broadcast %squeeze3A : f32 to vector<16xf32>
        %parallel_loop3A_161 = arith.mulf %parallel_loop3A_159, %parallel_loop3A_160 : vector<16xf32>
        tpu.vector_store_idx %arg9[%parallel_loop3A_158, %add3A_8], %parallel_loop3A_161 : memref<128x128xf32, #tpu.memory_space<vmem>>[vector<16xi32>, vector<16xi32>], vector<16xf32>,
        %parallel_loop3A_162 = arith.addi %parallel_loop3A_147, %add3A_12 : vector<16xi32>
        %parallel_loop3A_163 = arith.constant 127 : i32
        %parallel_loop3A_164 = vector.broadcast %parallel_loop3A_163 : i32 to vector<16xi32>
        %parallel_loop3A_165 = arith.andi %parallel_loop3A_162, %parallel_loop3A_164 : vector<16xi32>
        %parallel_loop3A_166 = tpu.vector_load_idx %arg7[%add3A_12, %parallel_loop3A_165] : memref<64x128xf32, #tpu.memory_space<vmem>>[vector<16xi32>, vector<16xi32>], vector<16xf32>,
        %parallel_loop3A_167 = vector.broadcast %squeeze3A : f32 to vector<16xf32>
        %parallel_loop3A_168 = arith.mulf %parallel_loop3A_166, %parallel_loop3A_167 : vector<16xf32>
        tpu.vector_store_idx %arg9[%parallel_loop3A_165, %add3A_12], %parallel_loop3A_168 : memref<128x128xf32, #tpu.memory_space<vmem>>[vector<16xi32>, vector<16xi32>], vector<16xf32>,
        %parallel_loop3A_169 = arith.addi %parallel_loop3A_147, %add3A_16 : vector<16xi32>
        %parallel_loop3A_170 = arith.constant 127 : i32
        %parallel_loop3A_171 = vector.broadcast %parallel_loop3A_170 : i32 to vector<16xi32>
        %parallel_loop3A_172 = arith.andi %parallel_loop3A_169, %parallel_loop3A_171 : vector<16xi32>
        %parallel_loop3A_173 = tpu.vector_load_idx %arg7[%add3A_16, %parallel_loop3A_172] : memref<64x128xf32, #tpu.memory_space<vmem>>[vector<16xi32>, vector<16xi32>], vector<16xf32>,
        %parallel_loop3A_174 = vector.broadcast %squeeze3A : f32 to vector<16xf32>
        %parallel_loop3A_175 = arith.mulf %parallel_loop3A_173, %parallel_loop3A_174 : vector<16xf32>
        tpu.vector_store_idx %arg9[%parallel_loop3A_172, %add3A_16], %parallel_loop3A_175 : memref<128x128xf32, #tpu.memory_space<vmem>>[vector<16xi32>, vector<16xi32>], vector<16xf32>,
      } {sc.loop_unroll_factor = 8 : i64, sc.parallel_access}
      %mul3A_127 = arith.constant 128 : i32
      %mul3A_128 = arith.muli %add3A_111, %mul3A_127 : i32
      %dma_start3A_129 = arith.constant 0 : i32
      %dma_start3A_130 = arith.constant 0 : i32
      %dma_start3A_131 = tpu.memref_slice %arg9[%dma_start3A_129, %dma_start3A_130] : memref<128x128xf32, #tpu.memory_space<vmem>> -> memref<128x128xf32, #tpu.memory_space<vmem>>
      %dma_start3A_132 = arith.constant 0 : i32
      %dma_start3A_133 = tpu.memref_slice %arg5[%mul3A_128, %dma_start3A_132] : memref<1000000x128xf32, #tpu.memory_space<hbm>> -> memref<128x128xf32, #tpu.memory_space<hbm>>
      %dma_start3A_134 = arith.constant 0 : i32
      %dma_start3A_135 = tpu.memref_slice %arg5[%mul3A_128, %dma_start3A_134] : memref<1000000x128xf32, #tpu.memory_space<hbm>> -> memref<128x128xf32, #tpu.memory_space<hbm>>
      %dma_start3A_136 = arith.constant 0 : i32
      %dma_start3A_137 = arith.constant 0 : i32
      %dma_start3A_138 = tpu.memref_slice %arg9[%dma_start3A_136, %dma_start3A_137] : memref<128x128xf32, #tpu.memory_space<vmem>> -> memref<128x128xf32, #tpu.memory_space<vmem>>
      tpu.enqueue_dma source(%dma_start3A_138 : memref<128x128xf32, #tpu.memory_space<vmem>>) target(%dma_start3A_135 : memref<128x128xf32, #tpu.memory_space<hbm>>) target_semaphore(%arg14 : memref<!tpu.dma_semaphore, #tpu.memory_space<semaphore_mem>>)
      %add3A_139 = arith.constant 1 : i32
      %add3A_140 = arith.addi %scan3A_65, %add3A_139 : i32
      %lt3A_141 = arith.constant 122 : i32
      %lt3A_142 = arith.cmpi slt, %add3A_140, %lt3A_141 : i32
      %convert_element_type3A_143 = arith.extui %lt3A_142 : i1 to i32
      %cond3A_144 = arith.constant 0 : i32
      %cond3A_145 = arith.cmpi ne, %convert_element_type3A_143, %cond3A_144 : i32
      scf.if %cond3A_145 {
        %add3A_146 = arith.constant 64 : i32
        %add3A_147 = arith.addi %add3A_111, %add3A_146 : i32
        %mul3A_148 = arith.constant 128 : i32
        %mul3A_149 = arith.muli %add3A_147, %mul3A_148 : i32
        %multiple_of3A_150 = tpu.assume_multiple %mul3A_149, 128 : i32
        %dma_start3A_151 = arith.constant 0 : i32
        %dma_start3A_152 = tpu.memref_slice %arg2[%dma_start3A_151, %multiple_of3A_150] : memref<64x1000000xf32, #tpu.memory_space<hbm>> -> memref<64x128xf32, #tpu.memory_space<hbm>>
        %dma_start3A_153 = arith.constant 0 : i32
        %dma_start3A_154 = tpu.memref_slice %arg2[%dma_start3A_153, %multiple_of3A_150] : memref<64x1000000xf32, #tpu.memory_space<hbm>> -> memref<64x128xf32, #tpu.memory_space<hbm>>
        tpu.enqueue_dma source(%dma_start3A_154 : memref<64x128xf32, #tpu.memory_space<hbm>>) target(%arg7 : memref<64x128xf32, #tpu.memory_space<vmem>>) target_semaphore(%arg12 : memref<!tpu.dma_semaphore, #tpu.memory_space<semaphore_mem>>)
      } else {
      }
    }
    %scan3A_35 = arith.constant 122 : i32
    %dma_wait3A = arith.constant 0 : i32
    %dma_wait3A_36 = arith.constant 0 : i32
    %dma_wait3A_37 = tpu.memref_slice %arg8[%dma_wait3A, %dma_wait3A_36] : memref<128x128xf32, #tpu.memory_space<vmem>> -> memref<128x128xf32, #tpu.memory_space<vmem>>
    %dma_wait3A_38 = arith.constant 0 : i32
    %dma_wait3A_39 = arith.constant 0 : i32
    %dma_wait3A_40 = tpu.memref_slice %arg5[%dma_wait3A_38, %dma_wait3A_39] : memref<1000000x128xf32, #tpu.memory_space<hbm>> -> memref<128x128xf32, #tpu.memory_space<hbm>>
    %dma_wait3A_41 = arith.constant 0 : i32
    %dma_wait3A_42 = arith.constant 0 : i32
    %dma_wait3A_43 = tpu.memref_slice %arg5[%dma_wait3A_41, %dma_wait3A_42] : memref<1000000x128xf32, #tpu.memory_space<hbm>> -> memref<128x128xf32, #tpu.memory_space<hbm>>
    %dma_wait3A_44 = arith.constant 0 : i32
    %dma_wait3A_45 = arith.constant 0 : i32
    %dma_wait3A_46 = tpu.memref_slice %arg8[%dma_wait3A_44, %dma_wait3A_45] : memref<128x128xf32, #tpu.memory_space<vmem>> -> memref<128x128xf32, #tpu.memory_space<vmem>>
    tpu.wait_dma2 semaphore(%arg13 : memref<!tpu.dma_semaphore, #tpu.memory_space<semaphore_mem>>) src(%dma_wait3A_46 : memref<128x128xf32, #tpu.memory_space<vmem>>) dst(%dma_wait3A_43 : memref<128x128xf32, #tpu.memory_space<hbm>>)
    %dma_wait3A_47 = arith.constant 0 : i32
    %dma_wait3A_48 = arith.constant 0 : i32
    %dma_wait3A_49 = tpu.memref_slice %arg9[%dma_wait3A_47, %dma_wait3A_48] : memref<128x128xf32, #tpu.memory_space<vmem>> -> memref<128x128xf32, #tpu.memory_space<vmem>>
    %dma_wait3A_50 = arith.constant 0 : i32
    %dma_wait3A_51 = arith.constant 0 : i32
    %dma_wait3A_52 = tpu.memref_slice %arg5[%dma_wait3A_50, %dma_wait3A_51] : memref<1000000x128xf32, #tpu.memory_space<hbm>> -> memref<128x128xf32, #tpu.memory_space<hbm>>
    %dma_wait3A_53 = arith.constant 0 : i32
    %dma_wait3A_54 = arith.constant 0 : i32
    %dma_wait3A_55 = tpu.memref_slice %arg5[%dma_wait3A_53, %dma_wait3A_54] : memref<1000000x128xf32, #tpu.memory_space<hbm>> -> memref<128x128xf32, #tpu.memory_space<hbm>>
    %dma_wait3A_56 = arith.constant 0 : i32
    %dma_wait3A_57 = arith.constant 0 : i32
    %dma_wait3A_58 = tpu.memref_slice %arg9[%dma_wait3A_56, %dma_wait3A_57] : memref<128x128xf32, #tpu.memory_space<vmem>> -> memref<128x128xf32, #tpu.memory_space<vmem>>
    tpu.wait_dma2 semaphore(%arg14 : memref<!tpu.dma_semaphore, #tpu.memory_space<semaphore_mem>>) src(%dma_wait3A_58 : memref<128x128xf32, #tpu.memory_space<vmem>>) dst(%dma_wait3A_55 : memref<128x128xf32, #tpu.memory_space<hbm>>)
    %lt3A = arith.constant 4 : i32
    %lt3A_59 = arith.cmpi slt, %add3A, %lt3A : i32
    %convert_element_type3A = arith.extui %lt3A_59 : i1 to i32
    %cond3A = arith.constant 0 : i32
    %cond3A_60 = arith.cmpi ne, %convert_element_type3A, %cond3A : i32
    scf.if %cond3A_60 {
      %add3A_65 = arith.constant 7808 : i32
      %add3A_66 = arith.addi %add3A_65, %add3A : i32
      %mul3A_67 = arith.constant 128 : i32
      %mul3A_68 = arith.muli %add3A_66, %mul3A_67 : i32
      %multiple_of3A_69 = tpu.assume_multiple %mul3A_68, 128 : i32
      %dma_start3A_70 = arith.constant 0 : i32
      %dma_start3A_71 = tpu.memref_slice %arg2[%dma_start3A_70, %multiple_of3A_69] : memref<64x1000000xf32, #tpu.memory_space<hbm>> -> memref<64x128xf32, #tpu.memory_space<hbm>>
      %dma_start3A_72 = arith.constant 0 : i32
      %dma_start3A_73 = tpu.memref_slice %arg2[%dma_start3A_72, %multiple_of3A_69] : memref<64x1000000xf32, #tpu.memory_space<hbm>> -> memref<64x128xf32, #tpu.memory_space<hbm>>
      tpu.enqueue_dma source(%dma_start3A_73 : memref<64x128xf32, #tpu.memory_space<hbm>>) target(%arg6 : memref<64x128xf32, #tpu.memory_space<vmem>>) target_semaphore(%arg11 : memref<!tpu.dma_semaphore, #tpu.memory_space<semaphore_mem>>)
      %mul3A_74 = arith.constant 128 : i32
      %mul3A_75 = arith.muli %add3A_66, %mul3A_74 : i32
      %multiple_of3A_76 = tpu.assume_multiple %mul3A_75, 128 : i32
      %dma_wait3A_77 = arith.constant 0 : i32
      %dma_wait3A_78 = tpu.memref_slice %arg2[%dma_wait3A_77, %multiple_of3A_76] : memref<64x1000000xf32, #tpu.memory_space<hbm>> -> memref<64x128xf32, #tpu.memory_space<hbm>>
      %dma_wait3A_79 = arith.constant 0 : i32
      %dma_wait3A_80 = tpu.memref_slice %arg2[%dma_wait3A_79, %multiple_of3A_76] : memref<64x1000000xf32, #tpu.memory_space<hbm>> -> memref<64x128xf32, #tpu.memory_space<hbm>>
      tpu.wait_dma2 semaphore(%arg11 : memref<!tpu.dma_semaphore, #tpu.memory_space<semaphore_mem>>) src(%dma_wait3A_80 : memref<64x128xf32, #tpu.memory_space<hbm>>) dst(%arg6 : memref<64x128xf32, #tpu.memory_space<vmem>>)
      %parallel_loop3A = arith.constant 0 : i32
      %parallel_loop3A_81 = arith.constant 128 : i32
      %parallel_loop3A_82 = arith.constant 1 : i32
      scf.for %parallel_loop3A_107 = %parallel_loop3A to %parallel_loop3A_81 step %parallel_loop3A_82  : i32 {
        %parallel_loop3A_108 = vector.broadcast %parallel_loop3A_107 : i32 to vector<16xi32>
        %parallel_loop3A_109 = arith.addi %parallel_loop3A_108, %add3A_4 : vector<16xi32>
        %parallel_loop3A_110 = arith.constant 127 : i32
        %parallel_loop3A_111 = vector.broadcast %parallel_loop3A_110 : i32 to vector<16xi32>
        %parallel_loop3A_112 = arith.andi %parallel_loop3A_109, %parallel_loop3A_111 : vector<16xi32>
        %parallel_loop3A_113 = tpu.vector_load_idx %arg6[%add3A_4, %parallel_loop3A_112] : memref<64x128xf32, #tpu.memory_space<vmem>>[vector<16xi32>, vector<16xi32>], vector<16xf32>,
        %parallel_loop3A_114 = vector.broadcast %squeeze3A : f32 to vector<16xf32>
        %parallel_loop3A_115 = arith.mulf %parallel_loop3A_113, %parallel_loop3A_114 : vector<16xf32>
        tpu.vector_store_idx %arg8[%parallel_loop3A_112, %add3A_4], %parallel_loop3A_115 : memref<128x128xf32, #tpu.memory_space<vmem>>[vector<16xi32>, vector<16xi32>], vector<16xf32>,
        %parallel_loop3A_116 = arith.addi %parallel_loop3A_108, %add3A_8 : vector<16xi32>
        %parallel_loop3A_117 = arith.constant 127 : i32
        %parallel_loop3A_118 = vector.broadcast %parallel_loop3A_117 : i32 to vector<16xi32>
        %parallel_loop3A_119 = arith.andi %parallel_loop3A_116, %parallel_loop3A_118 : vector<16xi32>
        %parallel_loop3A_120 = tpu.vector_load_idx %arg6[%add3A_8, %parallel_loop3A_119] : memref<64x128xf32, #tpu.memory_space<vmem>>[vector<16xi32>, vector<16xi32>], vector<16xf32>,
        %parallel_loop3A_121 = vector.broadcast %squeeze3A : f32 to vector<16xf32>
        %parallel_loop3A_122 = arith.mulf %parallel_loop3A_120, %parallel_loop3A_121 : vector<16xf32>
        tpu.vector_store_idx %arg8[%parallel_loop3A_119, %add3A_8], %parallel_loop3A_122 : memref<128x128xf32, #tpu.memory_space<vmem>>[vector<16xi32>, vector<16xi32>], vector<16xf32>,
        %parallel_loop3A_123 = arith.addi %parallel_loop3A_108, %add3A_12 : vector<16xi32>
        %parallel_loop3A_124 = arith.constant 127 : i32
        %parallel_loop3A_125 = vector.broadcast %parallel_loop3A_124 : i32 to vector<16xi32>
        %parallel_loop3A_126 = arith.andi %parallel_loop3A_123, %parallel_loop3A_125 : vector<16xi32>
        %parallel_loop3A_127 = tpu.vector_load_idx %arg6[%add3A_12, %parallel_loop3A_126] : memref<64x128xf32, #tpu.memory_space<vmem>>[vector<16xi32>, vector<16xi32>], vector<16xf32>,
        %parallel_loop3A_128 = vector.broadcast %squeeze3A : f32 to vector<16xf32>
        %parallel_loop3A_129 = arith.mulf %parallel_loop3A_127, %parallel_loop3A_128 : vector<16xf32>
        tpu.vector_store_idx %arg8[%parallel_loop3A_126, %add3A_12], %parallel_loop3A_129 : memref<128x128xf32, #tpu.memory_space<vmem>>[vector<16xi32>, vector<16xi32>], vector<16xf32>,
        %parallel_loop3A_130 = arith.addi %parallel_loop3A_108, %add3A_16 : vector<16xi32>
        %parallel_loop3A_131 = arith.constant 127 : i32
        %parallel_loop3A_132 = vector.broadcast %parallel_loop3A_131 : i32 to vector<16xi32>
        %parallel_loop3A_133 = arith.andi %parallel_loop3A_130, %parallel_loop3A_132 : vector<16xi32>
        %parallel_loop3A_134 = tpu.vector_load_idx %arg6[%add3A_16, %parallel_loop3A_133] : memref<64x128xf32, #tpu.memory_space<vmem>>[vector<16xi32>, vector<16xi32>], vector<16xf32>,
        %parallel_loop3A_135 = vector.broadcast %squeeze3A : f32 to vector<16xf32>
        %parallel_loop3A_136 = arith.mulf %parallel_loop3A_134, %parallel_loop3A_135 : vector<16xf32>
        tpu.vector_store_idx %arg8[%parallel_loop3A_133, %add3A_16], %parallel_loop3A_136 : memref<128x128xf32, #tpu.memory_space<vmem>>[vector<16xi32>, vector<16xi32>], vector<16xf32>,
      } {sc.loop_unroll_factor = 8 : i64, sc.parallel_access}
      %mul3A_83 = arith.constant 128 : i32
      %mul3A_84 = arith.muli %add3A_66, %mul3A_83 : i32
      %dma_start3A_85 = arith.constant 0 : i32
      %dma_start3A_86 = arith.constant 0 : i32
      %dma_start3A_87 = tpu.memref_slice %arg8[%dma_start3A_85, %dma_start3A_86] : memref<128x128xf32, #tpu.memory_space<vmem>> -> memref<128x128xf32, #tpu.memory_space<vmem>>
      %dma_start3A_88 = arith.constant 0 : i32
      %dma_start3A_89 = tpu.memref_slice %arg5[%mul3A_84, %dma_start3A_88] : memref<1000000x128xf32, #tpu.memory_space<hbm>> -> memref<128x128xf32, #tpu.memory_space<hbm>>
      %dma_start3A_90 = arith.constant 0 : i32
      %dma_start3A_91 = tpu.memref_slice %arg5[%mul3A_84, %dma_start3A_90] : memref<1000000x128xf32, #tpu.memory_space<hbm>> -> memref<128x128xf32, #tpu.memory_space<hbm>>
      %dma_start3A_92 = arith.constant 0 : i32
      %dma_start3A_93 = arith.constant 0 : i32
      %dma_start3A_94 = tpu.memref_slice %arg8[%dma_start3A_92, %dma_start3A_93] : memref<128x128xf32, #tpu.memory_space<vmem>> -> memref<128x128xf32, #tpu.memory_space<vmem>>
      tpu.enqueue_dma source(%dma_start3A_94 : memref<128x128xf32, #tpu.memory_space<vmem>>) target(%dma_start3A_91 : memref<128x128xf32, #tpu.memory_space<hbm>>) target_semaphore(%arg13 : memref<!tpu.dma_semaphore, #tpu.memory_space<semaphore_mem>>)
      %dma_wait3A_95 = arith.constant 0 : i32
      %dma_wait3A_96 = arith.constant 0 : i32
      %dma_wait3A_97 = tpu.memref_slice %arg8[%dma_wait3A_95, %dma_wait3A_96] : memref<128x128xf32, #tpu.memory_space<vmem>> -> memref<128x128xf32, #tpu.memory_space<vmem>>
      %dma_wait3A_98 = arith.constant 0 : i32
      %dma_wait3A_99 = arith.constant 0 : i32
      %dma_wait3A_100 = tpu.memref_slice %arg5[%dma_wait3A_98, %dma_wait3A_99] : memref<1000000x128xf32, #tpu.memory_space<hbm>> -> memref<128x128xf32, #tpu.memory_space<hbm>>
      %dma_wait3A_101 = arith.constant 0 : i32
      %dma_wait3A_102 = arith.constant 0 : i32
      %dma_wait3A_103 = tpu.memref_slice %arg5[%dma_wait3A_101, %dma_wait3A_102] : memref<1000000x128xf32, #tpu.memory_space<hbm>> -> memref<128x128xf32, #tpu.memory_space<hbm>>
      %dma_wait3A_104 = arith.constant 0 : i32
      %dma_wait3A_105 = arith.constant 0 : i32
      %dma_wait3A_106 = tpu.memref_slice %arg8[%dma_wait3A_104, %dma_wait3A_105] : memref<128x128xf32, #tpu.memory_space<vmem>> -> memref<128x128xf32, #tpu.memory_space<vmem>>
      tpu.wait_dma2 semaphore(%arg13 : memref<!tpu.dma_semaphore, #tpu.memory_space<semaphore_mem>>) src(%dma_wait3A_106 : memref<128x128xf32, #tpu.memory_space<vmem>>) dst(%dma_wait3A_103 : memref<128x128xf32, #tpu.memory_space<hbm>>)
    } else {
    }
    %eq3A = arith.constant 4 : i32
    %eq3A_61 = arith.cmpi eq, %add3A, %eq3A : i32
    %convert_element_type3A_62 = arith.extui %eq3A_61 : i1 to i32
    %cond3A_63 = arith.constant 0 : i32
    %cond3A_64 = arith.cmpi ne, %convert_element_type3A_62, %cond3A_63 : i32
    scf.if %cond3A_64 {
      tpu.enqueue_dma source(%arg3 : memref<64x64xf32, #tpu.memory_space<hbm>>) target(%arg10 : memref<64x64xf32, #tpu.memory_space<vmem>>) target_semaphore(%arg12 : memref<!tpu.dma_semaphore, #tpu.memory_space<semaphore_mem>>)
      tpu.wait_dma2 semaphore(%arg12 : memref<!tpu.dma_semaphore, #tpu.memory_space<semaphore_mem>>) src(%arg3 : memref<64x64xf32, #tpu.memory_space<hbm>>) dst(%arg10 : memref<64x64xf32, #tpu.memory_space<vmem>>)
      %parallel_loop3A = arith.constant 0 : i32
      %parallel_loop3A_65 = arith.constant 64 : i32
      %parallel_loop3A_66 = arith.constant 1 : i32
      scf.for %parallel_loop3A_91 = %parallel_loop3A to %parallel_loop3A_65 step %parallel_loop3A_66  : i32 {
        %parallel_loop3A_92 = arith.index_cast %parallel_loop3A_91 : i32 to index
        %parallel_loop3A_93 = arith.constant 0 : index
        %parallel_loop3A_94 = tpu.vector_load %arg10[%parallel_loop3A_92, %parallel_loop3A_93] {strides = array<i32>} : memref<64x64xf32, #tpu.memory_space<vmem>>, vector<16xf32>,
        %parallel_loop3A_95 = arith.index_cast %parallel_loop3A_91 : i32 to index
        %parallel_loop3A_96 = arith.constant 0 : index
        %parallel_loop3A_97 = tpu.vector_load %arg9[%parallel_loop3A_95, %parallel_loop3A_96] {strides = array<i32>} : memref<128x128xf32, #tpu.memory_space<vmem>>, vector<16xf32>,
        tpu.vector_store %arg9[%parallel_loop3A_95, %parallel_loop3A_96], %parallel_loop3A_94 {strides = array<i32>} : memref<128x128xf32, #tpu.memory_space<vmem>>, vector<16xf32>,
        %parallel_loop3A_98 = arith.index_cast %parallel_loop3A_91 : i32 to index
        %parallel_loop3A_99 = arith.constant 16 : index
        %parallel_loop3A_100 = tpu.vector_load %arg10[%parallel_loop3A_98, %parallel_loop3A_99] {strides = array<i32>} : memref<64x64xf32, #tpu.memory_space<vmem>>, vector<16xf32>,
        %parallel_loop3A_101 = arith.index_cast %parallel_loop3A_91 : i32 to index
        %parallel_loop3A_102 = arith.constant 16 : index
        %parallel_loop3A_103 = tpu.vector_load %arg9[%parallel_loop3A_101, %parallel_loop3A_102] {strides = array<i32>} : memref<128x128xf32, #tpu.memory_space<vmem>>, vector<16xf32>,
        tpu.vector_store %arg9[%parallel_loop3A_101, %parallel_loop3A_102], %parallel_loop3A_100 {strides = array<i32>} : memref<128x128xf32, #tpu.memory_space<vmem>>, vector<16xf32>,
        %parallel_loop3A_104 = arith.index_cast %parallel_loop3A_91 : i32 to index
        %parallel_loop3A_105 = arith.constant 32 : index
        %parallel_loop3A_106 = tpu.vector_load %arg10[%parallel_loop3A_104, %parallel_loop3A_105] {strides = array<i32>} : memref<64x64xf32, #tpu.memory_space<vmem>>, vector<16xf32>,
        %parallel_loop3A_107 = arith.index_cast %parallel_loop3A_91 : i32 to index
        %parallel_loop3A_108 = arith.constant 32 : index
        %parallel_loop3A_109 = tpu.vector_load %arg9[%parallel_loop3A_107, %parallel_loop3A_108] {strides = array<i32>} : memref<128x128xf32, #tpu.memory_space<vmem>>, vector<16xf32>,
        tpu.vector_store %arg9[%parallel_loop3A_107, %parallel_loop3A_108], %parallel_loop3A_106 {strides = array<i32>} : memref<128x128xf32, #tpu.memory_space<vmem>>, vector<16xf32>,
        %parallel_loop3A_110 = arith.index_cast %parallel_loop3A_91 : i32 to index
        %parallel_loop3A_111 = arith.constant 48 : index
        %parallel_loop3A_112 = tpu.vector_load %arg10[%parallel_loop3A_110, %parallel_loop3A_111] {strides = array<i32>} : memref<64x64xf32, #tpu.memory_space<vmem>>, vector<16xf32>,
        %parallel_loop3A_113 = arith.index_cast %parallel_loop3A_91 : i32 to index
        %parallel_loop3A_114 = arith.constant 48 : index
        %parallel_loop3A_115 = tpu.vector_load %arg9[%parallel_loop3A_113, %parallel_loop3A_114] {strides = array<i32>} : memref<128x128xf32, #tpu.memory_space<vmem>>, vector<16xf32>,
        tpu.vector_store %arg9[%parallel_loop3A_113, %parallel_loop3A_114], %parallel_loop3A_112 {strides = array<i32>} : memref<128x128xf32, #tpu.memory_space<vmem>>, vector<16xf32>,
      } {sc.loop_unroll_factor = 1 : i64, sc.parallel_access}
      %dma_start3A_67 = arith.constant 0 : i32
      %dma_start3A_68 = arith.constant 0 : i32
      %dma_start3A_69 = tpu.memref_slice %arg9[%dma_start3A_67, %dma_start3A_68] : memref<128x128xf32, #tpu.memory_space<vmem>> -> memref<64x128xf32, #tpu.memory_space<vmem>>
      %dma_start3A_70 = arith.constant 999936 : i32
      %dma_start3A_71 = arith.constant 0 : i32
      %dma_start3A_72 = tpu.memref_slice %arg5[%dma_start3A_70, %dma_start3A_71] : memref<1000000x128xf32, #tpu.memory_space<hbm>> -> memref<64x128xf32, #tpu.memory_space<hbm>>
      %dma_start3A_73 = arith.constant 999936 : i32
      %dma_start3A_74 = arith.constant 0 : i32
      %dma_start3A_75 = tpu.memref_slice %arg5[%dma_start3A_73, %dma_start3A_74] : memref<1000000x128xf32, #tpu.memory_space<hbm>> -> memref<64x128xf32, #tpu.memory_space<hbm>>
      %dma_start3A_76 = arith.constant 0 : i32
      %dma_start3A_77 = arith.constant 0 : i32
      %dma_start3A_78 = tpu.memref_slice %arg9[%dma_start3A_76, %dma_start3A_77] : memref<128x128xf32, #tpu.memory_space<vmem>> -> memref<64x128xf32, #tpu.memory_space<vmem>>
      tpu.enqueue_dma source(%dma_start3A_78 : memref<64x128xf32, #tpu.memory_space<vmem>>) target(%dma_start3A_75 : memref<64x128xf32, #tpu.memory_space<hbm>>) target_semaphore(%arg14 : memref<!tpu.dma_semaphore, #tpu.memory_space<semaphore_mem>>)
      %dma_wait3A_79 = arith.constant 0 : i32
      %dma_wait3A_80 = arith.constant 0 : i32
      %dma_wait3A_81 = tpu.memref_slice %arg9[%dma_wait3A_79, %dma_wait3A_80] : memref<128x128xf32, #tpu.memory_space<vmem>> -> memref<64x128xf32, #tpu.memory_space<vmem>>
      %dma_wait3A_82 = arith.constant 0 : i32
      %dma_wait3A_83 = arith.constant 0 : i32
      %dma_wait3A_84 = tpu.memref_slice %arg5[%dma_wait3A_82, %dma_wait3A_83] : memref<1000000x128xf32, #tpu.memory_space<hbm>> -> memref<64x128xf32, #tpu.memory_space<hbm>>
      %dma_wait3A_85 = arith.constant 0 : i32
      %dma_wait3A_86 = arith.constant 0 : i32
      %dma_wait3A_87 = tpu.memref_slice %arg5[%dma_wait3A_85, %dma_wait3A_86] : memref<1000000x128xf32, #tpu.memory_space<hbm>> -> memref<64x128xf32, #tpu.memory_space<hbm>>
      %dma_wait3A_88 = arith.constant 0 : i32
      %dma_wait3A_89 = arith.constant 0 : i32
      %dma_wait3A_90 = tpu.memref_slice %arg9[%dma_wait3A_88, %dma_wait3A_89] : memref<128x128xf32, #tpu.memory_space<vmem>> -> memref<64x128xf32, #tpu.memory_space<vmem>>
      tpu.wait_dma2 semaphore(%arg14 : memref<!tpu.dma_semaphore, #tpu.memory_space<semaphore_mem>>) src(%dma_wait3A_90 : memref<64x128xf32, #tpu.memory_space<vmem>>) dst(%dma_wait3A_87 : memref<64x128xf32, #tpu.memory_space<hbm>>)
    } else {
    }
    return
  }
}

</mosaic_0001>

<sc_bundles>
// kernel: kernel.4.cloned.1.call-start
scs
__scs_entry_jumppad:
0x0: {  	(pc) =	sbr.rel $0x88, $3  }
0x1: {  	(tag) =	ssettag $0x0;
	lr =	simm.s32 $0x1  }
0x2: {  	[smem:$0x3F9F] =	sst lr;
	_ =	strace $0xD0000000  }
0x3: {  	_ = 	snop  }
0x4: {  	_ = 	snop  }
0x5: {  	_ = 	snop  }
0x6: {  	_ = 	snop  }
0x7: {  	_ = 	snop  }
__scs_overlays_trampoline_lowered:
0x8: {  	[smem:$0x3FAE] =	sst s0  }
0x9: {  	[smem:$0x3FAF] =	sst s1  }
0xa: {  	[smem:$0x3FB0] =	sst s2  }
0xb: {  	[smem:$0x3FB1] =	sst s3  }
0xc: {  	[smem:$0x3FB2] =	sst s4  }
0xd: {  	[smem:$0x3FB3] =	sst s5  }
0xe: {  	[smem:$0x3FB4] =	sst s6  }
0xf: {  	[smem:$0x3FB5] =	sst s7  }
0x10: {  	[smem:$0x3FB6] =	sst s8  }
0x11: {  	[smem:$0x3FB7] =	sst s9;
	s0 =	simm.s32 @!p0 $0x0  }
0x12: {  	s1 =	sld [smem:$0x3F9D];
	s0 =	simm.s32 @p0 $0x1  }
0x13: {  	[smem:$0x3FB8] =	sst s0;
	s0 =	simm.s32 @!p1 $0x0  }
0x14: {  	s2 =	sld [smem:$0x3F9C];
	s0 =	simm.s32 @p1 $0x1  }
0x15: {  	[smem:$0x3FB9] =	sst s0;
	s0 =	simm.s32 @!p2 $0x0  }
0x16: {  	s3 =	sld [smem:$0x3FDB];
	s0 =	simm.s32 @p2 $0x1  }
0x17: {  	s4 =	simm.s32 $0x1BF5;
	[smem:$0x3FBB] =	sst s0  }
0x18: {  	s0 =	sld [smem:$0x3F9E];
	_ =	swait.ge [sflag:s4], $0x0  }
0x19: {  	s7 =	sld [smem:$0x3F9F]  }
0x1a: {  	s8 =	sadd.s32 $0xFFFFE003, lr  }
0x1b: {  	s9 =	sadd.s32 $0xFFFFFEF7, lr;
	s5 =	simm.s32 $0xFFFFFFFF;
	p2 =	slt.u32 s8, $0xFFFFF086  }
0x1c: {  	p1 =	slt.u32 s9, $0xF7A;
	s5 =	simm.s32 @!p2 $0x0  }
0x1d: {  	s5 =	simm.s32 @p1 $0x1;
	p0 =	seq.s32 s7, s2  }
0x1e: {  	s7 =	smul.u32 @!p0 $0xF7A, s2;
	p2 =	seq.s32 @!p0 s5, $0x0  }
0x1f: {  	s9 =	smul.u32 $0xF7A, s1;
	s8 =	simm.s32 @!p0 $0x1BF5;
	p2 =	por !p2, p0  }
0x20: {  	[sflag:s8] =	ssyncset.s32 @!p0 $0xFFFFF086;
	s6 =	sadd.s32 @!p0 s3, s7;
	s7 =	simm.s32 @!p0 $0x108  }
0x21: {  	s3 =	sadd.s32 s3, s9;
	s6 =	sadd.s32 @!p0 $0x88, s6;
	s7 =	simm.s32 @p2 $0x1082  }
0x22: {  	[simem:s7], [sflag:s8] =	dma.local @!p0 [hbm:s6], $0xF7A  }
0x23: {  	s9 =	sor.u32 $0xD0000000, s2;
	s6 =	simm.s32 $0x108;
	_ =	swait.ge @!p0 [sflag:s8], $0x0  }
0x24: {  	s3 =	sadd.s32 $0x88, s3;
	s6 =	simm.s32 @!p1 $0x1082;
	[sflag:s4] =	ssyncset.s32 $0xFFFFF086  }
0x25: {  	[simem:s6], [sflag:s4] =	dma.local [hbm:s3], $0xF7A  }
0x26: {  	[smem:$0x3F9F] =	sst s1;
	(tag) =	ssettag s2;
	_ =	strace s9  }
0x27: {  	s1 =	sld [smem:$0x3FAF]  }
0x28: {  	s2 =	sld [smem:$0x3FB0]  }
0x29: {  	s4 =	sld [smem:$0x3FB2]  }
0x2a: {  	p0 =	seq.s32 s5, $0x0;
	s5 =	sld [smem:$0x3FB3]  }
0x2b: {  	s6 =	sld [smem:$0x3FB4]  }
0x2c: {  	s7 =	sld [smem:$0x3FB5]  }
0x2d: {  	s3 =	simm.s32 $0x108;
	s8 =	sld [smem:$0x3FB6]  }
0x2e: {  	s3 =	simm.s32 @!p0 $0x1082;
	s9 =	sld [smem:$0x3FB7]  }
0x2f: {  	lr =	sadd.s32 s0, s3;
	s0 =	sld [smem:$0x3FAE]  }
0x30: {  	s3 =	sld [smem:$0x3FB1]  }
0x31: {  	[smem:$0x3FBA] =	sst s10  }
0x32: {  	s10 =	sld [smem:$0x3FB8];
	_ =	sdelay $0x3  }
0x33: {  	p0 =	seq.s32 s10, $0x1;
	s10 =	sld [smem:$0x3FBA];
	_ =	sdelay $0x3  }
0x34: {  	[smem:$0x3FBA] =	sst s10  }
0x35: {  	s10 =	sld [smem:$0x3FB9];
	_ =	sdelay $0x3  }
0x36: {  	p1 =	seq.s32 s10, $0x1;
	s10 =	sld [smem:$0x3FBA];
	_ =	sdelay $0x3  }
0x37: {  	[smem:$0x3FBA] =	sst s10  }
0x38: {  	s10 =	sld [smem:$0x3FBB]  }
0x39: {  	_ = 	snop;
	(pc) =	sbr.ind lr, $3  }
0x3a: {  	_ = 	snop  }
0x3b: {  	_ = 	snop  }
0x3c: {  	p2 =	seq.s32 s10, $0x1;
	s10 =	sld [smem:$0x3FBA]  }
0x3d: {  	_ =	shalt  }
0x3e: {  	_ =	shalt  }
0x3f: {  	_ =	shalt  }
0x40: {  	_ =	shalt  }
0x41: {  	_ =	shalt  }
0x42: {  	_ =	shalt  }
0x43: {  	_ =	shalt  }
0x44: {  	_ =	shalt  }
0x45: {  	_ =	shalt  }
0x46: {  	_ =	shalt  }
0x47: {  	_ =	shalt  }
0x48: {  	_ =	shalt  }
0x49: {  	_ =	shalt  }
0x4a: {  	_ =	shalt  }
0x4b: {  	_ =	shalt  }
0x4c: {  	_ =	shalt  }
0x4d: {  	_ =	shalt  }
0x4e: {  	_ =	shalt  }
0x4f: {  	_ =	shalt  }
0x50: {  	_ =	shalt  }
0x51: {  	_ =	shalt  }
0x52: {  	_ =	shalt  }
0x53: {  	_ =	shalt  }
0x54: {  	_ =	shalt  }
0x55: {  	_ =	shalt  }
0x56: {  	_ =	shalt  }
0x57: {  	_ =	shalt  }
0x58: {  	_ =	shalt  }
0x59: {  	_ =	shalt  }
0x5a: {  	_ =	shalt  }
0x5b: {  	_ =	shalt  }
0x5c: {  	_ =	shalt  }
0x5d: {  	_ =	shalt  }
0x5e: {  	_ =	shalt  }
0x5f: {  	_ =	shalt  }
0x60: {  	_ =	shalt  }
0x61: {  	_ =	shalt  }
0x62: {  	_ =	shalt  }
0x63: {  	_ =	shalt  }
0x64: {  	_ =	shalt  }
0x65: {  	_ =	shalt  }
0x66: {  	_ =	shalt  }
0x67: {  	_ =	shalt  }
0x68: {  	_ =	shalt  }
0x69: {  	_ =	shalt  }
0x6a: {  	_ =	shalt  }
0x6b: {  	_ =	shalt  }
0x6c: {  	_ =	shalt  }
0x6d: {  	_ =	shalt  }
0x6e: {  	_ =	shalt  }
0x6f: {  	_ =	shalt  }
0x70: {  	_ =	shalt  }
0x71: {  	_ =	shalt  }
0x72: {  	_ =	shalt  }
0x73: {  	_ =	shalt  }
0x74: {  	_ =	shalt  }
0x75: {  	_ =	shalt  }
0x76: {  	_ =	shalt  }
0x77: {  	_ =	shalt  }
0x78: {  	_ =	shalt  }
0x79: {  	_ =	shalt  }
0x7a: {  	_ =	shalt  }
0x7b: {  	_ =	shalt  }
0x7c: {  	_ =	shalt  }
0x7d: {  	_ =	shalt  }
0x7e: {  	_ =	shalt  }
0x7f: {  	_ =	shalt  }
0x80: {  	_ =	shalt  }
0x81: {  	_ =	shalt  }
0x82: {  	_ =	shalt  }
0x83: {  	_ =	shalt  }
0x84: {  	_ =	shalt  }
0x85: {  	_ =	shalt  }
0x86: {  	_ =	shalt  }
0x87: {  	_ =	shalt  }
.Lfunc_end0:
.L_simem_size_0:
called_computation.1_lowered:
.L_overlay_start_0:
0x88: {  	s2 =	sld [smem:$0x3FD9]  }
0x89: {  	s3 =	sld [smem:$0x3FFE];
	_ =	sdelay $0x1  }
0x8a: {  	s1 =	srdreg.scid  }
0x8b: {  	s0 =	sand.u32 $0x1, s1  }
0x8c: {  	s17 =	sshll.u32 s0, $0xA;
	s2 =	sadd.s32 s3, s2  }
0x8d: {  	s2 =	sadd.s32 s2, s17  }
0x8e: {  	[smem:$0x3FC6] =	sst s2  }
0x8f: {  	_ = 	snop  }
0x90: {  	s2 =	sld [smem:$0x3FC8];
	(tm) =	ssettm $0x1  }
0x91: {  	s18 =	sld [smem:$0x3FFB];
	_ =	sdelay $0x3  }
0x92: {  	_ =	strace s18  }
0x93: {  	s3 =	sld [smem:$0x3FFC];
	_ =	sdelay $0x3  }
0x94: {  	_ =	strace s3  }
0x95: {  	s3 =	sld [smem:$0x3FFD];
	_ =	sdelay $0x3  }
0x96: {  	_ =	strace s3  }
0x97: {  	_ =	strace $0x8FFFFFFF  }
0x98: {  	s19 =	sld [smem:$0x3FDB];
	_ =	sdelay $0x1  }
0x99: {  	s4 =	simm.s32 $_scs_section_size  }
0x9a: {  	s5 =	simm.s32 $_size__tile_overlayer_lowered;
	s6 =	simm.s32 $_tile_overlayer_lowered  }
0x9b: {  	s22 =	simm.s32 $0x1BFF;
	s21 =	sshll.u32 s6, $0x1;
	s3 =	sadd.s32 s4, s19  }
0x9c: {  	s7 =	simm.s32 $0x0;
	s20 =	sshll.u32 s5, $0x1;
	s5 =	sadd.s32 s21, s3  }
0x9d: {  	[timem:s7], [sflag:s22] =	dma.local [hbm:s5], s20  }
0x9e: {  	_ =	swait.ge [sflag:s22], s20  }
0x9f: {  	s4 =	ssub.s32 $0x0, s20;
	[sflag:s22] =	ssyncset.done $0x0  }
0xa0: {  	[sflag:s22] =	ssyncadd.s32 s4;
	_ =	sdelay $0x1  }
0xa1: {  	s23 =	simm.s32 $0x1B8B  }
0xa2: {  	_ =	swait.ge [sflag:s23], $0x1  }
0xa3: {  	[sflag:s23] =	ssyncset.done $0x0  }
0xa4: {  	s25 =	simm.s32 $0x1B8E;
	s24 =	sld [smem:$0x3FFE];
	[sflag:s23] =	ssyncadd.s32 $0xFFFFFFFF  }
0xa5: {  	s26 =	simm.s32 $execute0_lowered;
	[smem:$0x3FD2] =	sst s25  }
0xa6: {  	s5 =	sshll.u32 s26, $0x1;
	_ =	strace $0x80000046;
	[dreg:$0x1] =	wrdreg $0xFFFFFFFF  }
0xa7: {  	s28 =	simm.s32 $_size_execute0_lowered;
	s3 =	sadd.s32 s3, s5;
	[dreg:$0x0] =	wrdreg $0x0  }
0xa8: {  	s5 =	sshll.u32 s28, $0x1;
	[dreg:$0x2] =	wrdreg s3  }
0xa9: {  	[dreg:$0x3] =	wrdreg s5  }
0xaa: {  	[dreg:$0x4] =	wrdreg $0xC0  }
0xab: {  	_ =	task [dreg:s7], $0x5FFFF  }
0xac: {  	[dreg:$0x1] =	wrdreg $0xFFFFFFFF  }
0xad: {  	[dreg:$0x0] =	wrdreg $0x60  }
0xae: {  	[dreg:$0x2] =	wrdreg s2  }
0xaf: {  	[dreg:$0x3] =	wrdreg s24  }
0xb0: {  	[dreg:$0x4] =	wrdreg $0x9  }
0xb1: {  	_ =	task.clear_ibuf [dreg:s7], $0x5FFFF;
	_ =	strace $0x90000046  }
0xb2: {  	s29 =	simm.s32 $0x9;
	_ =	strace $0x80000048  }
0xb3: {  	_ =	swait.ge [sflag:s29], $0x1  }
0xb4: {  	[sflag:s29] =	ssyncadd.s32 $0xFFFFFFFF  }
0xb5: {  	_ =	strace $0x90000048  }
0xb6: {  	_ =	sfence  }
0xb7: {  	s30 =	sld [smem:$0x0];
	_ =	sdelay $0x2  }
0xb8: {  	s31 =	sshll.u32 s1, $0xD;
	s1 =	sshrl.u32 s1, $0x2  }
0xb9: {  	s3 =	sand.u32 $0x4000, s31;
	s1 =	sadd.s32 s1, s30  }
0xba: {  	s0 =	sor.u32 s3, s0;
	s1 =	sshll.u32 s1, $0x11  }
0xbb: {  	s0 =	sor.u32 s1, s0  }
0xbc: {  	s0 =	sadd.s32 $0x8F2B, s0  }
0xbd: {  	[sflag:s0] =	ssyncadd.remote.s32 $0x1  }
0xbe: {  	_ =	sfence.sel $0xFFFF  }
0xbf: {  	[dreg:$0x0] =	wrdreg $0xFFFFFFFF;
	(pc) =	sbr.abs _section_cstart, $3  }
0xc0: {  	[dreg:$0x1] =	wrdreg $0xFFFFFFFF  }
0xc1: {  	_ =	task.clear_ibuf [dreg:s7], $0x2FFFF;
	_ =	strace $0x9FFFFFFF  }
0xc2: {  	(tm) =	ssettm $0x7FFFFFFF  }
0xc3: {  	_ =	shalt  }
tec
execute0_lowered:
.L_overlay_start_1:
0x0: {  	(tag) =	ssettag $0x1  }
0x1: {  	s0 =	rddreg [dreg:$0x0]  }
0x2: {  	s1 =	rddreg [dreg:$0x1];
	s2 =	simm.s32 $0x0;
	s3 =	srdreg.scid  }
0x3: {  	s11 =	stileid.u32;
	s15 =	simm.s32 $0x5;
	s16 =	simm.s32 $0x400  }
0x4: {  	s17 =	simm.s32 $0x7A1400;
	s18 =	simm.s32 $0x2000;
	s19 =	simm.s32 $0x1  }
0x5: {  	s20 =	simm.s32 $0x4000;
	s21 =	simm.s32 $0x2;
	s22 =	simm.s32 $0x8000  }
0x6: {  	s23 =	simm.s32 $0x3;
	s24 =	simm.s32 $0x4;
	s26 =	simm.s32 $0x0  }
0x7: {  	[smem:$0x7FF] =	sst s2;
	s3 =	sand.u32 $0x1, s3;
	s4 =	sshll.u32 s11, $0x1  }
0x8: {  	s5 =	sadd.s32 $0xE00, s1;
	s6 =	sadd.s32 $0x1400, s1;
	s12 =	sadd.s32 $0xF43400, s1  }
0x9: {  	p0 =	sgt.u32 s11, $0x1;
	_ =	strace $0x80000047;
	[dreg:$0x3] =	wrdreg s5  }
0xa: {  	s4 =	sor.u32 s3, s4;
	s5 =	sadd.s32 $0x1200, s1;
	s3 =	ssub.s32 $0x2, s3  }
.Ltmp0:
0xb: {  	s9 =	sshll.u32 s4, $0x7;
	s8 =	sshrl.u32 s3, $0x1;
	(pc) =	sbr.rel .LBB2_1-.Ltmp0, $4  }
0xc: {  	v0 =	vlaneseq.u32;
	p1 =	sne.s32 s4, $0x4;
	s7 =	sadd.s32 s0, s9;
	s10 =	sor.u32 $0xF4000, s9  }
0xd: {  	v1 =	vmul.u32 $0x80, v0;
	s9 =	sadd.s32 $0x2000, s0;
	s0 =	sadd.s32 s0, s10;
	s31 =	sshll.u32 s10, $0x4  }
0xe: {  	v2 =	vor.u32 $0x10, v0;
	v4 =	vor.u32 $0x20, v0;
	v6 =	vor.u32 $0x30, v0;
	s3 =	ssub.s32 s3, s8;
	[dreg:$0x4] =	wrdreg s0;
	s0 =	sadd.s32 s6, s31  }
0xf: {  	v3 =	vor.u32 $0x800, v1;
	v5 =	vor.u32 $0x1000, v1;
	v7 =	vor.u32 $0x1800, v1;
	s8 =	sadd.s32 $0x1000, s7;
	s13 =	smax.u32 s3, $0x1;
	[dreg:$0x5] =	wrdreg s0  }
.LBB2_15:
0x10: {  	s26 =	sadd.s32 $0x1, s26  }
0x11: {  	p2 =	sne.s32 s26, s13  }
.Ltmp1:
0x12: {  	_ = 	snop;
	(pc) =	sbr.rel @!p2 .LBB2_16-.Ltmp1, $1  }
0x13: {  	_ =	sdelay $0x3  }
.LBB2_1:
0x14: {  	s0 =	simm.s32 $0xE000  }
0x15: {  	[tilespmem:s0], [sflag:$0x5] =	stream.linear.gather [hbm4b:s5+s2], $0x1, $0x38;
	[tilespmem:$0xE080] =	vst v63  }
0x16: {  	_ =	swait.ge [sflag:s15], $0x1  }
0x17: {  	[sflag:s15] =	ssyncset.done $0x0  }
0x18: {  	[sflag:s15] =	ssyncadd.s32 $0xFFFFFFFF  }
0x19: {  	v8 =	vld.msk [tilespmem:$0xE000 ss:$0x0], $0xffff  }
0x1a: {  	[tilespmem:s2], [sflag:$0x1] =	stream.strided.gather [hbm4b:s7+s16], $0x2000, s17, s16, $0x38;
	[tilespmem:$0xE080] =	vst v63  }
0x1b: {  	s28 =	simm.s32 $0x0  }
0x1c: {  	[tilespmem:s18], [sflag:$0x2] =	stream.strided.gather [hbm4b:s8+s16], $0x2000, s17, s16, $0x38;
	[tilespmem:$0xE080] =	vst v63  }
.LBB2_2:
0x1d: {  	s0 =	simm.s32 $0x1;
	s29 =	simm.s32 $0x2  }
0x1e: {  	s10 =	simm.s32 $0x3;
	s14 =	simm.s32 $0x4;
	s25 =	simm.s32 $0x5;
	v12 =	vadd.s32 s0, v0;
	v13 =	vadd.s32 s29, v0  }
0x1f: {  	s3 =	simm.s32 $0x7;
	v11 =	vadd.s32 s10, v4;
	v10 =	vadd.s32 s14, v0;
	v14 =	vadd.s32 s25, v0  }
0x20: {  	s1 =	simm.s32 $0x6;
	v15 =	vadd.s32 s3, v0;
	v16 =	vadd.s32 s29, v4;
	v19 =	vadd.s32 s14, v2  }
0x21: {  	v20 =	vadd.s32 s10, v0;
	v23 =	vadd.s32 s1, v2;
	v24 =	vadd.s32 s3, v4  }
0x22: {  	v25 =	vadd.s32 s25, v4;
	v26 =	vadd.s32 s3, v2;
	v29 =	vadd.s32 s25, v2  }
0x23: {  	v30 =	vadd.s32 s1, v0;
	v31 =	vadd.s32 s10, v2;
	v32 =	vadd.s32 s1, v4  }
0x24: {  	v35 =	vadd.s32 s0, v2;
	v36 =	vadd.s32 s29, v2;
	v60 =	vadd.s32 s0, v4  }
0x25: {  	v63 =	vadd.s32 s29, v6;
	v52 =	vadd.s32 s14, v6;
	v14 =	vand.u32 $0x7F, v14  }
0x26: {  	v17 =	vand.u32 $0x7F, v10;
	v10 =	vand.u32 $0x7F, v16;
	v16 =	vadd.s32 s14, v4  }
0x27: {  	v19 =	vand.u32 $0x7F, v19;
	v15 =	vand.u32 $0x7F, v15;
	v12 =	vand.u32 $0x7F, v12  }
0x28: {  	v13 =	vand.u32 $0x7F, v13;
	v20 =	vand.u32 $0x7F, v20;
	v24 =	vand.u32 $0x7F, v24  }
0x29: {  	v25 =	vand.u32 $0x7F, v25;
	v31 =	vand.u32 $0x7F, v31;
	v35 =	vand.u32 $0x7F, v35  }
0x2a: {  	v36 =	vand.u32 $0x7F, v36;
	v30 =	vand.u32 $0x7F, v30;
	v23 =	vand.u32 $0x7F, v23  }
0x2b: {  	v29 =	vand.u32 $0x7F, v29;
	v26 =	vand.u32 $0x7F, v26;
	v32 =	vand.u32 $0x7F, v32  }
0x2c: {  	v11 =	vand.u32 $0x7F, v11;
	v18 =	vor.u32 v1, v14;
	v16 =	vand.u32 $0x7F, v16  }
0x2d: {  	v21 =	vshll.u32 v19, $0x7;
	v22 =	vor.u32 v1, v15;
	v15 =	vshll.u32 v15, $0x7  }
0x2e: {  	v27 =	vshll.u32 v13, $0x7;
	v28 =	vshll.u32 v12, $0x7;
	v19 =	vor.u32 v3, v19  }
0x2f: {  	v13 =	vor.u32 v1, v13;
	v33 =	vor.u32 v1, v17;
	v34 =	vor.u32 v5, v25  }
0x30: {  	_ =	swait.ge [sflag:s19], $0x2000;
	v37 =	vshll.u32 v31, $0x7;
	v38 =	vor.u32 v3, v35;
	v39 =	vshll.u32 v20, $0x7  }
0x31: {  	p2 =	seq.s32 s28, $0x0;
	[sflag:s19] =	ssyncset.done $0x0;
	v40 =	vor.u32 v3, v36;
	v36 =	vshll.u32 v36, $0x7;
	v41 =	vshll.u32 v30, $0x7  }
0x32: {  	s11 =	simm.s32 @!p2 $0x3;
	[sflag:s19] =	ssyncadd.s32 $0xFFFFE000;
	v14 =	vshll.u32 v14, $0x7;
	v43 =	vshll.u32 v24, $0x7;
	v35 =	vshll.u32 v35, $0x7  }
0x33: {  	_ =	swait.ge @!p2 [sflag:s11], $0x4000;
	v30 =	vor.u32 v1, v30;
	v20 =	vor.u32 v1, v20;
	v17 =	vshll.u32 v17, $0x7  }
0x34: {  	v45 =	vor.u32 v3, v29;
	v24 =	vor.u32 v5, v24;
	v31 =	vor.u32 v3, v31;
	[sflag:s11] =	ssyncset.done @!p2 $0x0  }
0x35: {  	v12 =	vor.u32 v1, v12;
	v58 =	vor.u32 v3, v26;
	v26 =	vshll.u32 v26, $0x7;
	[sflag:s11] =	ssyncadd.s32 @!p2 $0xFFFFC000  }
0x36: {  	v59 =	vor.u32 v3, v23;
	v61 =	vor.u32 v5, v10;
	v49 =	vor.u32 v5, v32;
	v18 =	vld.idx.msk [tilespmem:v18+s2+$0x0], $0xffff  }
0x37: {  	v53 =	vshll.u32 v11, $0x7;
	v15 =	vor.u32 v0, v15;
	v28 =	vor.u32 v0, v28;
	s11 =	simm.s32 $0x0;
	v22 =	vld.idx.msk [tilespmem:v22+s2+$0x0], $0xffff  }
0x38: {  	v21 =	vor.u32 v2, v21;
	v42 =	vor.u32 v5, v16;
	v44 =	vadd.s32 s11, v0;
	v13 =	vld.idx.msk [tilespmem:v13+s2+$0x0], $0xffff  }
0x39: {  	v14 =	vor.u32 v0, v14;
	v17 =	vor.u32 v0, v17;
	v44 =	vand.u32 $0x7F, v44;
	v33 =	vld.idx.msk [tilespmem:v33+s2+$0x0], $0xffff  }
0x3a: {  	v36 =	vor.u32 v2, v36;
	v37 =	vor.u32 v2, v37;
	v46 =	vor.u32 v1, v44;
	v20 =	vld.idx.msk [tilespmem:v20+s2+$0x0], $0xffff  }
0x3b: {  	v39 =	vor.u32 v0, v39;
	v16 =	vshll.u32 v16, $0x7;
	v27 =	vor.u32 v0, v27;
	v12 =	vld.idx.msk [tilespmem:v12+s2+$0x0], $0xffff  }
0x3c: {  	v43 =	vor.u32 v4, v43;
	v26 =	vor.u32 v2, v26;
	v56 =	vor.u32 v4, v53;
	v30 =	vld.idx.msk [tilespmem:v30+s2+$0x0], $0xffff  }
0x3d: {  	v47 =	vadd.s32 s11, v2;
	v44 =	vshll.u32 v44, $0x7;
	v18 =	vmul.f32 v18, v8  }
0x3e: {  	v44 =	vor.u32 v0, v44;
	v22 =	vmul.f32 v22, v8;
	v33 =	vmul.f32 v33, v8  }
0x3f: {  	v13 =	vmul.f32 v13, v8;
	v46 =	vld.idx.msk [tilespmem:v46+s2+$0x0], $0xffff;
	v20 =	vmul.f32 v20, v8;
	[tilespmem:v14+s20+$0x0] =	vst.idx.msk $0xffff, v18  }
0x40: {  	v12 =	vmul.f32 v12, v8;
	v14 =	vor.u32 v4, v16;
	[tilespmem:v17+s20+$0x0] =	vst.idx.msk $0xffff, v33;
	v16 =	vld.idx.msk [tilespmem:v45+s2+$0x0], $0xffff  }
0x41: {  	v30 =	vmul.f32 v30, v8;
	v18 =	vshll.u32 v29, $0x7;
	v17 =	vshll.u32 v25, $0x7;
	[tilespmem:v15+s20+$0x0] =	vst.idx.msk $0xffff, v22;
	v19 =	vld.idx.msk [tilespmem:v19+s2+$0x0], $0xffff  }
0x42: {  	v25 =	vor.u32 v0, v41;
	v41 =	vand.u32 $0x7F, v60;
	v22 =	vshll.u32 v23, $0x7;
	[tilespmem:v27+s20+$0x0] =	vst.idx.msk $0xffff, v13;
	v23 =	vld.idx.msk [tilespmem:v58+s2+$0x0], $0xffff  }
0x43: {  	v15 =	vand.u32 $0x7F, v47;
	v47 =	vand.u32 $0x7F, v63;
	v13 =	vadd.s32 s25, v6;
	[tilespmem:v39+s20+$0x0] =	vst.idx.msk $0xffff, v20;
	v51 =	vld.idx.msk [tilespmem:v40+s2+$0x0], $0xffff  }
0x44: {  	v18 =	vor.u32 v2, v18;
	v17 =	vor.u32 v4, v17;
	v62 =	vor.u32 v3, v15;
	v31 =	vld.idx.msk [tilespmem:v31+s2+$0x0], $0xffff  }
0x45: {  	[tilespmem:v28+s20+$0x0] =	vst.idx.msk $0xffff, v12;
	v48 =	vor.u32 v5, v41;
	v22 =	vor.u32 v2, v22;
	v13 =	vand.u32 $0x7F, v13  }
0x46: {  	v50 =	vor.u32 v7, v47;
	v54 =	vor.u32 v7, v13;
	v19 =	vmul.f32 v19, v8  }
0x47: {  	v12 =	vshll.u32 v41, $0x7;
	v46 =	vmul.f32 v46, v8;
	[tilespmem:v25+s20+$0x0] =	vst.idx.msk $0xffff, v30;
	v16 =	vmul.f32 v16, v8  }
0x48: {  	v28 =	vld.idx.msk [tilespmem:v38+s2+$0x0], $0xffff;
	v23 =	vmul.f32 v23, v8;
	v25 =	vmul.f32 v51, v8;
	[tilespmem:v21+s20+$0x0] =	vst.idx.msk $0xffff, v19  }
0x49: {  	v31 =	vmul.f32 v31, v8;
	[tilespmem:v18+s20+$0x0] =	vst.idx.msk $0xffff, v16;
	v16 =	vor.u32 v2, v35;
	v27 =	vld.idx.msk [tilespmem:v42+s2+$0x0], $0xffff  }
0x4a: {  	v21 =	vor.u32 v5, v11;
	v11 =	vand.u32 $0x7F, v52;
	[tilespmem:v26+s20+$0x0] =	vst.idx.msk $0xffff, v23;
	v26 =	vshll.u32 v10, $0x7  }
0x4b: {  	v10 =	vor.u32 v4, v12;
	v12 =	vshll.u32 v32, $0x7;
	[tilespmem:v36+s20+$0x0] =	vst.idx.msk $0xffff, v25;
	v18 =	vld.idx.msk [tilespmem:v34+s2+$0x0], $0xffff;
	v20 =	vshll.u32 v11, $0x7  }
0x4c: {  	v24 =	vld.idx.msk [tilespmem:v24+s2+$0x0], $0xffff;
	v55 =	vor.u32 v7, v11;
	v11 =	vor.u32 v4, v12;
	v12 =	vadd.s32 s11, v4  }
0x4d: {  	v23 =	vadd.s32 s3, v6;
	v25 =	vmul.f32 v28, v8;
	v58 =	vld.idx.msk [tilespmem:v61+s2+$0x0], $0xffff;
	v12 =	vand.u32 $0x7F, v12  }
0x4e: {  	[tilespmem:v44+s20+$0x0] =	vst.idx.msk $0xffff, v46;
	v23 =	vand.u32 $0x7F, v23;
	v57 =	vor.u32 v5, v12;
	v27 =	vmul.f32 v27, v8  }
0x4f: {  	v29 =	vld.idx.msk [tilespmem:v62+s2+$0x0], $0xffff;
	v60 =	vshll.u32 v12, $0x7;
	v12 =	vor.u32 v6, v20;
	v20 =	vor.u32 v4, v26  }
0x50: {  	v15 =	vshll.u32 v15, $0x7;
	[tilespmem:v14+s20+$0x0] =	vst.idx.msk $0xffff, v27;
	v14 =	vmul.f32 v18, v8;
	v18 =	vor.u32 v7, v23  }
0x51: {  	v15 =	vor.u32 v2, v15;
	v30 =	vld.idx.msk [tilespmem:v59+s2+$0x0], $0xffff;
	[tilespmem:v37+s20+$0x0] =	vst.idx.msk $0xffff, v31;
	v24 =	vmul.f32 v24, v8  }
0x52: {  	v13 =	vshll.u32 v13, $0x7;
	v19 =	vshll.u32 v47, $0x7;
	[tilespmem:v16+s20+$0x0] =	vst.idx.msk $0xffff, v25;
	v16 =	vmul.f32 v58, v8  }
0x53: {  	v59 =	vor.u32 v6, v13;
	v13 =	vor.u32 v6, v19;
	[tilespmem:v43+s20+$0x0] =	vst.idx.msk $0xffff, v24  }
0x54: {  	v26 =	vld.idx.msk [tilespmem:v21+s2+$0x0], $0xffff;
	v27 =	vmul.f32 v29, v8;
	v23 =	vshll.u32 v23, $0x7;
	[tilespmem:v20+s20+$0x0] =	vst.idx.msk $0xffff, v16  }
0x55: {  	v9 =	vadd.s32 s10, v6;
	v19 =	vadd.s32 s0, v6;
	v24 =	vor.u32 v6, v23;
	[tilespmem:v17+s20+$0x0] =	vst.idx.msk $0xffff, v14;
	v18 =	vld.idx.msk [tilespmem:v18+s2+$0x0], $0xffff  }
0x56: {  	v16 =	vadd.s32 s11, v6;
	v23 =	vand.u32 $0x7F, v9;
	v14 =	vmul.f32 v30, v8;
	[tilespmem:v15+s20+$0x0] =	vst.idx.msk $0xffff, v27;
	v17 =	vld.idx.msk [tilespmem:v54+s2+$0x0], $0xffff  }
0x57: {  	v16 =	vand.u32 $0x7F, v16;
	v15 =	vand.u32 $0x7F, v19;
	v19 =	vor.u32 v4, v60;
	v29 =	vld.idx.msk [tilespmem:v57+s2+$0x0], $0xffff  }
0x58: {  	v9 =	vshll.u32 v23, $0x7;
	v23 =	vor.u32 v7, v23;
	[tilespmem:v22+s20+$0x0] =	vst.idx.msk $0xffff, v14;
	v14 =	vadd.s32 s1, v6;
	v22 =	vld.idx.msk [tilespmem:v55+s2+$0x0], $0xffff  }
0x59: {  	v26 =	vmul.f32 v26, v8;
	v27 =	vand.u32 $0x7F, v14;
	v14 =	vshll.u32 v15, $0x7;
	v61 =	vld.idx.msk [tilespmem:v49+s2+$0x0], $0xffff  }
0x5a: {  	v25 =	vshll.u32 v27, $0x7;
	v14 =	vor.u32 v6, v14;
	v63 =	vmul.f32 v18, v8  }
0x5b: {  	v21 =	vld.idx.msk [tilespmem:v48+s2+$0x0], $0xffff;
	v20 =	vor.u32 v7, v27;
	v62 =	vmul.f32 v17, v8;
	v17 =	vor.u32 v7, v15  }
0x5c: {  	v15 =	vor.u32 v6, v25;
	v25 =	vmul.f32 v29, v8;
	[tilespmem:v24+s20+$0x0] =	vst.idx.msk $0xffff, v63;
	v24 =	vld.idx.msk [tilespmem:v50+s2+$0x0], $0xffff  }
0x5d: {  	s31 =	sshll.u32 s28, $0x6;
	[tilespmem:v56+s20+$0x0] =	vst.idx.msk $0xffff, v26;
	v18 =	vmul.f32 v22, v8;
	v22 =	vor.u32 v7, v16;
	v16 =	vshll.u32 v16, $0x7  }
0x5e: {  	s30 =	simm.s32 $0x8;
	s29 =	sor.u32 s4, s31;
	[tilespmem:v59+s20+$0x0] =	vst.idx.msk $0xffff, v62;
	v26 =	vmul.f32 v61, v8;
	v16 =	vor.u32 v6, v16  }
.LBB2_3:
0x5f: {  	s0 =	sadd.s32 $0x1, s30  }
0x60: {  	s10 =	sadd.s32 $0x2, s30;
	s11 =	sadd.s32 $0x3, s30;
	[tilespmem:v19+s20+$0x0] =	vst.idx.msk $0xffff, v25;
	v19 =	vmul.f32 v21, v8;
	v21 =	vld.idx.msk [tilespmem:v23+s2+$0x0], $0xffff;
	v23 =	vor.u32 v6, v9;
	s31 =	smov.u32 s30  }
0x61: {  	s25 =	sadd.s32 $0x4, s30;
	s3 =	sadd.s32 $0x5, s30;
	s1 =	sadd.s32 $0x6, s30;
	v24 =	vmul.f32 v24, v8;
	v25 =	vadd.s32 s0, v0;
	v27 =	vadd.s32 s10, v0;
	[tilespmem:v11+s20+$0x0] =	vst.idx.msk $0xffff, v26  }
0x62: {  	p3 =	slt.u32 s30, $0x78;
	s30 =	sadd.s32 $0x8, s30;
	v11 =	vadd.s32 s11, v4;
	v26 =	vadd.s32 s25, v0;
	v28 =	vadd.s32 s3, v0;
	s14 =	sadd.s32 $0x7, s31;
	v20 =	vld.idx.msk [tilespmem:v20+s2+$0x0], $0xffff  }
0x63: {  	v9 =	vadd.s32 s11, v6;
	v28 =	vand.u32 $0x7F, v28;
	v29 =	vadd.s32 s14, v0;
	v22 =	vld.idx.msk [tilespmem:v22+s2+$0x0], $0xffff;
	[tilespmem:v10+s20+$0x0] =	vst.idx.msk $0xffff, v19  }
0x64: {  	v10 =	vadd.s32 s10, v4;
	v19 =	vand.u32 $0x7F, v26;
	v26 =	vor.u32 v1, v28;
	v17 =	vld.idx.msk [tilespmem:v17+s2+$0x0], $0xffff;
	[tilespmem:v13+s20+$0x0] =	vst.idx.msk $0xffff, v24  }
0x65: {  	v10 =	vand.u32 $0x7F, v10;
	v13 =	vadd.s32 s25, v2;
	v24 =	vadd.s32 s25, v4;
	[tilespmem:v12+s20+$0x0] =	vst.idx.msk $0xffff, v18  }
0x66: {  	v12 =	vand.u32 $0x7F, v13;
	v18 =	vand.u32 $0x7F, v24;
	v13 =	vmul.f32 v21, v8  }
0x67: {  	v29 =	vand.u32 $0x7F, v29;
	v21 =	vadd.s32 s11, v0;
	v24 =	vshll.u32 v12, $0x7  }
0x68: {  	v30 =	vor.u32 v1, v29;
	v29 =	vshll.u32 v29, $0x7;
	[tilespmem:v23+s20+$0x0] =	vst.idx.msk $0xffff, v13;
	v13 =	vmul.f32 v20, v8  }
0x69: {  	v20 =	vand.u32 $0x7F, v25;
	v23 =	vor.u32 v0, v29;
	v22 =	vmul.f32 v22, v8  }
0x6a: {  	v29 =	vadd.s32 s14, v4;
	v17 =	vmul.f32 v17, v8;
	v25 =	vld.idx.msk [tilespmem:v26+s2+$0x0], $0xffff;
	v26 =	vadd.s32 s1, v2;
	[tilespmem:v15+s20+$0x0] =	vst.idx.msk $0xffff, v13  }
0x6b: {  	v13 =	vand.u32 $0x7F, v27;
	v15 =	vadd.s32 s3, v4;
	v27 =	vadd.s32 s14, v2;
	[tilespmem:v16+s20+$0x0] =	vst.idx.msk $0xffff, v22  }
0x6c: {  	v21 =	vand.u32 $0x7F, v21;
	v16 =	vshll.u32 v13, $0x7;
	v22 =	vand.u32 $0x7F, v29;
	[tilespmem:v14+s20+$0x0] =	vst.idx.msk $0xffff, v17  }
0x6d: {  	v29 =	vadd.s32 s3, v2;
	v14 =	vshll.u32 v20, $0x7;
	v17 =	vor.u32 v3, v12;
	v30 =	vld.idx.msk [tilespmem:v30+s2+$0x0], $0xffff  }
0x6e: {  	v31 =	vadd.s32 s1, v0;
	v12 =	vor.u32 v0, v14;
	v14 =	vor.u32 v1, v13  }
0x6f: {  	v32 =	vadd.s32 s1, v4;
	v15 =	vand.u32 $0x7F, v15;
	v13 =	vadd.s32 s11, v2  }
0x70: {  	v33 =	vor.u32 v1, v19;
	v34 =	vor.u32 v5, v15;
	v25 =	vmul.f32 v25, v8  }
0x71: {  	v35 =	vadd.s32 s0, v2;
	v36 =	vadd.s32 s10, v2;
	v37 =	vand.u32 $0x7F, v13  }
0x72: {  	v35 =	vand.u32 $0x7F, v35;
	v36 =	vand.u32 $0x7F, v36;
	v38 =	vshll.u32 v37, $0x7  }
0x73: {  	v39 =	vshll.u32 v21, $0x7;
	v13 =	vor.u32 v3, v35;
	v30 =	vmul.f32 v30, v8;
	v14 =	vld.idx.msk [tilespmem:v14+s2+$0x0], $0xffff  }
0x74: {  	v31 =	vand.u32 $0x7F, v31;
	v40 =	vor.u32 v3, v36;
	v36 =	vshll.u32 v36, $0x7  }
0x75: {  	v41 =	vshll.u32 v31, $0x7;
	v24 =	vor.u32 v2, v24;
	v26 =	vand.u32 $0x7F, v26;
	[tilespmem:v23+s20+$0x0] =	vst.idx.msk $0xffff, v30  }
0x76: {  	v28 =	vshll.u32 v28, $0x7;
	v30 =	vor.u32 v5, v18;
	v23 =	vld.idx.msk [tilespmem:v33+s2+$0x0], $0xffff;
	v33 =	vshll.u32 v22, $0x7  }
0x77: {  	v31 =	vor.u32 v1, v31;
	v29 =	vand.u32 $0x7F, v29;
	v35 =	vshll.u32 v35, $0x7  }
0x78: {  	v19 =	vshll.u32 v19, $0x7;
	v28 =	vor.u32 v0, v28;
	v21 =	vor.u32 v1, v21  }
0x79: {  	v42 =	vadd.s32 s31, v0;
	v19 =	vor.u32 v0, v19;
	v43 =	vor.u32 v3, v29  }
0x7a: {  	v42 =	vand.u32 $0x7F, v42;
	v22 =	vor.u32 v5, v22;
	v44 =	vmul.f32 v14, v8  }
0x7b: {  	v45 =	vor.u32 v1, v42;
	v42 =	vshll.u32 v42, $0x7;
	v27 =	vand.u32 $0x7F, v27  }
0x7c: {  	v36 =	vor.u32 v2, v36;
	v14 =	vor.u32 v2, v38;
	v23 =	vmul.f32 v23, v8  }
0x7d: {  	v37 =	vor.u32 v3, v37;
	v18 =	vshll.u32 v18, $0x7;
	v38 =	vor.u32 v0, v39;
	[tilespmem:v28+s20+$0x0] =	vst.idx.msk $0xffff, v25  }
0x7e: {  	v20 =	vor.u32 v1, v20;
	v18 =	vor.u32 v4, v18;
	[tilespmem:v19+s20+$0x0] =	vst.idx.msk $0xffff, v23;
	v19 =	vld.idx.msk [tilespmem:v43+s2+$0x0], $0xffff  }
0x7f: {  	v25 =	vor.u32 v3, v27;
	v27 =	vshll.u32 v27, $0x7;
	v23 =	vshll.u32 v29, $0x7  }
0x80: {  	v15 =	vshll.u32 v15, $0x7;
	v28 =	vor.u32 v0, v41;
	v29 =	vor.u32 v3, v26;
	v17 =	vld.idx.msk [tilespmem:v17+s2+$0x0], $0xffff  }
0x81: {  	v16 =	vor.u32 v0, v16;
	v15 =	vor.u32 v4, v15;
	v23 =	vor.u32 v2, v23  }
0x82: {  	v33 =	vor.u32 v4, v33;
	v41 =	vadd.s32 s0, v4;
	v43 =	vor.u32 v5, v10;
	v39 =	vld.idx.msk [tilespmem:v45+s2+$0x0], $0xffff  }
0x83: {  	v42 =	vor.u32 v0, v42;
	v41 =	vand.u32 $0x7F, v41;
	v45 =	vadd.s32 s31, v2;
	v20 =	vld.idx.msk [tilespmem:v20+s2+$0x0], $0xffff  }
0x84: {  	v26 =	vshll.u32 v26, $0x7;
	v45 =	vand.u32 $0x7F, v45;
	v19 =	vmul.f32 v19, v8;
	v25 =	vld.idx.msk [tilespmem:v25+s2+$0x0], $0xffff  }
0x85: {  	v47 =	vadd.s32 s10, v6;
	v32 =	vand.u32 $0x7F, v32;
	v46 =	vor.u32 v3, v45;
	v21 =	vld.idx.msk [tilespmem:v21+s2+$0x0], $0xffff  }
0x86: {  	v49 =	vor.u32 v5, v32;
	v48 =	vor.u32 v5, v41;
	v26 =	vor.u32 v2, v26;
	v31 =	vld.idx.msk [tilespmem:v31+s2+$0x0], $0xffff  }
0x87: {  	v47 =	vand.u32 $0x7F, v47;
	v17 =	vmul.f32 v17, v8;
	[tilespmem:v23+s20+$0x0] =	vst.idx.msk $0xffff, v19;
	v19 =	vor.u32 v2, v27  }
0x88: {  	v11 =	vand.u32 $0x7F, v11;
	v23 =	vshll.u32 v45, $0x7;
	v27 =	vor.u32 v2, v35;
	[tilespmem:v16+s20+$0x0] =	vst.idx.msk $0xffff, v44;
	v16 =	vld.idx.msk [tilespmem:v34+s2+$0x0], $0xffff  }
0x89: {  	v35 =	vor.u32 v7, v47;
	v34 =	vmul.f32 v39, v8;
	[tilespmem:v24+s20+$0x0] =	vst.idx.msk $0xffff, v17;
	v17 =	vadd.s32 s3, v6  }
0x8a: {  	v39 =	vor.u32 v5, v11;
	v24 =	vshll.u32 v47, $0x7;
	v25 =	vmul.f32 v25, v8;
	v30 =	vld.idx.msk [tilespmem:v30+s2+$0x0], $0xffff  }
0x8b: {  	v21 =	vmul.f32 v21, v8;
	v17 =	vand.u32 $0x7F, v17;
	[tilespmem:v42+s20+$0x0] =	vst.idx.msk $0xffff, v34;
	v34 =	vld.idx.msk [tilespmem:v40+s2+$0x0], $0xffff;
	v40 =	vshll.u32 v11, $0x7  }
0x8c: {  	v11 =	vmul.f32 v20, v8;
	v20 =	vadd.s32 s25, v6;
	v31 =	vmul.f32 v31, v8  }
0x8d: {  	v44 =	vor.u32 v7, v17;
	v20 =	vand.u32 $0x7F, v20;
	v42 =	vld.idx.msk [tilespmem:v46+s2+$0x0], $0xffff;
	[tilespmem:v19+s20+$0x0] =	vst.idx.msk $0xffff, v25;
	v19 =	vadd.s32 s14, v6  }
0x8e: {  	v23 =	vor.u32 v2, v23;
	v25 =	vshll.u32 v10, $0x7;
	[tilespmem:v12+s20+$0x0] =	vst.idx.msk $0xffff, v11;
	v11 =	vshll.u32 v41, $0x7;
	v12 =	vld.idx.msk [tilespmem:v22+s2+$0x0], $0xffff  }
0x8f: {  	v13 =	vld.idx.msk [tilespmem:v13+s2+$0x0], $0xffff;
	v10 =	vor.u32 v4, v11;
	[tilespmem:v38+s20+$0x0] =	vst.idx.msk $0xffff, v21;
	v21 =	vshll.u32 v20, $0x7;
	v11 =	vshll.u32 v32, $0x7  }
0x90: {  	v20 =	vor.u32 v7, v20;
	v22 =	vld.idx.msk [tilespmem:v37+s2+$0x0], $0xffff;
	[tilespmem:v28+s20+$0x0] =	vst.idx.msk $0xffff, v31;
	v11 =	vor.u32 v4, v11  }
0x91: {  	v30 =	vmul.f32 v30, v8;
	v28 =	vadd.s32 s31, v4;
	v31 =	vmul.f32 v34, v8;
	v29 =	vld.idx.msk [tilespmem:v29+s2+$0x0], $0xffff  }
0x92: {  	v19 =	vand.u32 $0x7F, v19;
	v32 =	vor.u32 v4, v40;
	v28 =	vand.u32 $0x7F, v28  }
0x93: {  	v17 =	vshll.u32 v17, $0x7;
	v16 =	vmul.f32 v16, v8;
	[tilespmem:v18+s20+$0x0] =	vst.idx.msk $0xffff, v30;
	v18 =	vor.u32 v7, v19  }
0x94: {  	v34 =	vor.u32 v5, v28;
	v30 =	vmul.f32 v42, v8;
	v19 =	vshll.u32 v19, $0x7;
	[tilespmem:v36+s20+$0x0] =	vst.idx.msk $0xffff, v31  }
0x95: {  	v37 =	vor.u32 v6, v17;
	v17 =	vmul.f32 v12, v8;
	v31 =	vmul.f32 v13, v8;
	v36 =	vld.idx.msk [tilespmem:v43+s2+$0x0], $0xffff  }
0x96: {  	v28 =	vshll.u32 v28, $0x7;
	v12 =	vor.u32 v6, v21;
	v22 =	vmul.f32 v22, v8;
	[tilespmem:v15+s20+$0x0] =	vst.idx.msk $0xffff, v16  }
0x97: {  	v13 =	vor.u32 v6, v24;
	v16 =	vmul.f32 v29, v8;
	v15 =	vld.idx.msk [tilespmem:v44+s2+$0x0], $0xffff;
	[tilespmem:v33+s20+$0x0] =	vst.idx.msk $0xffff, v17  }
0x98: {  	v17 =	vor.u32 v4, v25;
	[tilespmem:v14+s20+$0x0] =	vst.idx.msk $0xffff, v22;
	v18 =	vld.idx.msk [tilespmem:v18+s2+$0x0], $0xffff;
	v22 =	vor.u32 v6, v19  }
0x99: {  	v29 =	vand.u32 $0x7F, v9;
	v14 =	vadd.s32 s0, v6;
	v25 =	vld.idx.msk [tilespmem:v39+s2+$0x0], $0xffff;
	[tilespmem:v26+s20+$0x0] =	vst.idx.msk $0xffff, v16;
	v16 =	vadd.s32 s1, v6  }
0x9a: {  	v9 =	vshll.u32 v29, $0x7;
	[tilespmem:v23+s20+$0x0] =	vst.idx.msk $0xffff, v30;
	v23 =	vand.u32 $0x7F, v14;
	v26 =	vld.idx.msk [tilespmem:v20+s2+$0x0], $0xffff;
	v16 =	vand.u32 $0x7F, v16  }
0x9b: {  	v20 =	vmul.f32 v36, v8;
	v30 =	vld.idx.msk [tilespmem:v34+s2+$0x0], $0xffff;
	[tilespmem:v27+s20+$0x0] =	vst.idx.msk $0xffff, v31;
	v14 =	vshll.u32 v23, $0x7;
	v27 =	vshll.u32 v16, $0x7  }
0x9c: {  	v19 =	vor.u32 v4, v28;
	v28 =	vld.idx.msk [tilespmem:v49+s2+$0x0], $0xffff  }
0x9d: {  	v14 =	vor.u32 v6, v14;
	v15 =	vmul.f32 v15, v8;
	v21 =	vld.idx.msk [tilespmem:v48+s2+$0x0], $0xffff;
	[tilespmem:v17+s20+$0x0] =	vst.idx.msk $0xffff, v20  }
.Ltmp2:
0x9e: {  	v17 =	vor.u32 v7, v23;
	v23 =	vor.u32 v7, v29;
	v29 =	vmul.f32 v18, v8;
	v24 =	vld.idx.msk [tilespmem:v35+s2+$0x0], $0xffff;
	(pc) =	sbr.rel @p3 .LBB2_3-.Ltmp2, $4  }
0x9f: {  	v18 =	vadd.s32 s31, v6;
	v20 =	vor.u32 v7, v16;
	[tilespmem:v37+s20+$0x0] =	vst.idx.msk $0xffff, v15;
	v15 =	vor.u32 v6, v27  }
0xa0: {  	v16 =	vand.u32 $0x7F, v18;
	v27 =	vmul.f32 v25, v8;
	v18 =	vmul.f32 v26, v8;
	[tilespmem:v22+s20+$0x0] =	vst.idx.msk $0xffff, v29  }
0xa1: {  	v25 =	vmul.f32 v30, v8;
	v22 =	vor.u32 v7, v16;
	v16 =	vshll.u32 v16, $0x7  }
0xa2: {  	v16 =	vor.u32 v6, v16;
	v26 =	vmul.f32 v28, v8;
	[tilespmem:v32+s20+$0x0] =	vst.idx.msk $0xffff, v27  }
0xa3: {  	_ =	sdelay $0x2  }
0xa4: {  	s25 =	simm.s32 $0x5  }
0xa5: {  	v21 =	vmul.f32 v21, v8;
	[tilespmem:v19+s20+$0x0] =	vst.idx.msk $0xffff, v25;
	v9 =	vor.u32 v6, v9;
	s30 =	simm.s32 $0x2;
	s31 =	simm.s32 $0x3;
	v25 =	vadd.s32 s25, v4  }
0xa6: {  	s14 =	simm.s32 $0x4;
	[tilespmem:v11+s20+$0x0] =	vst.idx.msk $0xffff, v26;
	v29 =	vadd.s32 s25, v2;
	v31 =	vadd.s32 s31, v2;
	v36 =	vadd.s32 s30, v2  }
0xa7: {  	v23 =	vld.idx.msk [tilespmem:v23+s2+$0x0], $0xffff;
	v63 =	vadd.s32 s30, v6;
	v52 =	vadd.s32 s14, v6;
	[tilespmem:v10+s20+$0x0] =	vst.idx.msk $0xffff, v21;
	v10 =	vmul.f32 v24, v8  }
0xa8: {  	v11 =	vld.idx.msk [tilespmem:v20+s2+$0x0], $0xffff;
	v20 =	vadd.s32 s31, v0;
	v25 =	vand.u32 $0x7F, v25;
	v31 =	vand.u32 $0x7F, v31  }
0xa9: {  	v36 =	vand.u32 $0x7F, v36;
	v29 =	vand.u32 $0x7F, v29;
	v20 =	vand.u32 $0x7F, v20  }
0xaa: {  	v19 =	vld.idx.msk [tilespmem:v22+s2+$0x0], $0xffff;
	v34 =	vor.u32 v5, v25;
	v37 =	vshll.u32 v31, $0x7;
	v40 =	vor.u32 v3, v36  }
0xab: {  	v17 =	vld.idx.msk [tilespmem:v17+s2+$0x0], $0xffff;
	v36 =	vshll.u32 v36, $0x7;
	v45 =	vor.u32 v3, v29;
	v31 =	vor.u32 v3, v31  }
0xac: {  	[tilespmem:v13+s20+$0x0] =	vst.idx.msk $0xffff, v10;
	v13 =	vadd.s32 s30, v0;
	v39 =	vshll.u32 v20, $0x7;
	v20 =	vor.u32 v1, v20  }
0xad: {  	v36 =	vor.u32 v2, v36;
	v37 =	vor.u32 v2, v37;
	v10 =	vmul.f32 v23, v8  }
0xae: {  	v13 =	vand.u32 $0x7F, v13;
	v39 =	vor.u32 v0, v39;
	v11 =	vmul.f32 v11, v8  }
0xaf: {  	v27 =	vshll.u32 v13, $0x7;
	v13 =	vor.u32 v1, v13;
	[tilespmem:v9+s20+$0x0] =	vst.idx.msk $0xffff, v10;
	v9 =	vmul.f32 v19, v8  }
0xb0: {  	v19 =	vadd.s32 s14, v2;
	v27 =	vor.u32 v0, v27;
	v10 =	vmul.f32 v17, v8;
	[tilespmem:v15+s20+$0x0] =	vst.idx.msk $0xffff, v11  }
0xb1: {  	v19 =	vand.u32 $0x7F, v19;
	[tilespmem:v16+s20+$0x0] =	vst.idx.msk $0xffff, v9;
	v11 =	vadd.s32 s31, v4;
	v9 =	vadd.s32 s31, v6  }
0xb2: {  	[tilespmem:v12+s20+$0x0] =	vst.idx.msk $0xffff, v18;
	s0 =	sshll.u32 s29, $0xB;
	v16 =	vadd.s32 s30, v4;
	v21 =	vshll.u32 v19, $0x7;
	v19 =	vor.u32 v3, v19  }
0xb3: {  	p3 =	seq.s32 s28, $0x79;
	s0 =	sadd.s32 s6, s0;
	s31 =	simm.s32 $0x0;
	[tilespmem:v14+s20+$0x0] =	vst.idx.msk $0xffff, v10;
	v10 =	vadd.s32 s14, v0;
	v14 =	vadd.s32 s25, v0;
	v21 =	vor.u32 v2, v21  }
0xb4: {  	v44 =	vadd.s32 s31, v0;
	v47 =	vadd.s32 s31, v2;
	v11 =	vand.u32 $0x7F, v11;
	[hbm4b:s0+s2] =	stream.linear.scatter [tilespmem:s20], [sflag:$0x3], $0x4000, $0x38;
	[tilespmem:$0xE080] =	vst v63  }
0xb5: {  	s1 =	simm.s32 @!p3 $0x400;
	s0 =	sshll.u32 @!p3 s29, $0x7;
	v14 =	vand.u32 $0x7F, v14;
	v17 =	vand.u32 $0x7F, v10;
	v10 =	vand.u32 $0x7F, v16  }
0xb6: {  	s3 =	simm.s32 @!p3 $0x7A1400;
	s10 =	simm.s32 @!p3 $0x0;
	v16 =	vadd.s32 s14, v4;
	v44 =	vand.u32 $0x7F, v44;
	v53 =	vshll.u32 v11, $0x7;
	s0 =	sadd.s32 @!p3 s0, s9  }
0xb7: {  	v18 =	vor.u32 v1, v14;
	v16 =	vand.u32 $0x7F, v16;
	v33 =	vor.u32 v1, v17;
	[tilespmem:s10], [sflag:$0x1] =	stream.strided.gather @!p3 [hbm4b:s0+s1], $0x2000, s3, s1, $0x38;
	[tilespmem:$0xE080] =	vst v63  }
0xb8: {  	v14 =	vshll.u32 v14, $0x7;
	v17 =	vshll.u32 v17, $0x7;
	v46 =	vor.u32 v1, v44;
	_ =	swait.ge [sflag:s21], $0x2000  }
0xb9: {  	v44 =	vshll.u32 v44, $0x7;
	v61 =	vor.u32 v5, v10;
	v56 =	vor.u32 v4, v53;
	[sflag:s21] =	ssyncset.done $0x0  }
0xba: {  	s11 =	simm.s32 @!p2 $0x4;
	s0 =	simm.s32 $0x1;
	v42 =	vor.u32 v5, v16;
	v14 =	vor.u32 v0, v14;
	v17 =	vor.u32 v0, v17;
	[sflag:s21] =	ssyncadd.s32 $0xFFFFE000  }
0xbb: {  	s3 =	simm.s32 $0x7;
	s1 =	simm.s32 $0x6;
	v16 =	vshll.u32 v16, $0x7;
	v44 =	vor.u32 v0, v44;
	v12 =	vadd.s32 s0, v0;
	_ =	swait.ge @!p2 [sflag:s11], $0x4000  }
0xbc: {  	v15 =	vadd.s32 s3, v0;
	v23 =	vadd.s32 s1, v2;
	v24 =	vadd.s32 s3, v4;
	[sflag:s11] =	ssyncset.done @!p2 $0x0  }
0xbd: {  	v26 =	vadd.s32 s3, v2;
	v30 =	vadd.s32 s1, v0;
	v15 =	vand.u32 $0x7F, v15;
	[sflag:s11] =	ssyncadd.s32 @!p2 $0xFFFFC000  }
0xbe: {  	v32 =	vadd.s32 s1, v4;
	v12 =	vand.u32 $0x7F, v12;
	v22 =	vor.u32 v1, v15;
	v18 =	vld.idx.msk [tilespmem:v18+s18+$0x0], $0xffff  }
0xbf: {  	v30 =	vand.u32 $0x7F, v30;
	v28 =	vshll.u32 v12, $0x7;
	v12 =	vor.u32 v1, v12;
	v13 =	vld.idx.msk [tilespmem:v13+s18+$0x0], $0xffff  }
0xc0: {  	v35 =	vadd.s32 s0, v2;
	v41 =	vshll.u32 v30, $0x7;
	v30 =	vor.u32 v1, v30;
	v33 =	vld.idx.msk [tilespmem:v33+s18+$0x0], $0xffff  }
0xc1: {  	v24 =	vand.u32 $0x7F, v24;
	v35 =	vand.u32 $0x7F, v35;
	v23 =	vand.u32 $0x7F, v23;
	v46 =	vld.idx.msk [tilespmem:v46+s18+$0x0], $0xffff  }
0xc2: {  	v26 =	vand.u32 $0x7F, v26;
	v32 =	vand.u32 $0x7F, v32;
	v15 =	vshll.u32 v15, $0x7;
	v20 =	vld.idx.msk [tilespmem:v20+s18+$0x0], $0xffff  }
0xc3: {  	v38 =	vor.u32 v3, v35;
	v43 =	vshll.u32 v24, $0x7;
	v24 =	vor.u32 v5, v24;
	v22 =	vld.idx.msk [tilespmem:v22+s18+$0x0], $0xffff  }
0xc4: {  	v58 =	vor.u32 v3, v26;
	v26 =	vshll.u32 v26, $0x7;
	v59 =	vor.u32 v3, v23;
	v12 =	vld.idx.msk [tilespmem:v12+s18+$0x0], $0xffff  }
0xc5: {  	v49 =	vor.u32 v5, v32;
	v15 =	vor.u32 v0, v15;
	v28 =	vor.u32 v0, v28;
	v30 =	vld.idx.msk [tilespmem:v30+s18+$0x0], $0xffff  }
0xc6: {  	v43 =	vor.u32 v4, v43;
	v18 =	vmul.f32 v18, v8;
	v13 =	vmul.f32 v13, v8  }
0xc7: {  	v26 =	vor.u32 v2, v26;
	v33 =	vmul.f32 v33, v8;
	v46 =	vmul.f32 v46, v8  }
0xc8: {  	v60 =	vadd.s32 s0, v4;
	v20 =	vmul.f32 v20, v8;
	v22 =	vmul.f32 v22, v8;
	[tilespmem:v14+s22+$0x0] =	vst.idx.msk $0xffff, v18  }
0xc9: {  	v12 =	vmul.f32 v12, v8;
	v14 =	vor.u32 v4, v16;
	[tilespmem:v17+s22+$0x0] =	vst.idx.msk $0xffff, v33;
	v16 =	vld.idx.msk [tilespmem:v45+s18+$0x0], $0xffff  }
0xca: {  	v35 =	vshll.u32 v35, $0x7;
	v30 =	vmul.f32 v30, v8;
	v18 =	vshll.u32 v29, $0x7;
	[tilespmem:v27+s22+$0x0] =	vst.idx.msk $0xffff, v13;
	v19 =	vld.idx.msk [tilespmem:v19+s18+$0x0], $0xffff  }
0xcb: {  	v17 =	vshll.u32 v25, $0x7;
	v25 =	vor.u32 v0, v41;
	v41 =	vand.u32 $0x7F, v60;
	[tilespmem:v15+s22+$0x0] =	vst.idx.msk $0xffff, v22;
	v51 =	vld.idx.msk [tilespmem:v40+s18+$0x0], $0xffff  }
0xcc: {  	v13 =	vadd.s32 s25, v6;
	[tilespmem:v39+s22+$0x0] =	vst.idx.msk $0xffff, v20;
	v18 =	vor.u32 v2, v18;
	v22 =	vshll.u32 v23, $0x7;
	v23 =	vld.idx.msk [tilespmem:v58+s18+$0x0], $0xffff  }
0xcd: {  	v17 =	vor.u32 v4, v17;
	v15 =	vand.u32 $0x7F, v47;
	v48 =	vor.u32 v5, v41;
	v31 =	vld.idx.msk [tilespmem:v31+s18+$0x0], $0xffff  }
0xce: {  	v47 =	vand.u32 $0x7F, v63;
	v13 =	vand.u32 $0x7F, v13;
	[tilespmem:v28+s22+$0x0] =	vst.idx.msk $0xffff, v12;
	v62 =	vor.u32 v3, v15  }
0xcf: {  	v22 =	vor.u32 v2, v22;
	v50 =	vor.u32 v7, v47;
	v19 =	vmul.f32 v19, v8  }
0xd0: {  	v12 =	vshll.u32 v41, $0x7;
	v54 =	vor.u32 v7, v13;
	[tilespmem:v25+s22+$0x0] =	vst.idx.msk $0xffff, v30;
	v16 =	vmul.f32 v16, v8  }
0xd1: {  	v28 =	vld.idx.msk [tilespmem:v38+s18+$0x0], $0xffff;
	v25 =	vmul.f32 v51, v8;
	v23 =	vmul.f32 v23, v8;
	[tilespmem:v21+s22+$0x0] =	vst.idx.msk $0xffff, v19  }
0xd2: {  	v31 =	vmul.f32 v31, v8;
	[tilespmem:v18+s22+$0x0] =	vst.idx.msk $0xffff, v16;
	v16 =	vor.u32 v2, v35;
	v27 =	vld.idx.msk [tilespmem:v42+s18+$0x0], $0xffff  }
0xd3: {  	v21 =	vor.u32 v5, v11;
	v11 =	vand.u32 $0x7F, v52;
	[tilespmem:v26+s22+$0x0] =	vst.idx.msk $0xffff, v23;
	v26 =	vshll.u32 v10, $0x7  }
0xd4: {  	[tilespmem:v36+s22+$0x0] =	vst.idx.msk $0xffff, v25;
	v18 =	vld.idx.msk [tilespmem:v34+s18+$0x0], $0xffff;
	v10 =	vor.u32 v4, v12;
	v12 =	vshll.u32 v32, $0x7;
	v20 =	vshll.u32 v11, $0x7  }
0xd5: {  	v55 =	vor.u32 v7, v11;
	v24 =	vld.idx.msk [tilespmem:v24+s18+$0x0], $0xffff;
	v11 =	vor.u32 v4, v12;
	v12 =	vadd.s32 s31, v4  }
0xd6: {  	v25 =	vmul.f32 v28, v8;
	v23 =	vadd.s32 s3, v6;
	v58 =	vld.idx.msk [tilespmem:v61+s18+$0x0], $0xffff;
	v12 =	vand.u32 $0x7F, v12  }
0xd7: {  	[tilespmem:v44+s22+$0x0] =	vst.idx.msk $0xffff, v46;
	v23 =	vand.u32 $0x7F, v23;
	v57 =	vor.u32 v5, v12;
	v27 =	vmul.f32 v27, v8  }
0xd8: {  	v29 =	vld.idx.msk [tilespmem:v62+s18+$0x0], $0xffff;
	v60 =	vshll.u32 v12, $0x7;
	v12 =	vor.u32 v6, v20;
	v20 =	vor.u32 v4, v26  }
0xd9: {  	v15 =	vshll.u32 v15, $0x7;
	[tilespmem:v14+s22+$0x0] =	vst.idx.msk $0xffff, v27;
	v14 =	vmul.f32 v18, v8;
	v18 =	vor.u32 v7, v23  }
0xda: {  	v15 =	vor.u32 v2, v15;
	v30 =	vld.idx.msk [tilespmem:v59+s18+$0x0], $0xffff;
	[tilespmem:v37+s22+$0x0] =	vst.idx.msk $0xffff, v31;
	v24 =	vmul.f32 v24, v8  }
0xdb: {  	v13 =	vshll.u32 v13, $0x7;
	v19 =	vshll.u32 v47, $0x7;
	[tilespmem:v16+s22+$0x0] =	vst.idx.msk $0xffff, v25;
	v16 =	vmul.f32 v58, v8  }
0xdc: {  	v59 =	vor.u32 v6, v13;
	v13 =	vor.u32 v6, v19;
	[tilespmem:v43+s22+$0x0] =	vst.idx.msk $0xffff, v24  }
0xdd: {  	v26 =	vld.idx.msk [tilespmem:v21+s18+$0x0], $0xffff;
	v27 =	vmul.f32 v29, v8;
	v23 =	vshll.u32 v23, $0x7;
	[tilespmem:v20+s22+$0x0] =	vst.idx.msk $0xffff, v16  }
0xde: {  	v19 =	vadd.s32 s0, v6;
	v24 =	vor.u32 v6, v23;
	[tilespmem:v17+s22+$0x0] =	vst.idx.msk $0xffff, v14;
	v18 =	vld.idx.msk [tilespmem:v18+s18+$0x0], $0xffff  }
0xdf: {  	v23 =	vand.u32 $0x7F, v9;
	v16 =	vadd.s32 s31, v6;
	v14 =	vmul.f32 v30, v8;
	[tilespmem:v15+s22+$0x0] =	vst.idx.msk $0xffff, v27;
	v17 =	vld.idx.msk [tilespmem:v54+s18+$0x0], $0xffff  }
0xe0: {  	v15 =	vand.u32 $0x7F, v19;
	v9 =	vshll.u32 v23, $0x7;
	v19 =	vor.u32 v4, v60;
	v29 =	vld.idx.msk [tilespmem:v57+s18+$0x0], $0xffff  }
0xe1: {  	v23 =	vor.u32 v7, v23;
	v16 =	vand.u32 $0x7F, v16;
	[tilespmem:v22+s22+$0x0] =	vst.idx.msk $0xffff, v14;
	v14 =	vadd.s32 s1, v6;
	v22 =	vld.idx.msk [tilespmem:v55+s18+$0x0], $0xffff  }
0xe2: {  	v26 =	vmul.f32 v26, v8;
	v27 =	vand.u32 $0x7F, v14;
	v14 =	vshll.u32 v15, $0x7;
	v61 =	vld.idx.msk [tilespmem:v49+s18+$0x0], $0xffff  }
0xe3: {  	v25 =	vshll.u32 v27, $0x7;
	v14 =	vor.u32 v6, v14;
	v63 =	vmul.f32 v18, v8  }
0xe4: {  	v21 =	vld.idx.msk [tilespmem:v48+s18+$0x0], $0xffff;
	v20 =	vor.u32 v7, v27;
	v62 =	vmul.f32 v17, v8;
	v17 =	vor.u32 v7, v15  }
0xe5: {  	v15 =	vor.u32 v6, v25;
	v25 =	vmul.f32 v29, v8;
	[tilespmem:v24+s22+$0x0] =	vst.idx.msk $0xffff, v63;
	v24 =	vld.idx.msk [tilespmem:v50+s18+$0x0], $0xffff  }
0xe6: {  	[tilespmem:v56+s22+$0x0] =	vst.idx.msk $0xffff, v26;
	v18 =	vmul.f32 v22, v8;
	v22 =	vor.u32 v7, v16;
	v16 =	vshll.u32 v16, $0x7  }
0xe7: {  	s28 =	sadd.s32 $0x1, s28;
	s30 =	simm.s32 $0x8;
	s29 =	sor.u32 $0x20, s29;
	[tilespmem:v59+s22+$0x0] =	vst.idx.msk $0xffff, v62;
	v26 =	vmul.f32 v61, v8;
	v16 =	vor.u32 v6, v16  }
.LBB2_5:
0xe8: {  	s0 =	sadd.s32 $0x1, s30  }
0xe9: {  	s10 =	sadd.s32 $0x2, s30;
	s11 =	sadd.s32 $0x3, s30;
	[tilespmem:v19+s22+$0x0] =	vst.idx.msk $0xffff, v25;
	v19 =	vmul.f32 v21, v8;
	v21 =	vld.idx.msk [tilespmem:v23+s18+$0x0], $0xffff;
	v23 =	vor.u32 v6, v9;
	s31 =	smov.u32 s30  }
0xea: {  	s25 =	sadd.s32 $0x4, s30;
	s3 =	sadd.s32 $0x5, s30;
	s1 =	sadd.s32 $0x6, s30;
	v24 =	vmul.f32 v24, v8;
	v25 =	vadd.s32 s0, v0;
	v27 =	vadd.s32 s10, v0;
	[tilespmem:v11+s22+$0x0] =	vst.idx.msk $0xffff, v26  }
0xeb: {  	p2 =	slt.u32 s30, $0x78;
	s30 =	sadd.s32 $0x8, s30;
	v11 =	vadd.s32 s11, v4;
	v26 =	vadd.s32 s25, v0;
	v28 =	vadd.s32 s3, v0;
	s14 =	sadd.s32 $0x7, s31;
	v20 =	vld.idx.msk [tilespmem:v20+s18+$0x0], $0xffff  }
0xec: {  	v9 =	vadd.s32 s11, v6;
	v28 =	vand.u32 $0x7F, v28;
	v29 =	vadd.s32 s14, v0;
	v22 =	vld.idx.msk [tilespmem:v22+s18+$0x0], $0xffff;
	[tilespmem:v10+s22+$0x0] =	vst.idx.msk $0xffff, v19  }
0xed: {  	v10 =	vadd.s32 s10, v4;
	v19 =	vand.u32 $0x7F, v26;
	v26 =	vor.u32 v1, v28;
	v17 =	vld.idx.msk [tilespmem:v17+s18+$0x0], $0xffff;
	[tilespmem:v13+s22+$0x0] =	vst.idx.msk $0xffff, v24  }
0xee: {  	v10 =	vand.u32 $0x7F, v10;
	v13 =	vadd.s32 s25, v2;
	v24 =	vadd.s32 s25, v4;
	[tilespmem:v12+s22+$0x0] =	vst.idx.msk $0xffff, v18  }
0xef: {  	v12 =	vand.u32 $0x7F, v13;
	v18 =	vand.u32 $0x7F, v24;
	v13 =	vmul.f32 v21, v8  }
0xf0: {  	v29 =	vand.u32 $0x7F, v29;
	v21 =	vadd.s32 s11, v0;
	v24 =	vshll.u32 v12, $0x7  }
0xf1: {  	v30 =	vor.u32 v1, v29;
	v29 =	vshll.u32 v29, $0x7;
	[tilespmem:v23+s22+$0x0] =	vst.idx.msk $0xffff, v13;
	v13 =	vmul.f32 v20, v8  }
0xf2: {  	v20 =	vand.u32 $0x7F, v25;
	v23 =	vor.u32 v0, v29;
	v22 =	vmul.f32 v22, v8  }
0xf3: {  	v29 =	vadd.s32 s14, v4;
	v17 =	vmul.f32 v17, v8;
	v25 =	vld.idx.msk [tilespmem:v26+s18+$0x0], $0xffff;
	v26 =	vadd.s32 s1, v2;
	[tilespmem:v15+s22+$0x0] =	vst.idx.msk $0xffff, v13  }
0xf4: {  	v13 =	vand.u32 $0x7F, v27;
	v15 =	vadd.s32 s3, v4;
	v27 =	vadd.s32 s14, v2;
	[tilespmem:v16+s22+$0x0] =	vst.idx.msk $0xffff, v22  }
0xf5: {  	v21 =	vand.u32 $0x7F, v21;
	v16 =	vshll.u32 v13, $0x7;
	v22 =	vand.u32 $0x7F, v29;
	[tilespmem:v14+s22+$0x0] =	vst.idx.msk $0xffff, v17  }
0xf6: {  	v29 =	vadd.s32 s3, v2;
	v14 =	vshll.u32 v20, $0x7;
	v17 =	vor.u32 v3, v12;
	v30 =	vld.idx.msk [tilespmem:v30+s18+$0x0], $0xffff  }
0xf7: {  	v31 =	vadd.s32 s1, v0;
	v12 =	vor.u32 v0, v14;
	v14 =	vor.u32 v1, v13  }
0xf8: {  	v32 =	vadd.s32 s1, v4;
	v15 =	vand.u32 $0x7F, v15;
	v13 =	vadd.s32 s11, v2  }
0xf9: {  	v33 =	vor.u32 v1, v19;
	v34 =	vor.u32 v5, v15;
	v25 =	vmul.f32 v25, v8  }
0xfa: {  	v35 =	vadd.s32 s0, v2;
	v36 =	vadd.s32 s10, v2;
	v37 =	vand.u32 $0x7F, v13  }
0xfb: {  	v35 =	vand.u32 $0x7F, v35;
	v36 =	vand.u32 $0x7F, v36;
	v38 =	vshll.u32 v37, $0x7  }
0xfc: {  	v39 =	vshll.u32 v21, $0x7;
	v13 =	vor.u32 v3, v35;
	v30 =	vmul.f32 v30, v8;
	v14 =	vld.idx.msk [tilespmem:v14+s18+$0x0], $0xffff  }
0xfd: {  	v31 =	vand.u32 $0x7F, v31;
	v40 =	vor.u32 v3, v36;
	v36 =	vshll.u32 v36, $0x7  }
0xfe: {  	v41 =	vshll.u32 v31, $0x7;
	v24 =	vor.u32 v2, v24;
	v26 =	vand.u32 $0x7F, v26;
	[tilespmem:v23+s22+$0x0] =	vst.idx.msk $0xffff, v30  }
0xff: {  	v28 =	vshll.u32 v28, $0x7;
	v30 =	vor.u32 v5, v18;
	v23 =	vld.idx.msk [tilespmem:v33+s18+$0x0], $0xffff;
	v33 =	vshll.u32 v22, $0x7  }
0x100: {  	v31 =	vor.u32 v1, v31;
	v29 =	vand.u32 $0x7F, v29;
	v35 =	vshll.u32 v35, $0x7  }
0x101: {  	v19 =	vshll.u32 v19, $0x7;
	v28 =	vor.u32 v0, v28;
	v21 =	vor.u32 v1, v21  }
0x102: {  	v42 =	vadd.s32 s31, v0;
	v19 =	vor.u32 v0, v19;
	v43 =	vor.u32 v3, v29  }
0x103: {  	v42 =	vand.u32 $0x7F, v42;
	v22 =	vor.u32 v5, v22;
	v44 =	vmul.f32 v14, v8  }
0x104: {  	v45 =	vor.u32 v1, v42;
	v42 =	vshll.u32 v42, $0x7;
	v27 =	vand.u32 $0x7F, v27  }
0x105: {  	v36 =	vor.u32 v2, v36;
	v14 =	vor.u32 v2, v38;
	v23 =	vmul.f32 v23, v8  }
0x106: {  	v37 =	vor.u32 v3, v37;
	v18 =	vshll.u32 v18, $0x7;
	v38 =	vor.u32 v0, v39;
	[tilespmem:v28+s22+$0x0] =	vst.idx.msk $0xffff, v25  }
0x107: {  	v20 =	vor.u32 v1, v20;
	v18 =	vor.u32 v4, v18;
	[tilespmem:v19+s22+$0x0] =	vst.idx.msk $0xffff, v23;
	v19 =	vld.idx.msk [tilespmem:v43+s18+$0x0], $0xffff  }
0x108: {  	v25 =	vor.u32 v3, v27;
	v27 =	vshll.u32 v27, $0x7;
	v23 =	vshll.u32 v29, $0x7  }
0x109: {  	v15 =	vshll.u32 v15, $0x7;
	v28 =	vor.u32 v0, v41;
	v29 =	vor.u32 v3, v26;
	v17 =	vld.idx.msk [tilespmem:v17+s18+$0x0], $0xffff  }
0x10a: {  	v16 =	vor.u32 v0, v16;
	v15 =	vor.u32 v4, v15;
	v23 =	vor.u32 v2, v23  }
0x10b: {  	v33 =	vor.u32 v4, v33;
	v41 =	vadd.s32 s0, v4;
	v43 =	vor.u32 v5, v10;
	v39 =	vld.idx.msk [tilespmem:v45+s18+$0x0], $0xffff  }
0x10c: {  	v42 =	vor.u32 v0, v42;
	v41 =	vand.u32 $0x7F, v41;
	v45 =	vadd.s32 s31, v2;
	v20 =	vld.idx.msk [tilespmem:v20+s18+$0x0], $0xffff  }
0x10d: {  	v26 =	vshll.u32 v26, $0x7;
	v45 =	vand.u32 $0x7F, v45;
	v19 =	vmul.f32 v19, v8;
	v25 =	vld.idx.msk [tilespmem:v25+s18+$0x0], $0xffff  }
0x10e: {  	v47 =	vadd.s32 s10, v6;
	v32 =	vand.u32 $0x7F, v32;
	v46 =	vor.u32 v3, v45;
	v21 =	vld.idx.msk [tilespmem:v21+s18+$0x0], $0xffff  }
0x10f: {  	v49 =	vor.u32 v5, v32;
	v48 =	vor.u32 v5, v41;
	v26 =	vor.u32 v2, v26;
	v31 =	vld.idx.msk [tilespmem:v31+s18+$0x0], $0xffff  }
0x110: {  	v47 =	vand.u32 $0x7F, v47;
	v17 =	vmul.f32 v17, v8;
	[tilespmem:v23+s22+$0x0] =	vst.idx.msk $0xffff, v19;
	v19 =	vor.u32 v2, v27  }
0x111: {  	v11 =	vand.u32 $0x7F, v11;
	v23 =	vshll.u32 v45, $0x7;
	v27 =	vor.u32 v2, v35;
	[tilespmem:v16+s22+$0x0] =	vst.idx.msk $0xffff, v44;
	v16 =	vld.idx.msk [tilespmem:v34+s18+$0x0], $0xffff  }
0x112: {  	v35 =	vor.u32 v7, v47;
	v34 =	vmul.f32 v39, v8;
	[tilespmem:v24+s22+$0x0] =	vst.idx.msk $0xffff, v17;
	v17 =	vadd.s32 s3, v6  }
0x113: {  	v39 =	vor.u32 v5, v11;
	v24 =	vshll.u32 v47, $0x7;
	v25 =	vmul.f32 v25, v8;
	v30 =	vld.idx.msk [tilespmem:v30+s18+$0x0], $0xffff  }
0x114: {  	v21 =	vmul.f32 v21, v8;
	v17 =	vand.u32 $0x7F, v17;
	[tilespmem:v42+s22+$0x0] =	vst.idx.msk $0xffff, v34;
	v34 =	vld.idx.msk [tilespmem:v40+s18+$0x0], $0xffff;
	v40 =	vshll.u32 v11, $0x7  }
0x115: {  	v11 =	vmul.f32 v20, v8;
	v20 =	vadd.s32 s25, v6;
	v31 =	vmul.f32 v31, v8  }
0x116: {  	v44 =	vor.u32 v7, v17;
	v20 =	vand.u32 $0x7F, v20;
	v42 =	vld.idx.msk [tilespmem:v46+s18+$0x0], $0xffff;
	[tilespmem:v19+s22+$0x0] =	vst.idx.msk $0xffff, v25;
	v19 =	vadd.s32 s14, v6  }
0x117: {  	v23 =	vor.u32 v2, v23;
	v25 =	vshll.u32 v10, $0x7;
	[tilespmem:v12+s22+$0x0] =	vst.idx.msk $0xffff, v11;
	v11 =	vshll.u32 v41, $0x7;
	v12 =	vld.idx.msk [tilespmem:v22+s18+$0x0], $0xffff  }
0x118: {  	v13 =	vld.idx.msk [tilespmem:v13+s18+$0x0], $0xffff;
	v10 =	vor.u32 v4, v11;
	[tilespmem:v38+s22+$0x0] =	vst.idx.msk $0xffff, v21;
	v21 =	vshll.u32 v20, $0x7;
	v11 =	vshll.u32 v32, $0x7  }
0x119: {  	v20 =	vor.u32 v7, v20;
	v22 =	vld.idx.msk [tilespmem:v37+s18+$0x0], $0xffff;
	[tilespmem:v28+s22+$0x0] =	vst.idx.msk $0xffff, v31;
	v11 =	vor.u32 v4, v11  }
0x11a: {  	v30 =	vmul.f32 v30, v8;
	v28 =	vadd.s32 s31, v4;
	v31 =	vmul.f32 v34, v8;
	v29 =	vld.idx.msk [tilespmem:v29+s18+$0x0], $0xffff  }
0x11b: {  	v19 =	vand.u32 $0x7F, v19;
	v32 =	vor.u32 v4, v40;
	v28 =	vand.u32 $0x7F, v28  }
0x11c: {  	v17 =	vshll.u32 v17, $0x7;
	v16 =	vmul.f32 v16, v8;
	[tilespmem:v18+s22+$0x0] =	vst.idx.msk $0xffff, v30;
	v18 =	vor.u32 v7, v19  }
0x11d: {  	v34 =	vor.u32 v5, v28;
	v30 =	vmul.f32 v42, v8;
	v19 =	vshll.u32 v19, $0x7;
	[tilespmem:v36+s22+$0x0] =	vst.idx.msk $0xffff, v31  }
0x11e: {  	v37 =	vor.u32 v6, v17;
	v17 =	vmul.f32 v12, v8;
	v31 =	vmul.f32 v13, v8;
	v36 =	vld.idx.msk [tilespmem:v43+s18+$0x0], $0xffff  }
0x11f: {  	v28 =	vshll.u32 v28, $0x7;
	v12 =	vor.u32 v6, v21;
	v22 =	vmul.f32 v22, v8;
	[tilespmem:v15+s22+$0x0] =	vst.idx.msk $0xffff, v16  }
0x120: {  	v13 =	vor.u32 v6, v24;
	v16 =	vmul.f32 v29, v8;
	v15 =	vld.idx.msk [tilespmem:v44+s18+$0x0], $0xffff;
	[tilespmem:v33+s22+$0x0] =	vst.idx.msk $0xffff, v17  }
0x121: {  	v17 =	vor.u32 v4, v25;
	[tilespmem:v14+s22+$0x0] =	vst.idx.msk $0xffff, v22;
	v18 =	vld.idx.msk [tilespmem:v18+s18+$0x0], $0xffff;
	v22 =	vor.u32 v6, v19  }
0x122: {  	v29 =	vand.u32 $0x7F, v9;
	v14 =	vadd.s32 s0, v6;
	v25 =	vld.idx.msk [tilespmem:v39+s18+$0x0], $0xffff;
	[tilespmem:v26+s22+$0x0] =	vst.idx.msk $0xffff, v16;
	v16 =	vadd.s32 s1, v6  }
0x123: {  	v9 =	vshll.u32 v29, $0x7;
	[tilespmem:v23+s22+$0x0] =	vst.idx.msk $0xffff, v30;
	v23 =	vand.u32 $0x7F, v14;
	v26 =	vld.idx.msk [tilespmem:v20+s18+$0x0], $0xffff;
	v16 =	vand.u32 $0x7F, v16  }
0x124: {  	v20 =	vmul.f32 v36, v8;
	v30 =	vld.idx.msk [tilespmem:v34+s18+$0x0], $0xffff;
	[tilespmem:v27+s22+$0x0] =	vst.idx.msk $0xffff, v31;
	v14 =	vshll.u32 v23, $0x7;
	v27 =	vshll.u32 v16, $0x7  }
0x125: {  	v19 =	vor.u32 v4, v28;
	v28 =	vld.idx.msk [tilespmem:v49+s18+$0x0], $0xffff  }
0x126: {  	v14 =	vor.u32 v6, v14;
	v15 =	vmul.f32 v15, v8;
	v21 =	vld.idx.msk [tilespmem:v48+s18+$0x0], $0xffff;
	[tilespmem:v17+s22+$0x0] =	vst.idx.msk $0xffff, v20  }
.Ltmp3:
0x127: {  	v17 =	vor.u32 v7, v23;
	v23 =	vor.u32 v7, v29;
	v29 =	vmul.f32 v18, v8;
	v24 =	vld.idx.msk [tilespmem:v35+s18+$0x0], $0xffff;
	(pc) =	sbr.rel @p2 .LBB2_5-.Ltmp3, $4  }
0x128: {  	v18 =	vadd.s32 s31, v6;
	v20 =	vor.u32 v7, v16;
	[tilespmem:v37+s22+$0x0] =	vst.idx.msk $0xffff, v15;
	v15 =	vor.u32 v6, v27  }
0x129: {  	v16 =	vand.u32 $0x7F, v18;
	v27 =	vmul.f32 v25, v8;
	v18 =	vmul.f32 v26, v8;
	[tilespmem:v22+s22+$0x0] =	vst.idx.msk $0xffff, v29  }
0x12a: {  	v25 =	vmul.f32 v30, v8;
	v22 =	vor.u32 v7, v16;
	v16 =	vshll.u32 v16, $0x7  }
0x12b: {  	v16 =	vor.u32 v6, v16;
	v26 =	vmul.f32 v28, v8;
	[tilespmem:v32+s22+$0x0] =	vst.idx.msk $0xffff, v27  }
0x12c: {  	_ =	sdelay $0x3  }
0x12d: {  	v21 =	vmul.f32 v21, v8;
	v23 =	vld.idx.msk [tilespmem:v23+s18+$0x0], $0xffff;
	[tilespmem:v11+s22+$0x0] =	vst.idx.msk $0xffff, v26  }
0x12e: {  	[tilespmem:v19+s22+$0x0] =	vst.idx.msk $0xffff, v25;
	v11 =	vld.idx.msk [tilespmem:v20+s18+$0x0], $0xffff  }
0x12f: {  	v9 =	vor.u32 v6, v9;
	v19 =	vld.idx.msk [tilespmem:v22+s18+$0x0], $0xffff;
	[tilespmem:v10+s22+$0x0] =	vst.idx.msk $0xffff, v21  }
0x130: {  	v10 =	vmul.f32 v24, v8;
	v17 =	vld.idx.msk [tilespmem:v17+s18+$0x0], $0xffff;
	_ =	sdelay $0x1  }
0x131: {  	[tilespmem:v13+s22+$0x0] =	vst.idx.msk $0xffff, v10;
	v10 =	vmul.f32 v23, v8  }
0x132: {  	[tilespmem:v12+s22+$0x0] =	vst.idx.msk $0xffff, v18;
	v11 =	vmul.f32 v11, v8  }
0x133: {  	[tilespmem:v9+s22+$0x0] =	vst.idx.msk $0xffff, v10;
	v9 =	vmul.f32 v19, v8  }
0x134: {  	p2 =	sne.s32 @!p3 s28, $0x7A;
	v10 =	vmul.f32 v17, v8;
	[tilespmem:v15+s22+$0x0] =	vst.idx.msk $0xffff, v11  }
0x135: {  	s0 =	sshll.u32 s29, $0xB;
	p2 =	por p3, !p2;
	[tilespmem:v16+s22+$0x0] =	vst.idx.msk $0xffff, v9  }
.Ltmp4:
0x136: {  	s0 =	sadd.s32 s6, s0;
	[tilespmem:v14+s22+$0x0] =	vst.idx.msk $0xffff, v10;
	(pc) =	sbr.rel @!p2 .LBB2_2-.Ltmp4, $4  }
0x137: {  	[hbm4b:s0+s2] =	stream.linear.scatter [tilespmem:s22], [sflag:$0x4], $0x4000, $0x38;
	[tilespmem:$0xE080] =	vst v63  }
0x138: {  	s1 =	simm.s32 @!p3 $0x400;
	s0 =	sshll.u32 @!p3 s29, $0x7  }
0x139: {  	s3 =	simm.s32 @!p3 $0x7A1400;
	s10 =	simm.s32 @!p3 $0x2000;
	s0 =	sadd.s32 @!p3 s0, s9  }
0x13a: {  	[tilespmem:s10], [sflag:$0x2] =	stream.strided.gather @!p3 [hbm4b:s0+s1], $0x2000, s3, s1, $0x38;
	[tilespmem:$0xE080] =	vst v63  }
0x13b: {  	_ =	swait.ge [sflag:s23], $0x4000  }
.Ltmp5:
0x13c: {  	[sflag:s23] =	ssyncset.done $0x0;
	(pc) =	sbr.rel @p0 .LBB2_11-.Ltmp5, $4  }
0x13d: {  	[sflag:s23] =	ssyncadd.s32 $0xFFFFC000  }
0x13e: {  	_ =	swait.ge [sflag:s24], $0x4000  }
0x13f: {  	[sflag:s24] =	ssyncset.done $0x0  }
0x140: {  	[sflag:s24] =	ssyncadd.s32 $0xFFFFC000  }
0x141: {  	s1 =	simm.s32 $0x1  }
0x142: {  	s28 =	simm.s32 $0x2;
	s11 =	simm.s32 $0x3;
	s14 =	simm.s32 $0x4;
	v12 =	vadd.s32 s1, v0  }
0x143: {  	s25 =	simm.s32 $0x5;
	s10 =	simm.s32 $0x7;
	v13 =	vadd.s32 s28, v0;
	v11 =	vadd.s32 s11, v4;
	v10 =	vadd.s32 s14, v0  }
0x144: {  	s31 =	simm.s32 $0x6;
	v14 =	vadd.s32 s25, v0;
	v15 =	vadd.s32 s10, v0;
	v16 =	vadd.s32 s28, v4  }
0x145: {  	v19 =	vadd.s32 s14, v2;
	v20 =	vadd.s32 s11, v0;
	v23 =	vadd.s32 s31, v2  }
0x146: {  	v24 =	vadd.s32 s10, v4;
	v25 =	vadd.s32 s25, v4;
	v26 =	vadd.s32 s10, v2  }
0x147: {  	v29 =	vadd.s32 s25, v2;
	v30 =	vadd.s32 s31, v0;
	v31 =	vadd.s32 s11, v2  }
0x148: {  	s0 =	simm.s32 $0x0;
	v32 =	vadd.s32 s31, v4;
	v35 =	vadd.s32 s1, v2;
	v36 =	vadd.s32 s28, v2  }
0x149: {  	v44 =	vadd.s32 s0, v0;
	v60 =	vadd.s32 s1, v4;
	v47 =	vadd.s32 s0, v2  }
0x14a: {  	v63 =	vadd.s32 s28, v6;
	v52 =	vadd.s32 s14, v6;
	v14 =	vand.u32 $0x7F, v14  }
0x14b: {  	v17 =	vand.u32 $0x7F, v10;
	v10 =	vand.u32 $0x7F, v16;
	v16 =	vadd.s32 s14, v4  }
0x14c: {  	v19 =	vand.u32 $0x7F, v19;
	v15 =	vand.u32 $0x7F, v15;
	v12 =	vand.u32 $0x7F, v12  }
0x14d: {  	v13 =	vand.u32 $0x7F, v13;
	v20 =	vand.u32 $0x7F, v20;
	v24 =	vand.u32 $0x7F, v24  }
0x14e: {  	v25 =	vand.u32 $0x7F, v25;
	v31 =	vand.u32 $0x7F, v31;
	v35 =	vand.u32 $0x7F, v35  }
0x14f: {  	v36 =	vand.u32 $0x7F, v36;
	v30 =	vand.u32 $0x7F, v30;
	v23 =	vand.u32 $0x7F, v23  }
0x150: {  	v29 =	vand.u32 $0x7F, v29;
	v44 =	vand.u32 $0x7F, v44;
	v26 =	vand.u32 $0x7F, v26  }
0x151: {  	v32 =	vand.u32 $0x7F, v32;
	v11 =	vand.u32 $0x7F, v11;
	v18 =	vor.u32 v1, v14  }
0x152: {  	v16 =	vand.u32 $0x7F, v16;
	v21 =	vshll.u32 v19, $0x7;
	v22 =	vor.u32 v1, v15  }
0x153: {  	v15 =	vshll.u32 v15, $0x7;
	v27 =	vshll.u32 v13, $0x7;
	v28 =	vshll.u32 v12, $0x7  }
0x154: {  	s3 =	rddreg [dreg:$0x4];
	v19 =	vor.u32 v3, v19;
	v13 =	vor.u32 v1, v13;
	v33 =	vor.u32 v1, v17  }
0x155: {  	[tilespmem:s0], [sflag:$0x1] =	stream.strided.gather [hbm4b:s3+s16], $0x2000, s17, s16, $0x38;
	v34 =	vor.u32 v5, v25;
	v37 =	vshll.u32 v31, $0x7;
	v38 =	vor.u32 v3, v35;
	[tilespmem:$0xE080] =	vst v63  }
0x156: {  	_ =	swait.ge [sflag:s19], $0x2000;
	v39 =	vshll.u32 v20, $0x7;
	v40 =	vor.u32 v3, v36;
	v36 =	vshll.u32 v36, $0x7  }
0x157: {  	[sflag:s19] =	ssyncset.done $0x0;
	v41 =	vshll.u32 v30, $0x7;
	v14 =	vshll.u32 v14, $0x7;
	v43 =	vshll.u32 v24, $0x7  }
0x158: {  	v30 =	vor.u32 v1, v30;
	v20 =	vor.u32 v1, v20;
	v46 =	vor.u32 v1, v44;
	[sflag:s19] =	ssyncadd.s32 $0xFFFFE000  }
0x159: {  	v17 =	vshll.u32 v17, $0x7;
	v45 =	vor.u32 v3, v29;
	v24 =	vor.u32 v5, v24;
	v18 =	vld.idx.msk [tilespmem:v18+s2+$0x0], $0xffff  }
0x15a: {  	v44 =	vshll.u32 v44, $0x7;
	v31 =	vor.u32 v3, v31;
	v12 =	vor.u32 v1, v12;
	v22 =	vld.idx.msk [tilespmem:v22+s2+$0x0], $0xffff  }
0x15b: {  	v58 =	vor.u32 v3, v26;
	v26 =	vshll.u32 v26, $0x7;
	v59 =	vor.u32 v3, v23;
	v13 =	vld.idx.msk [tilespmem:v13+s2+$0x0], $0xffff  }
0x15c: {  	v61 =	vor.u32 v5, v10;
	v49 =	vor.u32 v5, v32;
	v53 =	vshll.u32 v11, $0x7;
	v33 =	vld.idx.msk [tilespmem:v33+s2+$0x0], $0xffff  }
0x15d: {  	v15 =	vor.u32 v0, v15;
	v28 =	vor.u32 v0, v28;
	v21 =	vor.u32 v2, v21;
	v46 =	vld.idx.msk [tilespmem:v46+s2+$0x0], $0xffff  }
0x15e: {  	v42 =	vor.u32 v5, v16;
	v14 =	vor.u32 v0, v14;
	v17 =	vor.u32 v0, v17;
	v20 =	vld.idx.msk [tilespmem:v20+s2+$0x0], $0xffff  }
0x15f: {  	v36 =	vor.u32 v2, v36;
	v37 =	vor.u32 v2, v37;
	v39 =	vor.u32 v0, v39;
	v12 =	vld.idx.msk [tilespmem:v12+s2+$0x0], $0xffff  }
0x160: {  	v27 =	vor.u32 v0, v27;
	v43 =	vor.u32 v4, v43;
	v44 =	vor.u32 v0, v44;
	v30 =	vld.idx.msk [tilespmem:v30+s2+$0x0], $0xffff  }
0x161: {  	v26 =	vor.u32 v2, v26;
	v18 =	vmul.f32 v18, v8;
	v22 =	vmul.f32 v22, v8  }
0x162: {  	v56 =	vor.u32 v4, v53;
	v13 =	vmul.f32 v13, v8;
	v33 =	vmul.f32 v33, v8  }
0x163: {  	v16 =	vshll.u32 v16, $0x7;
	v46 =	vmul.f32 v46, v8;
	v20 =	vmul.f32 v20, v8;
	[tilespmem:v14+s20+$0x0] =	vst.idx.msk $0xffff, v18  }
0x164: {  	v12 =	vmul.f32 v12, v8;
	v14 =	vor.u32 v4, v16;
	[tilespmem:v17+s20+$0x0] =	vst.idx.msk $0xffff, v33;
	v16 =	vld.idx.msk [tilespmem:v45+s2+$0x0], $0xffff  }
0x165: {  	v35 =	vshll.u32 v35, $0x7;
	v30 =	vmul.f32 v30, v8;
	v18 =	vshll.u32 v29, $0x7;
	[tilespmem:v15+s20+$0x0] =	vst.idx.msk $0xffff, v22;
	v19 =	vld.idx.msk [tilespmem:v19+s2+$0x0], $0xffff  }
0x166: {  	v17 =	vshll.u32 v25, $0x7;
	v25 =	vor.u32 v0, v41;
	v22 =	vshll.u32 v23, $0x7;
	[tilespmem:v27+s20+$0x0] =	vst.idx.msk $0xffff, v13;
	v23 =	vld.idx.msk [tilespmem:v58+s2+$0x0], $0xffff  }
0x167: {  	v41 =	vand.u32 $0x7F, v60;
	v15 =	vand.u32 $0x7F, v47;
	[tilespmem:v39+s20+$0x0] =	vst.idx.msk $0xffff, v20;
	v18 =	vor.u32 v2, v18;
	v51 =	vld.idx.msk [tilespmem:v40+s2+$0x0], $0xffff  }
0x168: {  	v47 =	vand.u32 $0x7F, v63;
	v13 =	vadd.s32 s25, v6;
	[tilespmem:v44+s20+$0x0] =	vst.idx.msk $0xffff, v46;
	v62 =	vor.u32 v3, v15;
	v31 =	vld.idx.msk [tilespmem:v31+s2+$0x0], $0xffff  }
0x169: {  	v17 =	vor.u32 v4, v17;
	v48 =	vor.u32 v5, v41;
	v22 =	vor.u32 v2, v22  }
0x16a: {  	[tilespmem:v28+s20+$0x0] =	vst.idx.msk $0xffff, v12;
	v15 =	vshll.u32 v15, $0x7;
	v13 =	vand.u32 $0x7F, v13;
	v16 =	vmul.f32 v16, v8  }
0x16b: {  	v12 =	vshll.u32 v41, $0x7;
	v54 =	vor.u32 v7, v13;
	[tilespmem:v25+s20+$0x0] =	vst.idx.msk $0xffff, v30;
	v19 =	vmul.f32 v19, v8  }
0x16c: {  	v28 =	vld.idx.msk [tilespmem:v38+s2+$0x0], $0xffff;
	v15 =	vor.u32 v2, v15;
	v23 =	vmul.f32 v23, v8;
	[tilespmem:v18+s20+$0x0] =	vst.idx.msk $0xffff, v16  }
0x16d: {  	v29 =	vld.idx.msk [tilespmem:v62+s2+$0x0], $0xffff;
	v25 =	vmul.f32 v51, v8;
	v31 =	vmul.f32 v31, v8;
	[tilespmem:v21+s20+$0x0] =	vst.idx.msk $0xffff, v19  }
0x16e: {  	v16 =	vor.u32 v2, v35;
	v21 =	vor.u32 v5, v11;
	[tilespmem:v26+s20+$0x0] =	vst.idx.msk $0xffff, v23;
	v27 =	vld.idx.msk [tilespmem:v42+s2+$0x0], $0xffff  }
0x16f: {  	v11 =	vand.u32 $0x7F, v52;
	v23 =	vadd.s32 s10, v6;
	v26 =	vshll.u32 v10, $0x7;
	v24 =	vld.idx.msk [tilespmem:v24+s2+$0x0], $0xffff  }
0x170: {  	v10 =	vor.u32 v4, v12;
	v12 =	vshll.u32 v32, $0x7;
	v18 =	vld.idx.msk [tilespmem:v34+s2+$0x0], $0xffff;
	v20 =	vshll.u32 v11, $0x7  }
0x171: {  	[tilespmem:v36+s20+$0x0] =	vst.idx.msk $0xffff, v25;
	v55 =	vor.u32 v7, v11;
	v11 =	vor.u32 v4, v12;
	v12 =	vadd.s32 s0, v4  }
0x172: {  	v25 =	vmul.f32 v28, v8;
	v23 =	vand.u32 $0x7F, v23;
	v58 =	vld.idx.msk [tilespmem:v61+s2+$0x0], $0xffff;
	v12 =	vand.u32 $0x7F, v12  }
0x173: {  	[tilespmem:v37+s20+$0x0] =	vst.idx.msk $0xffff, v31;
	v57 =	vor.u32 v5, v12;
	v60 =	vshll.u32 v12, $0x7;
	v27 =	vmul.f32 v27, v8  }
0x174: {  	v30 =	vld.idx.msk [tilespmem:v59+s2+$0x0], $0xffff;
	v12 =	vor.u32 v6, v20;
	v20 =	vor.u32 v4, v26;
	v24 =	vmul.f32 v24, v8  }
0x175: {  	v13 =	vshll.u32 v13, $0x7;
	[tilespmem:v14+s20+$0x0] =	vst.idx.msk $0xffff, v27;
	v14 =	vmul.f32 v18, v8;
	v18 =	vor.u32 v7, v23  }
0x176: {  	v50 =	vor.u32 v7, v47;
	v59 =	vor.u32 v6, v13;
	[tilespmem:v16+s20+$0x0] =	vst.idx.msk $0xffff, v25  }
0x177: {  	v19 =	vshll.u32 v47, $0x7;
	v26 =	vld.idx.msk [tilespmem:v21+s2+$0x0], $0xffff;
	v16 =	vmul.f32 v58, v8;
	[tilespmem:v43+s20+$0x0] =	vst.idx.msk $0xffff, v24  }
0x178: {  	v13 =	vor.u32 v6, v19;
	v27 =	vmul.f32 v29, v8;
	[tilespmem:v17+s20+$0x0] =	vst.idx.msk $0xffff, v14  }
0x179: {  	v9 =	vadd.s32 s11, v6;
	v23 =	vshll.u32 v23, $0x7;
	[tilespmem:v20+s20+$0x0] =	vst.idx.msk $0xffff, v16;
	v14 =	vmul.f32 v30, v8;
	v17 =	vld.idx.msk [tilespmem:v54+s2+$0x0], $0xffff  }
0x17a: {  	v19 =	vadd.s32 s1, v6;
	v24 =	vand.u32 $0x7F, v9;
	v23 =	vor.u32 v6, v23;
	[tilespmem:v15+s20+$0x0] =	vst.idx.msk $0xffff, v27;
	v18 =	vld.idx.msk [tilespmem:v18+s2+$0x0], $0xffff  }
0x17b: {  	v16 =	vadd.s32 s0, v6;
	v9 =	vshll.u32 v24, $0x7;
	v24 =	vor.u32 v7, v24;
	[tilespmem:v22+s20+$0x0] =	vst.idx.msk $0xffff, v14;
	v22 =	vld.idx.msk [tilespmem:v55+s2+$0x0], $0xffff  }
0x17c: {  	v15 =	vand.u32 $0x7F, v19;
	v26 =	vmul.f32 v26, v8;
	v29 =	vld.idx.msk [tilespmem:v57+s2+$0x0], $0xffff;
	v14 =	vadd.s32 s31, v6  }
0x17d: {  	v16 =	vand.u32 $0x7F, v16;
	v27 =	vand.u32 $0x7F, v14;
	v14 =	vshll.u32 v15, $0x7;
	v61 =	vld.idx.msk [tilespmem:v49+s2+$0x0], $0xffff  }
0x17e: {  	v19 =	vor.u32 v4, v60;
	[tilespmem:v56+s20+$0x0] =	vst.idx.msk $0xffff, v26;
	v25 =	vshll.u32 v27, $0x7;
	v14 =	vor.u32 v6, v14  }
0x17f: {  	v21 =	vld.idx.msk [tilespmem:v48+s2+$0x0], $0xffff;
	v20 =	vor.u32 v7, v27;
	v62 =	vmul.f32 v17, v8;
	v63 =	vmul.f32 v18, v8  }
0x180: {  	v17 =	vor.u32 v7, v15;
	v15 =	vor.u32 v6, v25;
	v18 =	vmul.f32 v22, v8;
	v22 =	vld.idx.msk [tilespmem:v50+s2+$0x0], $0xffff  }
0x181: {  	v25 =	vmul.f32 v29, v8;
	[tilespmem:v23+s20+$0x0] =	vst.idx.msk $0xffff, v63;
	v23 =	vor.u32 v7, v16;
	v16 =	vshll.u32 v16, $0x7  }
0x182: {  	s28 =	simm.s32 $0x8;
	[tilespmem:v59+s20+$0x0] =	vst.idx.msk $0xffff, v62;
	v26 =	vmul.f32 v61, v8;
	v16 =	vor.u32 v6, v16  }
.LBB2_9:
0x183: {  	s0 =	sadd.s32 $0x1, s28  }
0x184: {  	s10 =	sadd.s32 $0x2, s28;
	s11 =	sadd.s32 $0x3, s28;
	[tilespmem:v19+s20+$0x0] =	vst.idx.msk $0xffff, v25;
	v19 =	vmul.f32 v21, v8;
	v21 =	vld.idx.msk [tilespmem:v24+s2+$0x0], $0xffff;
	v24 =	vor.u32 v6, v9;
	s29 =	smov.u32 s28  }
0x185: {  	s25 =	sadd.s32 $0x4, s28;
	s3 =	sadd.s32 $0x5, s28;
	s1 =	sadd.s32 $0x6, s28;
	v22 =	vmul.f32 v22, v8;
	v25 =	vadd.s32 s0, v0;
	v27 =	vadd.s32 s10, v0;
	[tilespmem:v11+s20+$0x0] =	vst.idx.msk $0xffff, v26  }
0x186: {  	p2 =	slt.u32 s28, $0x78;
	s28 =	sadd.s32 $0x8, s28;
	v11 =	vadd.s32 s11, v4;
	v26 =	vadd.s32 s25, v0;
	v28 =	vadd.s32 s3, v0;
	s14 =	sadd.s32 $0x7, s29;
	v20 =	vld.idx.msk [tilespmem:v20+s2+$0x0], $0xffff  }
0x187: {  	v9 =	vadd.s32 s11, v6;
	v28 =	vand.u32 $0x7F, v28;
	v29 =	vadd.s32 s14, v0;
	v23 =	vld.idx.msk [tilespmem:v23+s2+$0x0], $0xffff;
	[tilespmem:v10+s20+$0x0] =	vst.idx.msk $0xffff, v19  }
0x188: {  	v10 =	vadd.s32 s10, v4;
	v19 =	vand.u32 $0x7F, v26;
	v26 =	vor.u32 v1, v28;
	v17 =	vld.idx.msk [tilespmem:v17+s2+$0x0], $0xffff;
	[tilespmem:v13+s20+$0x0] =	vst.idx.msk $0xffff, v22  }
0x189: {  	v10 =	vand.u32 $0x7F, v10;
	v13 =	vadd.s32 s25, v2;
	v22 =	vadd.s32 s25, v4;
	[tilespmem:v12+s20+$0x0] =	vst.idx.msk $0xffff, v18  }
0x18a: {  	v12 =	vand.u32 $0x7F, v13;
	v18 =	vand.u32 $0x7F, v22;
	v13 =	vmul.f32 v21, v8  }
0x18b: {  	v29 =	vand.u32 $0x7F, v29;
	v21 =	vadd.s32 s11, v0;
	v22 =	vshll.u32 v12, $0x7  }
0x18c: {  	v30 =	vor.u32 v1, v29;
	v29 =	vshll.u32 v29, $0x7;
	[tilespmem:v24+s20+$0x0] =	vst.idx.msk $0xffff, v13;
	v13 =	vmul.f32 v20, v8  }
0x18d: {  	v20 =	vand.u32 $0x7F, v25;
	v24 =	vor.u32 v0, v29;
	v23 =	vmul.f32 v23, v8  }
0x18e: {  	v29 =	vadd.s32 s14, v4;
	v17 =	vmul.f32 v17, v8;
	v25 =	vld.idx.msk [tilespmem:v26+s2+$0x0], $0xffff;
	v26 =	vadd.s32 s1, v2;
	[tilespmem:v15+s20+$0x0] =	vst.idx.msk $0xffff, v13  }
0x18f: {  	v13 =	vand.u32 $0x7F, v27;
	v15 =	vadd.s32 s3, v4;
	v27 =	vadd.s32 s14, v2;
	[tilespmem:v16+s20+$0x0] =	vst.idx.msk $0xffff, v23  }
0x190: {  	v21 =	vand.u32 $0x7F, v21;
	v16 =	vshll.u32 v13, $0x7;
	v23 =	vand.u32 $0x7F, v29;
	[tilespmem:v14+s20+$0x0] =	vst.idx.msk $0xffff, v17  }
0x191: {  	v29 =	vadd.s32 s3, v2;
	v14 =	vshll.u32 v20, $0x7;
	v17 =	vor.u32 v3, v12;
	v30 =	vld.idx.msk [tilespmem:v30+s2+$0x0], $0xffff  }
0x192: {  	v31 =	vadd.s32 s1, v0;
	v12 =	vor.u32 v0, v14;
	v14 =	vor.u32 v1, v13  }
0x193: {  	v32 =	vadd.s32 s1, v4;
	v15 =	vand.u32 $0x7F, v15;
	v13 =	vadd.s32 s11, v2  }
0x194: {  	v33 =	vor.u32 v1, v19;
	v34 =	vor.u32 v5, v15;
	v25 =	vmul.f32 v25, v8  }
0x195: {  	v35 =	vadd.s32 s0, v2;
	v36 =	vadd.s32 s10, v2;
	v37 =	vand.u32 $0x7F, v13  }
0x196: {  	v35 =	vand.u32 $0x7F, v35;
	v36 =	vand.u32 $0x7F, v36;
	v38 =	vshll.u32 v37, $0x7  }
0x197: {  	v39 =	vshll.u32 v21, $0x7;
	v13 =	vor.u32 v3, v35;
	v30 =	vmul.f32 v30, v8;
	v14 =	vld.idx.msk [tilespmem:v14+s2+$0x0], $0xffff  }
0x198: {  	v31 =	vand.u32 $0x7F, v31;
	v40 =	vor.u32 v3, v36;
	v36 =	vshll.u32 v36, $0x7  }
0x199: {  	v41 =	vshll.u32 v31, $0x7;
	v22 =	vor.u32 v2, v22;
	v26 =	vand.u32 $0x7F, v26;
	[tilespmem:v24+s20+$0x0] =	vst.idx.msk $0xffff, v30  }
0x19a: {  	v28 =	vshll.u32 v28, $0x7;
	v30 =	vor.u32 v5, v18;
	v24 =	vld.idx.msk [tilespmem:v33+s2+$0x0], $0xffff;
	v33 =	vshll.u32 v23, $0x7  }
0x19b: {  	v31 =	vor.u32 v1, v31;
	v29 =	vand.u32 $0x7F, v29;
	v35 =	vshll.u32 v35, $0x7  }
0x19c: {  	v19 =	vshll.u32 v19, $0x7;
	v28 =	vor.u32 v0, v28;
	v21 =	vor.u32 v1, v21  }
0x19d: {  	v42 =	vadd.s32 s29, v0;
	v19 =	vor.u32 v0, v19;
	v43 =	vor.u32 v3, v29  }
0x19e: {  	v42 =	vand.u32 $0x7F, v42;
	v23 =	vor.u32 v5, v23;
	v44 =	vmul.f32 v14, v8  }
0x19f: {  	v45 =	vor.u32 v1, v42;
	v42 =	vshll.u32 v42, $0x7;
	v27 =	vand.u32 $0x7F, v27  }
0x1a0: {  	v36 =	vor.u32 v2, v36;
	v14 =	vor.u32 v2, v38;
	v24 =	vmul.f32 v24, v8  }
0x1a1: {  	v37 =	vor.u32 v3, v37;
	v18 =	vshll.u32 v18, $0x7;
	v38 =	vor.u32 v0, v39;
	[tilespmem:v28+s20+$0x0] =	vst.idx.msk $0xffff, v25  }
0x1a2: {  	v20 =	vor.u32 v1, v20;
	v18 =	vor.u32 v4, v18;
	[tilespmem:v19+s20+$0x0] =	vst.idx.msk $0xffff, v24;
	v19 =	vld.idx.msk [tilespmem:v43+s2+$0x0], $0xffff  }
0x1a3: {  	v25 =	vor.u32 v3, v27;
	v27 =	vshll.u32 v27, $0x7;
	v24 =	vshll.u32 v29, $0x7  }
0x1a4: {  	v15 =	vshll.u32 v15, $0x7;
	v28 =	vor.u32 v0, v41;
	v29 =	vor.u32 v3, v26;
	v17 =	vld.idx.msk [tilespmem:v17+s2+$0x0], $0xffff  }
0x1a5: {  	v16 =	vor.u32 v0, v16;
	v15 =	vor.u32 v4, v15;
	v24 =	vor.u32 v2, v24  }
0x1a6: {  	v33 =	vor.u32 v4, v33;
	v41 =	vadd.s32 s0, v4;
	v43 =	vor.u32 v5, v10;
	v39 =	vld.idx.msk [tilespmem:v45+s2+$0x0], $0xffff  }
0x1a7: {  	v42 =	vor.u32 v0, v42;
	v41 =	vand.u32 $0x7F, v41;
	v45 =	vadd.s32 s29, v2;
	v20 =	vld.idx.msk [tilespmem:v20+s2+$0x0], $0xffff  }
0x1a8: {  	v26 =	vshll.u32 v26, $0x7;
	v45 =	vand.u32 $0x7F, v45;
	v19 =	vmul.f32 v19, v8;
	v25 =	vld.idx.msk [tilespmem:v25+s2+$0x0], $0xffff  }
0x1a9: {  	v47 =	vadd.s32 s10, v6;
	v32 =	vand.u32 $0x7F, v32;
	v46 =	vor.u32 v3, v45;
	v21 =	vld.idx.msk [tilespmem:v21+s2+$0x0], $0xffff  }
0x1aa: {  	v49 =	vor.u32 v5, v32;
	v48 =	vor.u32 v5, v41;
	v26 =	vor.u32 v2, v26;
	v31 =	vld.idx.msk [tilespmem:v31+s2+$0x0], $0xffff  }
0x1ab: {  	v47 =	vand.u32 $0x7F, v47;
	v17 =	vmul.f32 v17, v8;
	[tilespmem:v24+s20+$0x0] =	vst.idx.msk $0xffff, v19;
	v19 =	vor.u32 v2, v27  }
0x1ac: {  	v11 =	vand.u32 $0x7F, v11;
	v24 =	vshll.u32 v45, $0x7;
	v27 =	vor.u32 v2, v35;
	[tilespmem:v16+s20+$0x0] =	vst.idx.msk $0xffff, v44;
	v16 =	vld.idx.msk [tilespmem:v34+s2+$0x0], $0xffff  }
0x1ad: {  	v35 =	vor.u32 v7, v47;
	v34 =	vmul.f32 v39, v8;
	[tilespmem:v22+s20+$0x0] =	vst.idx.msk $0xffff, v17;
	v17 =	vadd.s32 s3, v6  }
0x1ae: {  	v39 =	vor.u32 v5, v11;
	v22 =	vshll.u32 v47, $0x7;
	v25 =	vmul.f32 v25, v8;
	v30 =	vld.idx.msk [tilespmem:v30+s2+$0x0], $0xffff  }
0x1af: {  	v21 =	vmul.f32 v21, v8;
	v17 =	vand.u32 $0x7F, v17;
	[tilespmem:v42+s20+$0x0] =	vst.idx.msk $0xffff, v34;
	v34 =	vld.idx.msk [tilespmem:v40+s2+$0x0], $0xffff;
	v40 =	vshll.u32 v11, $0x7  }
0x1b0: {  	v11 =	vmul.f32 v20, v8;
	v20 =	vadd.s32 s25, v6;
	v31 =	vmul.f32 v31, v8  }
0x1b1: {  	v44 =	vor.u32 v7, v17;
	v20 =	vand.u32 $0x7F, v20;
	v42 =	vld.idx.msk [tilespmem:v46+s2+$0x0], $0xffff;
	[tilespmem:v19+s20+$0x0] =	vst.idx.msk $0xffff, v25;
	v19 =	vadd.s32 s14, v6  }
0x1b2: {  	v24 =	vor.u32 v2, v24;
	v25 =	vshll.u32 v10, $0x7;
	[tilespmem:v12+s20+$0x0] =	vst.idx.msk $0xffff, v11;
	v11 =	vshll.u32 v41, $0x7;
	v12 =	vld.idx.msk [tilespmem:v23+s2+$0x0], $0xffff  }
0x1b3: {  	v13 =	vld.idx.msk [tilespmem:v13+s2+$0x0], $0xffff;
	v10 =	vor.u32 v4, v11;
	[tilespmem:v38+s20+$0x0] =	vst.idx.msk $0xffff, v21;
	v21 =	vshll.u32 v20, $0x7;
	v11 =	vshll.u32 v32, $0x7  }
0x1b4: {  	v20 =	vor.u32 v7, v20;
	v23 =	vld.idx.msk [tilespmem:v37+s2+$0x0], $0xffff;
	[tilespmem:v28+s20+$0x0] =	vst.idx.msk $0xffff, v31;
	v11 =	vor.u32 v4, v11  }
0x1b5: {  	v30 =	vmul.f32 v30, v8;
	v28 =	vadd.s32 s29, v4;
	v31 =	vmul.f32 v34, v8;
	v29 =	vld.idx.msk [tilespmem:v29+s2+$0x0], $0xffff  }
0x1b6: {  	v19 =	vand.u32 $0x7F, v19;
	v32 =	vor.u32 v4, v40;
	v28 =	vand.u32 $0x7F, v28  }
0x1b7: {  	v17 =	vshll.u32 v17, $0x7;
	v16 =	vmul.f32 v16, v8;
	[tilespmem:v18+s20+$0x0] =	vst.idx.msk $0xffff, v30;
	v18 =	vor.u32 v7, v19  }
0x1b8: {  	v34 =	vor.u32 v5, v28;
	v30 =	vmul.f32 v42, v8;
	v19 =	vshll.u32 v19, $0x7;
	[tilespmem:v36+s20+$0x0] =	vst.idx.msk $0xffff, v31  }
0x1b9: {  	v37 =	vor.u32 v6, v17;
	v17 =	vmul.f32 v12, v8;
	v31 =	vmul.f32 v13, v8;
	v36 =	vld.idx.msk [tilespmem:v43+s2+$0x0], $0xffff  }
0x1ba: {  	v28 =	vshll.u32 v28, $0x7;
	v12 =	vor.u32 v6, v21;
	v23 =	vmul.f32 v23, v8;
	[tilespmem:v15+s20+$0x0] =	vst.idx.msk $0xffff, v16  }
0x1bb: {  	v13 =	vor.u32 v6, v22;
	v16 =	vmul.f32 v29, v8;
	v15 =	vld.idx.msk [tilespmem:v44+s2+$0x0], $0xffff;
	[tilespmem:v33+s20+$0x0] =	vst.idx.msk $0xffff, v17  }
0x1bc: {  	v17 =	vor.u32 v4, v25;
	[tilespmem:v14+s20+$0x0] =	vst.idx.msk $0xffff, v23;
	v18 =	vld.idx.msk [tilespmem:v18+s2+$0x0], $0xffff;
	v23 =	vor.u32 v6, v19  }
0x1bd: {  	v29 =	vand.u32 $0x7F, v9;
	v14 =	vadd.s32 s0, v6;
	v25 =	vld.idx.msk [tilespmem:v39+s2+$0x0], $0xffff;
	[tilespmem:v26+s20+$0x0] =	vst.idx.msk $0xffff, v16;
	v16 =	vadd.s32 s1, v6  }
0x1be: {  	v9 =	vshll.u32 v29, $0x7;
	v22 =	vand.u32 $0x7F, v14;
	[tilespmem:v24+s20+$0x0] =	vst.idx.msk $0xffff, v30;
	v26 =	vld.idx.msk [tilespmem:v20+s2+$0x0], $0xffff;
	v16 =	vand.u32 $0x7F, v16  }
0x1bf: {  	v14 =	vshll.u32 v22, $0x7;
	v20 =	vmul.f32 v36, v8;
	v30 =	vld.idx.msk [tilespmem:v34+s2+$0x0], $0xffff;
	[tilespmem:v27+s20+$0x0] =	vst.idx.msk $0xffff, v31;
	v27 =	vshll.u32 v16, $0x7  }
0x1c0: {  	v19 =	vor.u32 v4, v28;
	v28 =	vld.idx.msk [tilespmem:v49+s2+$0x0], $0xffff  }
0x1c1: {  	v14 =	vor.u32 v6, v14;
	v15 =	vmul.f32 v15, v8;
	v21 =	vld.idx.msk [tilespmem:v48+s2+$0x0], $0xffff;
	[tilespmem:v17+s20+$0x0] =	vst.idx.msk $0xffff, v20  }
.Ltmp6:
0x1c2: {  	v24 =	vor.u32 v7, v29;
	v17 =	vor.u32 v7, v22;
	v29 =	vmul.f32 v18, v8;
	v22 =	vld.idx.msk [tilespmem:v35+s2+$0x0], $0xffff;
	(pc) =	sbr.rel @p2 .LBB2_9-.Ltmp6, $4  }
0x1c3: {  	v18 =	vadd.s32 s29, v6;
	v20 =	vor.u32 v7, v16;
	[tilespmem:v37+s20+$0x0] =	vst.idx.msk $0xffff, v15;
	v15 =	vor.u32 v6, v27  }
0x1c4: {  	v16 =	vand.u32 $0x7F, v18;
	v27 =	vmul.f32 v25, v8;
	v18 =	vmul.f32 v26, v8;
	[tilespmem:v23+s20+$0x0] =	vst.idx.msk $0xffff, v29  }
0x1c5: {  	v25 =	vmul.f32 v30, v8;
	v23 =	vor.u32 v7, v16;
	v16 =	vshll.u32 v16, $0x7  }
0x1c6: {  	v16 =	vor.u32 v6, v16;
	v26 =	vmul.f32 v28, v8;
	[tilespmem:v32+s20+$0x0] =	vst.idx.msk $0xffff, v27  }
0x1c7: {  	_ =	sdelay $0x3  }
0x1c8: {  	v21 =	vmul.f32 v21, v8;
	v24 =	vld.idx.msk [tilespmem:v24+s2+$0x0], $0xffff;
	[tilespmem:v19+s20+$0x0] =	vst.idx.msk $0xffff, v25  }
0x1c9: {  	[tilespmem:v11+s20+$0x0] =	vst.idx.msk $0xffff, v26;
	v19 =	vld.idx.msk [tilespmem:v23+s2+$0x0], $0xffff  }
0x1ca: {  	v9 =	vor.u32 v6, v9;
	v11 =	vld.idx.msk [tilespmem:v20+s2+$0x0], $0xffff;
	[tilespmem:v10+s20+$0x0] =	vst.idx.msk $0xffff, v21  }
0x1cb: {  	v17 =	vld.idx.msk [tilespmem:v17+s2+$0x0], $0xffff  }
0x1cc: {  	v61 =	vmul.f32 v22, v8  }
0x1cd: {  	[tilespmem:v12+s20+$0x0] =	vst.idx.msk $0xffff, v18;
	v62 =	vmul.f32 v24, v8  }
0x1ce: {  	[tilespmem:v13+s20+$0x0] =	vst.idx.msk $0xffff, v61;
	v63 =	vmul.f32 v19, v8  }
0x1cf: {  	v11 =	vmul.f32 v11, v8;
	[tilespmem:v9+s20+$0x0] =	vst.idx.msk $0xffff, v62  }
0x1d0: {  	v8 =	vmul.f32 v17, v8;
	[tilespmem:v16+s20+$0x0] =	vst.idx.msk $0xffff, v63  }
0x1d1: {  	[tilespmem:v15+s20+$0x0] =	vst.idx.msk $0xffff, v11  }
0x1d2: {  	[tilespmem:v14+s20+$0x0] =	vst.idx.msk $0xffff, v8  }
0x1d3: {  	s0 =	rddreg [dreg:$0x5]  }
0x1d4: {  	[hbm4b:s0+s2] =	stream.linear.scatter [tilespmem:s20], [sflag:$0x3], $0x4000, $0x38;
	[tilespmem:$0xE080] =	vst v63  }
0x1d5: {  	_ =	swait.ge [sflag:s23], $0x4000  }
0x1d6: {  	[sflag:s23] =	ssyncset.done $0x0  }
0x1d7: {  	[sflag:s23] =	ssyncadd.s32 $0xFFFFC000  }
.LBB2_11:
.Ltmp7:
0x1d8: {  	(pc) =	sbr.rel @p1 .LBB2_15-.Ltmp7, $1  }
0x1d9: {  	_ =	sdelay $0x3  }
0x1da: {  	s0 =	simm.s32 $0x0;
	s1 =	rddreg [dreg:$0x3];
	s3 =	simm.s32 $0xC000  }
0x1db: {  	[tilespmem:s3], [sflag:$0x2] =	stream.linear.gather [hbm4b:s1+s0], $0x2000, $0x38;
	[tilespmem:$0xE080] =	vst v63  }
0x1dc: {  	_ =	swait.ge [sflag:s21], $0x2000  }
0x1dd: {  	[sflag:s21] =	ssyncset.done $0x0  }
0x1de: {  	s0 =	simm.s32 $0x0;
	[sflag:s21] =	ssyncadd.s32 $0xFFFFE000  }
0x1df: {  	v8 =	vld [tilespmem:s0+$0xC030]  }
0x1e0: {  	v9 =	vld [tilespmem:s0+$0xC000]  }
0x1e1: {  	v10 =	vld [tilespmem:s0+$0xC010]  }
0x1e2: {  	s1 =	simm.s32 $0x200;
	v11 =	vld [tilespmem:s0+$0xC020]  }
.LBB2_13:
0x1e3: {  	p2 =	sne.s32 s1, $0x7E00  }
.Ltmp8:
0x1e4: {  	s3 =	sshra.s32 s1, $0x2;
	s1 =	sadd.s32 $0x200, s1;
	[tilespmem:s0+$0x8030] =	vst v8;
	(pc) =	sbr.rel @p2 .LBB2_13-.Ltmp8, $4  }
0x1e5: {  	v8 =	vld [tilespmem:s3+$0xC030];
	[tilespmem:s0+$0x8000] =	vst v9  }
0x1e6: {  	v9 =	vld [tilespmem:s3+$0xC000];
	[tilespmem:s0+$0x8010] =	vst v10  }
0x1e7: {  	v10 =	vld [tilespmem:s3+$0xC010];
	[tilespmem:s0+$0x8020] =	vst v11;
	s0 =	smov.u32 s3  }
0x1e8: {  	v11 =	vld [tilespmem:s0+$0xC020]  }
0x1e9: {  	_ = 	snop  }
0x1ea: {  	[tilespmem:s0+$0x8030] =	vst v8  }
0x1eb: {  	[tilespmem:s0+$0x8000] =	vst v9  }
0x1ec: {  	[tilespmem:s0+$0x8010] =	vst v10  }
.Ltmp9:
0x1ed: {  	[tilespmem:s0+$0x8020] =	vst v11;
	(pc) =	sbr.rel .LBB2_15-.Ltmp9, $4  }
0x1ee: {  	[hbm4b:s12+s2] =	stream.linear.scatter [tilespmem:s22], [sflag:$0x4], $0x2000, $0x38;
	[tilespmem:$0xE080] =	vst v63  }
0x1ef: {  	_ =	swait.ge [sflag:s24], $0x2000  }
0x1f0: {  	[sflag:s24] =	ssyncset.done $0x0  }
0x1f1: {  	[sflag:s24] =	ssyncadd.s32 $0xFFFFE000  }
.LBB2_16:
0x1f2: {  	_ =	sfence.sel $0x180000  }
0x1f3: {  	[bflag:$0x0] =	sbarrier.arrive $0xFFFF  }
0x1f4: {  	_ =	strace $0x90000047  }
0x1f5: {  	s0 =	stileid.u32;
	[bflag:$0x2] =	sbarrier.arrive $0xFFFF  }
0x1f6: {  	p0 =	sne.s32 s0, $0x0;
	s0 =	rddreg [dreg:$0x2]  }
0x1f7: {  	s0 =	sadd.s32 @!p0 $0x100000, s0  }
0x1f8: {  	[sflag:s0] =	ssyncadd.tile.s32 @!p0 $0x1;
	_ =	shalt  }
.Lfunc_end2:
_tile_overlayer_lowered:
.L_overlay_start_2:
0x1f9: {  	(tag) =	ssettag $0x2  }
0x1fa: {  	s0 =	rddreg [dreg:$0x0];
	s2 =	stileid.u32  }
0x1fb: {  	s1 =	rddreg [dreg:$0x1];
	p0 =	sne.s32 s2, $0x0  }
0x1fc: {  	s3 =	rddreg [dreg:$0x2];
	[bflag:$0x3] =	sbarrier.arrive $0xFFFF;
	s2 =	simm.s32 @!p0 $0x1C05  }
0x1fd: {  	[timem:s3], [sflag:s2] =	dma.local @!p0 [hbm:s0], s1  }
0x1fe: {  	s0 =	simm.s32 @!p0 $0x5  }
0x1ff: {  	_ =	swait.ge @!p0 [sflag:s0], s1  }
0x200: {  	s1 =	ssub.s32 @!p0 $0x0, s1;
	[sflag:s0] =	ssyncset.done @!p0 $0x0  }
0x201: {  	[sflag:s0] =	ssyncadd.s32 @!p0 s1  }
0x202: {  	[bflag:$0x3] =	sbarrier.arrive $0xFFFF  }
0x203: {  	_ =	shalt  }

// kernel: kernel.7.cloned.1.call-start
scs
__scs_entry_jumppad:
0x0: {  	(pc) =	sbr.rel $0x88, $3  }
0x1: {  	(tag) =	ssettag $0x0;
	lr =	simm.s32 $0x1  }
0x2: {  	[smem:$0x3F9F] =	sst lr;
	_ =	strace $0xD0000000  }
0x3: {  	_ = 	snop  }
0x4: {  	_ = 	snop  }
0x5: {  	_ = 	snop  }
0x6: {  	_ = 	snop  }
0x7: {  	_ = 	snop  }
__scs_overlays_trampoline_lowered:
0x8: {  	[smem:$0x3FAE] =	sst s0  }
0x9: {  	[smem:$0x3FAF] =	sst s1  }
0xa: {  	[smem:$0x3FB0] =	sst s2  }
0xb: {  	[smem:$0x3FB1] =	sst s3  }
0xc: {  	[smem:$0x3FB2] =	sst s4  }
0xd: {  	[smem:$0x3FB3] =	sst s5  }
0xe: {  	[smem:$0x3FB4] =	sst s6  }
0xf: {  	[smem:$0x3FB5] =	sst s7  }
0x10: {  	[smem:$0x3FB6] =	sst s8  }
0x11: {  	[smem:$0x3FB7] =	sst s9;
	s0 =	simm.s32 @!p0 $0x0  }
0x12: {  	s1 =	sld [smem:$0x3F9D];
	s0 =	simm.s32 @p0 $0x1  }
0x13: {  	[smem:$0x3FB8] =	sst s0;
	s0 =	simm.s32 @!p1 $0x0  }
0x14: {  	s2 =	sld [smem:$0x3F9C];
	s0 =	simm.s32 @p1 $0x1  }
0x15: {  	[smem:$0x3FB9] =	sst s0;
	s0 =	simm.s32 @!p2 $0x0  }
0x16: {  	s3 =	sld [smem:$0x3FDB];
	s0 =	simm.s32 @p2 $0x1  }
0x17: {  	s4 =	simm.s32 $0x1BF5;
	[smem:$0x3FBB] =	sst s0  }
0x18: {  	s0 =	sld [smem:$0x3F9E];
	_ =	swait.ge [sflag:s4], $0x0  }
0x19: {  	s7 =	sld [smem:$0x3F9F]  }
0x1a: {  	s8 =	sadd.s32 $0xFFFFE003, lr  }
0x1b: {  	s9 =	sadd.s32 $0xFFFFFEF7, lr;
	s5 =	simm.s32 $0xFFFFFFFF;
	p2 =	slt.u32 s8, $0xFFFFF086  }
0x1c: {  	p1 =	slt.u32 s9, $0xF7A;
	s5 =	simm.s32 @!p2 $0x0  }
0x1d: {  	s5 =	simm.s32 @p1 $0x1;
	p0 =	seq.s32 s7, s2  }
0x1e: {  	s7 =	smul.u32 @!p0 $0xF7A, s2;
	p2 =	seq.s32 @!p0 s5, $0x0  }
0x1f: {  	s9 =	smul.u32 $0xF7A, s1;
	s8 =	simm.s32 @!p0 $0x1BF5;
	p2 =	por !p2, p0  }
0x20: {  	[sflag:s8] =	ssyncset.s32 @!p0 $0xFFFFF086;
	s6 =	sadd.s32 @!p0 s3, s7;
	s7 =	simm.s32 @!p0 $0x108  }
0x21: {  	s3 =	sadd.s32 s3, s9;
	s6 =	sadd.s32 @!p0 $0x88, s6;
	s7 =	simm.s32 @p2 $0x1082  }
0x22: {  	[simem:s7], [sflag:s8] =	dma.local @!p0 [hbm:s6], $0xF7A  }
0x23: {  	s9 =	sor.u32 $0xD0000000, s2;
	s6 =	simm.s32 $0x108;
	_ =	swait.ge @!p0 [sflag:s8], $0x0  }
0x24: {  	s3 =	sadd.s32 $0x88, s3;
	s6 =	simm.s32 @!p1 $0x1082;
	[sflag:s4] =	ssyncset.s32 $0xFFFFF086  }
0x25: {  	[simem:s6], [sflag:s4] =	dma.local [hbm:s3], $0xF7A  }
0x26: {  	[smem:$0x3F9F] =	sst s1;
	(tag) =	ssettag s2;
	_ =	strace s9  }
0x27: {  	s1 =	sld [smem:$0x3FAF]  }
0x28: {  	s2 =	sld [smem:$0x3FB0]  }
0x29: {  	s4 =	sld [smem:$0x3FB2]  }
0x2a: {  	p0 =	seq.s32 s5, $0x0;
	s5 =	sld [smem:$0x3FB3]  }
0x2b: {  	s6 =	sld [smem:$0x3FB4]  }
0x2c: {  	s7 =	sld [smem:$0x3FB5]  }
0x2d: {  	s3 =	simm.s32 $0x108;
	s8 =	sld [smem:$0x3FB6]  }
0x2e: {  	s3 =	simm.s32 @!p0 $0x1082;
	s9 =	sld [smem:$0x3FB7]  }
0x2f: {  	lr =	sadd.s32 s0, s3;
	s0 =	sld [smem:$0x3FAE]  }
0x30: {  	s3 =	sld [smem:$0x3FB1]  }
0x31: {  	[smem:$0x3FBA] =	sst s10  }
0x32: {  	s10 =	sld [smem:$0x3FB8];
	_ =	sdelay $0x3  }
0x33: {  	p0 =	seq.s32 s10, $0x1;
	s10 =	sld [smem:$0x3FBA];
	_ =	sdelay $0x3  }
0x34: {  	[smem:$0x3FBA] =	sst s10  }
0x35: {  	s10 =	sld [smem:$0x3FB9];
	_ =	sdelay $0x3  }
0x36: {  	p1 =	seq.s32 s10, $0x1;
	s10 =	sld [smem:$0x3FBA];
	_ =	sdelay $0x3  }
0x37: {  	[smem:$0x3FBA] =	sst s10  }
0x38: {  	s10 =	sld [smem:$0x3FBB]  }
0x39: {  	_ = 	snop;
	(pc) =	sbr.ind lr, $3  }
0x3a: {  	_ = 	snop  }
0x3b: {  	_ = 	snop  }
0x3c: {  	p2 =	seq.s32 s10, $0x1;
	s10 =	sld [smem:$0x3FBA]  }
0x3d: {  	_ =	shalt  }
0x3e: {  	_ =	shalt  }
0x3f: {  	_ =	shalt  }
0x40: {  	_ =	shalt  }
0x41: {  	_ =	shalt  }
0x42: {  	_ =	shalt  }
0x43: {  	_ =	shalt  }
0x44: {  	_ =	shalt  }
0x45: {  	_ =	shalt  }
0x46: {  	_ =	shalt  }
0x47: {  	_ =	shalt  }
0x48: {  	_ =	shalt  }
0x49: {  	_ =	shalt  }
0x4a: {  	_ =	shalt  }
0x4b: {  	_ =	shalt  }
0x4c: {  	_ =	shalt  }
0x4d: {  	_ =	shalt  }
0x4e: {  	_ =	shalt  }
0x4f: {  	_ =	shalt  }
0x50: {  	_ =	shalt  }
0x51: {  	_ =	shalt  }
0x52: {  	_ =	shalt  }
0x53: {  	_ =	shalt  }
0x54: {  	_ =	shalt  }
0x55: {  	_ =	shalt  }
0x56: {  	_ =	shalt  }
0x57: {  	_ =	shalt  }
0x58: {  	_ =	shalt  }
0x59: {  	_ =	shalt  }
0x5a: {  	_ =	shalt  }
0x5b: {  	_ =	shalt  }
0x5c: {  	_ =	shalt  }
0x5d: {  	_ =	shalt  }
0x5e: {  	_ =	shalt  }
0x5f: {  	_ =	shalt  }
0x60: {  	_ =	shalt  }
0x61: {  	_ =	shalt  }
0x62: {  	_ =	shalt  }
0x63: {  	_ =	shalt  }
0x64: {  	_ =	shalt  }
0x65: {  	_ =	shalt  }
0x66: {  	_ =	shalt  }
0x67: {  	_ =	shalt  }
0x68: {  	_ =	shalt  }
0x69: {  	_ =	shalt  }
0x6a: {  	_ =	shalt  }
0x6b: {  	_ =	shalt  }
0x6c: {  	_ =	shalt  }
0x6d: {  	_ =	shalt  }
0x6e: {  	_ =	shalt  }
0x6f: {  	_ =	shalt  }
0x70: {  	_ =	shalt  }
0x71: {  	_ =	shalt  }
0x72: {  	_ =	shalt  }
0x73: {  	_ =	shalt  }
0x74: {  	_ =	shalt  }
0x75: {  	_ =	shalt  }
0x76: {  	_ =	shalt  }
0x77: {  	_ =	shalt  }
0x78: {  	_ =	shalt  }
0x79: {  	_ =	shalt  }
0x7a: {  	_ =	shalt  }
0x7b: {  	_ =	shalt  }
0x7c: {  	_ =	shalt  }
0x7d: {  	_ =	shalt  }
0x7e: {  	_ =	shalt  }
0x7f: {  	_ =	shalt  }
0x80: {  	_ =	shalt  }
0x81: {  	_ =	shalt  }
0x82: {  	_ =	shalt  }
0x83: {  	_ =	shalt  }
0x84: {  	_ =	shalt  }
0x85: {  	_ =	shalt  }
0x86: {  	_ =	shalt  }
0x87: {  	_ =	shalt  }
.Lfunc_end0:
.L_simem_size_0:
called_computation.2_lowered:
.L_overlay_start_0:
0x88: {  	s2 =	sld [smem:$0x3FD9]  }
0x89: {  	s3 =	sld [smem:$0x3FFE];
	_ =	sdelay $0x1  }
0x8a: {  	s1 =	srdreg.scid  }
0x8b: {  	s0 =	sand.u32 $0x1, s1  }
0x8c: {  	s17 =	sshll.u32 s0, $0xA;
	s2 =	sadd.s32 s3, s2  }
0x8d: {  	s2 =	sadd.s32 s2, s17  }
0x8e: {  	[smem:$0x3FC6] =	sst s2  }
0x8f: {  	_ = 	snop  }
0x90: {  	s2 =	sld [smem:$0x3FD0];
	(tm) =	ssettm $0x1  }
0x91: {  	s18 =	sld [smem:$0x3FFB];
	_ =	sdelay $0x3  }
0x92: {  	_ =	strace s18  }
0x93: {  	s3 =	sld [smem:$0x3FFC];
	_ =	sdelay $0x3  }
0x94: {  	_ =	strace s3  }
0x95: {  	s3 =	sld [smem:$0x3FFD];
	_ =	sdelay $0x3  }
0x96: {  	_ =	strace s3  }
0x97: {  	_ =	strace $0x8FFFFFFF  }
0x98: {  	s19 =	sld [smem:$0x3FDB];
	_ =	sdelay $0x1  }
0x99: {  	s4 =	simm.s32 $_scs_section_size  }
0x9a: {  	s5 =	simm.s32 $_size__tile_overlayer_lowered;
	s6 =	simm.s32 $_tile_overlayer_lowered  }
0x9b: {  	s22 =	simm.s32 $0x1BFF;
	s21 =	sshll.u32 s6, $0x1;
	s3 =	sadd.s32 s4, s19  }
0x9c: {  	s7 =	simm.s32 $0x0;
	s20 =	sshll.u32 s5, $0x1;
	s5 =	sadd.s32 s21, s3  }
0x9d: {  	[timem:s7], [sflag:s22] =	dma.local [hbm:s5], s20  }
0x9e: {  	_ =	swait.ge [sflag:s22], s20  }
0x9f: {  	s4 =	ssub.s32 $0x0, s20;
	[sflag:s22] =	ssyncset.done $0x0  }
0xa0: {  	[sflag:s22] =	ssyncadd.s32 s4;
	_ =	sdelay $0x1  }
0xa1: {  	s23 =	simm.s32 $0x1B8B  }
0xa2: {  	_ =	swait.ge [sflag:s23], $0x1  }
0xa3: {  	[sflag:s23] =	ssyncset.done $0x0  }
0xa4: {  	s25 =	simm.s32 $0x1B8E;
	s24 =	sld [smem:$0x3FFE];
	[sflag:s23] =	ssyncadd.s32 $0xFFFFFFFF  }
0xa5: {  	s26 =	simm.s32 $execute0_lowered;
	[smem:$0x3FD2] =	sst s25  }
0xa6: {  	s5 =	sshll.u32 s26, $0x1;
	_ =	strace $0x80000049;
	[dreg:$0x1] =	wrdreg $0xFFFFFFFF  }
0xa7: {  	s28 =	simm.s32 $_size_execute0_lowered;
	s3 =	sadd.s32 s3, s5;
	[dreg:$0x0] =	wrdreg $0x0  }
0xa8: {  	s5 =	sshll.u32 s28, $0x1;
	[dreg:$0x2] =	wrdreg s3  }
0xa9: {  	[dreg:$0x3] =	wrdreg s5  }
0xaa: {  	[dreg:$0x4] =	wrdreg $0xC0  }
0xab: {  	_ =	task [dreg:s7], $0x5FFFF  }
0xac: {  	[dreg:$0x1] =	wrdreg $0xFFFFFFFF  }
0xad: {  	[dreg:$0x0] =	wrdreg $0x60  }
0xae: {  	[dreg:$0x2] =	wrdreg s2  }
0xaf: {  	[dreg:$0x3] =	wrdreg s24  }
0xb0: {  	[dreg:$0x4] =	wrdreg $0x9  }
0xb1: {  	_ =	task.clear_ibuf [dreg:s7], $0x5FFFF;
	_ =	strace $0x90000049  }
0xb2: {  	s29 =	simm.s32 $0x9;
	_ =	strace $0x8000004B  }
0xb3: {  	_ =	swait.ge [sflag:s29], $0x1  }
0xb4: {  	[sflag:s29] =	ssyncadd.s32 $0xFFFFFFFF  }
0xb5: {  	_ =	strace $0x9000004B  }
0xb6: {  	_ =	sfence  }
0xb7: {  	s30 =	sld [smem:$0x0];
	_ =	sdelay $0x2  }
0xb8: {  	s31 =	sshll.u32 s1, $0xD;
	s1 =	sshrl.u32 s1, $0x2  }
0xb9: {  	s3 =	sand.u32 $0x4000, s31;
	s1 =	sadd.s32 s1, s30  }
0xba: {  	s0 =	sor.u32 s3, s0;
	s1 =	sshll.u32 s1, $0x11  }
0xbb: {  	s0 =	sor.u32 s1, s0  }
0xbc: {  	s0 =	sadd.s32 $0x8F2B, s0  }
0xbd: {  	[sflag:s0] =	ssyncadd.remote.s32 $0x1  }
0xbe: {  	_ =	sfence.sel $0xFFFF  }
0xbf: {  	[dreg:$0x0] =	wrdreg $0xFFFFFFFF;
	(pc) =	sbr.abs _section_cstart, $3  }
0xc0: {  	[dreg:$0x1] =	wrdreg $0xFFFFFFFF  }
0xc1: {  	_ =	task.clear_ibuf [dreg:s7], $0x2FFFF;
	_ =	strace $0x9FFFFFFF  }
0xc2: {  	(tm) =	ssettm $0x7FFFFFFF  }
0xc3: {  	_ =	shalt  }
tec
execute0_lowered:
.L_overlay_start_1:
0x0: {  	(tag) =	ssettag $0x1  }
0x1: {  	s5 =	rddreg [dreg:$0x0]  }
0x2: {  	s4 =	rddreg [dreg:$0x1]  }
0x3: {  	s0 =	rddreg [dreg:$0x2];
	s3 =	srdreg.scid  }
0x4: {  	s1 =	stileid.u32;
	s2 =	simm.s32 $0x0;
	s11 =	simm.s32 $0x6400  }
0x5: {  	s12 =	simm.s32 $0xA400;
	s13 =	simm.s32 $0x1;
	s14 =	simm.s32 $0xE400  }
0x6: {  	s15 =	simm.s32 $0x2;
	s16 =	simm.s32 $0x4;
	s17 =	simm.s32 $0x12400  }
0x7: {  	s18 =	simm.s32 $0x3;
	s3 =	sand.u32 $0x1, s3;
	s6 =	sshll.u32 s1, $0x1  }
0x8: {  	s19 =	simm.s32 $0x0;
	[smem:$0x7FF] =	sst s2;
	s6 =	sor.u32 s3, s6  }
0x9: {  	_ =	strace $0x8000004A;
	s7 =	ssub.s32 $0x2, s3;
	s8 =	smul.u32 $0xC80, s6  }
0xa: {  	s3 =	sadd.s32 $0x1400, s4;
	s9 =	sshrl.u32 s7, $0x1;
	s10 =	smul.u32 $0x64000, s6  }
0xb: {  	s4 =	sadd.s32 $0xF43800, s4;
	s6 =	smul.u32 $0x320000, s6;
	s7 =	ssub.s32 s7, s9  }
0xc: {  	s9 =	simm.s32 $0x5;
	s5 =	sadd.s32 s5, s8;
	s31 =	sadd.s32 s10, s4  }
0xd: {  	s7 =	smax.u32 s7, $0x1;
	s10 =	simm.s32 $0x80;
	s8 =	sadd.s32 $0x800, s31  }
.LBB2_1:
0xe: {  	[tilespmem:s2], [sflag:$0x5] =	stream.linear.gather [hbm4b:s5+s2], $0x6400, $0x38;
	[tilespmem:$0x16400] =	vst v63  }
0xf: {  	_ =	swait.ge [sflag:s9], $0x6400  }
0x10: {  	[sflag:s9] =	ssyncset.done $0x0  }
0x11: {  	[sflag:s9] =	ssyncadd.s32 $0xFFFF9C00  }
0x12: {  	[tilespmem:s11], [sflag:$0x1] =	stream.indirect.gather [hbm4b:s3+s10], $0x80, s2, s10, $0xb8;
	[tilespmem:$0x16400] =	vst v63  }
0x13: {  	s20 =	simm.s32 $0x0  }
0x14: {  	[tilespmem:s12], [sflag:$0x2] =	stream.indirect.gather [hbm4b:s3+s10], $0x80, s10, s10, $0xb8;
	[tilespmem:$0x16400] =	vst v63  }
.LBB2_2:
0x15: {  	_ =	swait.ge [sflag:s13], $0x4000  }
0x16: {  	p0 =	seq.s32 s20, $0x0;
	[sflag:s13] =	ssyncset.done $0x0  }
0x17: {  	s21 =	simm.s32 @!p0 $0x3;
	[sflag:s13] =	ssyncadd.s32 $0xFFFFC000  }
0x18: {  	_ =	swait.ge @!p0 [sflag:s21], $0x4000  }
0x19: {  	[sflag:s21] =	ssyncset.done @!p0 $0x0  }
0x1a: {  	s23 =	simm.s32 $0x6600;
	[sflag:s21] =	ssyncadd.s32 @!p0 $0xFFFFC000  }
0x1b: {  	v0 =	vld [tilespmem:s23+$0x180]  }
0x1c: {  	v1 =	vld [tilespmem:s23+$0xFFFFFE80]  }
0x1d: {  	v2 =	vld [tilespmem:s23+$0xFFFFFF00]  }
0x1e: {  	v3 =	vld [tilespmem:s23+$0xFFFFFF80]  }
0x1f: {  	s21 =	simm.s32 $0xE600;
	v4 =	vld [tilespmem:s23+$0x0]  }
0x20: {  	v5 =	vld [tilespmem:s23+$0x80];
	[tilespmem:s21+$0x180] =	vst v0  }
0x21: {  	[tilespmem:s21+$0xFFFFFE80] =	vst v1;
	v1 =	vld [tilespmem:s23+$0x100]  }
0x22: {  	[tilespmem:s21+$0xFFFFFF00] =	vst v2;
	v2 =	vld [tilespmem:s23+$0xFFFFFE00]  }
0x23: {  	[tilespmem:s21+$0xFFFFFF80] =	vst v3;
	v0 =	vld [tilespmem:s23+$0x190]  }
0x24: {  	[tilespmem:s21+$0x0] =	vst v4;
	v3 =	vld [tilespmem:s23+$0xFFFFFE90]  }
0x25: {  	[tilespmem:s21+$0x80] =	vst v5;
	v4 =	vld [tilespmem:s23+$0xFFFFFF10]  }
0x26: {  	v5 =	vld [tilespmem:s23+$0xFFFFFF90];
	[tilespmem:s21+$0x100] =	vst v1  }
0x27: {  	[tilespmem:s21+$0xFFFFFE00] =	vst v2;
	v1 =	vld [tilespmem:s23+$0x10]  }
0x28: {  	[tilespmem:s21+$0x190] =	vst v0;
	v2 =	vld [tilespmem:s23+$0xFFFFFE10]  }
0x29: {  	[tilespmem:s21+$0xFFFFFE90] =	vst v3;
	v3 =	vld [tilespmem:s23+$0x90]  }
0x2a: {  	[tilespmem:s21+$0xFFFFFF10] =	vst v4;
	v4 =	vld [tilespmem:s23+$0x110]  }
0x2b: {  	[tilespmem:s21+$0xFFFFFF90] =	vst v5;
	v0 =	vld [tilespmem:s23+$0x1A0]  }
0x2c: {  	v5 =	vld [tilespmem:s23+$0xFFFFFEA0];
	[tilespmem:s21+$0x10] =	vst v1  }
0x2d: {  	v1 =	vld [tilespmem:s23+$0xFFFFFF20];
	[tilespmem:s21+$0xFFFFFE10] =	vst v2  }
0x2e: {  	[tilespmem:s21+$0x90] =	vst v3;
	v3 =	vld [tilespmem:s23+$0xFFFFFFA0]  }
0x2f: {  	[tilespmem:s21+$0x110] =	vst v4;
	v2 =	vld [tilespmem:s23+$0xFFFFFE20]  }
0x30: {  	v4 =	vld [tilespmem:s23+$0x20];
	[tilespmem:s21+$0x1A0] =	vst v0  }
0x31: {  	[tilespmem:s21+$0xFFFFFEA0] =	vst v5;
	v0 =	vld [tilespmem:s23+$0x1B0]  }
0x32: {  	v5 =	vld [tilespmem:s23+$0xA0];
	[tilespmem:s21+$0xFFFFFF20] =	vst v1  }
0x33: {  	v6 =	vld [tilespmem:s23+$0x120];
	[tilespmem:s21+$0xFFFFFFA0] =	vst v3  }
0x34: {  	v7 =	vld [tilespmem:s23+$0xFFFFFEB0];
	[tilespmem:s21+$0xFFFFFE20] =	vst v2  }
0x35: {  	[tilespmem:s21+$0x20] =	vst v4;
	v8 =	vld [tilespmem:s23+$0xFFFFFE30]  }
0x36: {  	[tilespmem:s21+$0x1B0] =	vst v0;
	v0 =	vld [tilespmem:s23+$0xFFFFFF30]  }
0x37: {  	v1 =	vld [tilespmem:s23+$0xFFFFFFB0];
	[tilespmem:s21+$0xA0] =	vst v5  }
0x38: {  	v2 =	vld [tilespmem:s23+$0x30];
	[tilespmem:s21+$0x120] =	vst v6  }
0x39: {  	[tilespmem:s21+$0xFFFFFEB0] =	vst v7;
	v3 =	vld [tilespmem:s23+$0xB0]  }
0x3a: {  	s22 =	simm.s32 $0x0;
	v4 =	vld [tilespmem:s23+$0x130];
	s23 =	simm.s32 $0x6A00;
	[tilespmem:s21+$0xFFFFFE30] =	vst v8  }
.LBB2_3:
0x3b: {  	v5 =	vld [tilespmem:s23+$0x180];
	s22 =	sadd.s32 $0x8, s22;
	[tilespmem:s21+$0xFFFFFF30] =	vst v0  }
0x3c: {  	v0 =	vld [tilespmem:s23+$0xFFFFFE80];
	p1 =	slt.u32 s22, $0x78;
	[tilespmem:s21+$0xFFFFFFB0] =	vst v1  }
0x3d: {  	v1 =	vld [tilespmem:s23+$0xFFFFFF00];
	[tilespmem:s21+$0x30] =	vst v2  }
0x3e: {  	v2 =	vld [tilespmem:s23+$0xFFFFFF80];
	[tilespmem:s21+$0xB0] =	vst v3  }
0x3f: {  	v3 =	vld [tilespmem:s23+$0x0];
	[tilespmem:s21+$0x130] =	vst v4;
	s21 =	sadd.s32 $0x400, s21  }
0x40: {  	v4 =	vld [tilespmem:s23+$0x80];
	[tilespmem:s21+$0x180] =	vst v5  }
0x41: {  	[tilespmem:s21+$0xFFFFFE80] =	vst v0;
	v0 =	vld [tilespmem:s23+$0x190]  }
0x42: {  	[tilespmem:s21+$0xFFFFFF00] =	vst v1;
	v1 =	vld [tilespmem:s23+$0x100]  }
0x43: {  	v5 =	vld [tilespmem:s23+$0xFFFFFE00];
	[tilespmem:s21+$0xFFFFFF80] =	vst v2  }
0x44: {  	v2 =	vld [tilespmem:s23+$0xFFFFFE90];
	[tilespmem:s21+$0x0] =	vst v3  }
0x45: {  	v3 =	vld [tilespmem:s23+$0xFFFFFF10];
	[tilespmem:s21+$0x80] =	vst v4  }
0x46: {  	v4 =	vld [tilespmem:s23+$0xFFFFFF90];
	[tilespmem:s21+$0x190] =	vst v0  }
0x47: {  	[tilespmem:s21+$0x100] =	vst v1;
	v0 =	vld [tilespmem:s23+$0x1A0]  }
0x48: {  	[tilespmem:s21+$0xFFFFFE00] =	vst v5;
	v1 =	vld [tilespmem:s23+$0x10]  }
0x49: {  	v5 =	vld [tilespmem:s23+$0xFFFFFE10];
	[tilespmem:s21+$0xFFFFFE90] =	vst v2  }
0x4a: {  	[tilespmem:s21+$0xFFFFFF10] =	vst v3;
	v2 =	vld [tilespmem:s23+$0x90]  }
0x4b: {  	[tilespmem:s21+$0xFFFFFF90] =	vst v4;
	v3 =	vld [tilespmem:s23+$0x110]  }
0x4c: {  	v4 =	vld [tilespmem:s23+$0xFFFFFEA0];
	[tilespmem:s21+$0x1A0] =	vst v0  }
0x4d: {  	[tilespmem:s21+$0x10] =	vst v1;
	v0 =	vld [tilespmem:s23+$0x1B0]  }
0x4e: {  	[tilespmem:s21+$0xFFFFFE10] =	vst v5;
	v1 =	vld [tilespmem:s23+$0xFFFFFF20]  }
0x4f: {  	v5 =	vld [tilespmem:s23+$0xFFFFFE20];
	[tilespmem:s21+$0x90] =	vst v2  }
0x50: {  	v2 =	vld [tilespmem:s23+$0xFFFFFFA0];
	[tilespmem:s21+$0x110] =	vst v3  }
0x51: {  	[tilespmem:s21+$0xFFFFFEA0] =	vst v4;
	v3 =	vld [tilespmem:s23+$0x20]  }
0x52: {  	v4 =	vld [tilespmem:s23+$0xA0];
	[tilespmem:s21+$0x1B0] =	vst v0  }
0x53: {  	[tilespmem:s21+$0xFFFFFF20] =	vst v1;
	v6 =	vld [tilespmem:s23+$0x120]  }
0x54: {  	[tilespmem:s21+$0xFFFFFE20] =	vst v5;
	v5 =	vld [tilespmem:s23+$0xFFFFFEB0]  }
0x55: {  	v7 =	vld [tilespmem:s23+$0xFFFFFE30];
	[tilespmem:s21+$0xFFFFFFA0] =	vst v2  }
.Ltmp0:
0x56: {  	v0 =	vld [tilespmem:s23+$0xFFFFFF30];
	[tilespmem:s21+$0x20] =	vst v3;
	(pc) =	sbr.rel @p1 .LBB2_3-.Ltmp0, $4  }
0x57: {  	v1 =	vld [tilespmem:s23+$0xFFFFFFB0];
	[tilespmem:s21+$0xA0] =	vst v4  }
0x58: {  	v2 =	vld [tilespmem:s23+$0x30];
	[tilespmem:s21+$0x120] =	vst v6  }
0x59: {  	[tilespmem:s21+$0xFFFFFEB0] =	vst v5;
	v3 =	vld [tilespmem:s23+$0xB0]  }
0x5a: {  	[tilespmem:s21+$0xFFFFFE30] =	vst v7;
	v4 =	vld [tilespmem:s23+$0x130];
	s23 =	sadd.s32 $0x400, s23  }
0x5b: {  	[tilespmem:s21+$0xFFFFFF30] =	vst v0;
	p1 =	sne.s32 s20, $0x63  }
.Ltmp1:
0x5c: {  	s22 =	sshll.u32 s20, $0xF;
	[tilespmem:s21+$0xFFFFFFB0] =	vst v1;
	(pc) =	sbr.rel @p1 .LBB2_6-.Ltmp1, $4  }
0x5d: {  	s22 =	sadd.s32 s6, s22;
	[tilespmem:s21+$0x30] =	vst v2  }
0x5e: {  	s22 =	sshrl.u32 s22, $0x3;
	[tilespmem:s21+$0xB0] =	vst v3  }
0x5f: {  	s31 =	sadd.s32 s4, s22;
	[tilespmem:s21+$0x130] =	vst v4  }
0x60: {  	[hbm4b:s31+s2] =	stream.linear.scatter [tilespmem:s14], [sflag:$0x3], $0x4000, $0x38;
	[tilespmem:$0x16400] =	vst v63  }
.Ltmp2:
0x61: {  	(pc) =	sbr.rel .LBB2_7-.Ltmp2, $4  }
0x62: {  	_ = 	snop  }
0x63: {  	_ =	swait.ge [sflag:s15], $0x4000  }
0x64: {  	[sflag:s15] =	ssyncset.done $0x0  }
0x65: {  	[sflag:s15] =	ssyncadd.s32 $0xFFFFC000  }
.LBB2_6:
0x66: {  	s21 =	sshll.u32 s20, $0x8  }
0x67: {  	s21 =	sand.u32 $0x3FFFFF00, s21  }
.Ltmp3:
0x68: {  	s21 =	sadd.s32 $0x100, s21;
	(pc) =	sbr.rel @p0 .LBB2_8-.Ltmp3, $4  }
0x69: {  	[tilespmem:s11], [sflag:$0x1] =	stream.indirect.gather [hbm4b:s3+s10], $0x80, s21, s10, $0xb8;
	[tilespmem:$0x16400] =	vst v63  }
0x6a: {  	_ =	swait.ge [sflag:s15], $0x4000  }
0x6b: {  	[sflag:s15] =	ssyncset.done $0x0  }
0x6c: {  	[sflag:s15] =	ssyncadd.s32 $0xFFFFC000  }
.LBB2_7:
0x6d: {  	_ =	swait.ge [sflag:s16], $0x4000  }
0x6e: {  	[sflag:s16] =	ssyncset.done $0x0  }
0x6f: {  	[sflag:s16] =	ssyncadd.s32 $0xFFFFC000  }
.LBB2_8:
0x70: {  	s24 =	simm.s32 $0xA600  }
0x71: {  	v0 =	vld [tilespmem:s24+$0x180]  }
0x72: {  	v1 =	vld [tilespmem:s24+$0xFFFFFE80]  }
0x73: {  	v2 =	vld [tilespmem:s24+$0xFFFFFF00]  }
0x74: {  	v3 =	vld [tilespmem:s24+$0xFFFFFF80]  }
0x75: {  	s21 =	simm.s32 $0x12600;
	v4 =	vld [tilespmem:s24+$0x0]  }
0x76: {  	v5 =	vld [tilespmem:s24+$0x80];
	[tilespmem:s21+$0x180] =	vst v0  }
0x77: {  	[tilespmem:s21+$0xFFFFFE80] =	vst v1;
	v1 =	vld [tilespmem:s24+$0x100]  }
0x78: {  	[tilespmem:s21+$0xFFFFFF00] =	vst v2;
	v2 =	vld [tilespmem:s24+$0xFFFFFE00]  }
0x79: {  	[tilespmem:s21+$0xFFFFFF80] =	vst v3;
	v0 =	vld [tilespmem:s24+$0x190]  }
0x7a: {  	[tilespmem:s21+$0x0] =	vst v4;
	v3 =	vld [tilespmem:s24+$0xFFFFFE90]  }
0x7b: {  	[tilespmem:s21+$0x80] =	vst v5;
	v4 =	vld [tilespmem:s24+$0xFFFFFF10]  }
0x7c: {  	v5 =	vld [tilespmem:s24+$0xFFFFFF90];
	[tilespmem:s21+$0x100] =	vst v1  }
0x7d: {  	[tilespmem:s21+$0xFFFFFE00] =	vst v2;
	v1 =	vld [tilespmem:s24+$0x10]  }
0x7e: {  	[tilespmem:s21+$0x190] =	vst v0;
	v2 =	vld [tilespmem:s24+$0xFFFFFE10]  }
0x7f: {  	[tilespmem:s21+$0xFFFFFE90] =	vst v3;
	v3 =	vld [tilespmem:s24+$0x90]  }
0x80: {  	[tilespmem:s21+$0xFFFFFF10] =	vst v4;
	v4 =	vld [tilespmem:s24+$0x110]  }
0x81: {  	[tilespmem:s21+$0xFFFFFF90] =	vst v5;
	v0 =	vld [tilespmem:s24+$0x1A0]  }
0x82: {  	v5 =	vld [tilespmem:s24+$0xFFFFFEA0];
	[tilespmem:s21+$0x10] =	vst v1  }
0x83: {  	v1 =	vld [tilespmem:s24+$0xFFFFFF20];
	[tilespmem:s21+$0xFFFFFE10] =	vst v2  }
0x84: {  	[tilespmem:s21+$0x90] =	vst v3;
	v3 =	vld [tilespmem:s24+$0xFFFFFFA0]  }
0x85: {  	[tilespmem:s21+$0x110] =	vst v4;
	v2 =	vld [tilespmem:s24+$0xFFFFFE20]  }
0x86: {  	v4 =	vld [tilespmem:s24+$0x20];
	[tilespmem:s21+$0x1A0] =	vst v0  }
0x87: {  	[tilespmem:s21+$0xFFFFFEA0] =	vst v5;
	v0 =	vld [tilespmem:s24+$0x1B0]  }
0x88: {  	v5 =	vld [tilespmem:s24+$0xA0];
	[tilespmem:s21+$0xFFFFFF20] =	vst v1  }
0x89: {  	v6 =	vld [tilespmem:s24+$0x120];
	[tilespmem:s21+$0xFFFFFFA0] =	vst v3  }
0x8a: {  	v7 =	vld [tilespmem:s24+$0xFFFFFEB0];
	[tilespmem:s21+$0xFFFFFE20] =	vst v2  }
0x8b: {  	[tilespmem:s21+$0x20] =	vst v4;
	v8 =	vld [tilespmem:s24+$0xFFFFFE30]  }
0x8c: {  	[tilespmem:s21+$0x1B0] =	vst v0;
	v0 =	vld [tilespmem:s24+$0xFFFFFF30]  }
0x8d: {  	v1 =	vld [tilespmem:s24+$0xFFFFFFB0];
	[tilespmem:s21+$0xA0] =	vst v5  }
0x8e: {  	v2 =	vld [tilespmem:s24+$0x30];
	[tilespmem:s21+$0x120] =	vst v6  }
0x8f: {  	[tilespmem:s21+$0xFFFFFEB0] =	vst v7;
	v3 =	vld [tilespmem:s24+$0xB0]  }
0x90: {  	s22 =	sadd.s32 $0x1, s20;
	s23 =	simm.s32 $0x0;
	v4 =	vld [tilespmem:s24+$0x130];
	s24 =	simm.s32 $0xAA00;
	[tilespmem:s21+$0xFFFFFE30] =	vst v8  }
.LBB2_9:
0x91: {  	v5 =	vld [tilespmem:s24+$0x180];
	s23 =	sadd.s32 $0x8, s23;
	[tilespmem:s21+$0xFFFFFF30] =	vst v0  }
0x92: {  	v0 =	vld [tilespmem:s24+$0xFFFFFE80];
	p0 =	slt.u32 s23, $0x78;
	[tilespmem:s21+$0xFFFFFFB0] =	vst v1  }
0x93: {  	v1 =	vld [tilespmem:s24+$0xFFFFFF00];
	[tilespmem:s21+$0x30] =	vst v2  }
0x94: {  	v2 =	vld [tilespmem:s24+$0xFFFFFF80];
	[tilespmem:s21+$0xB0] =	vst v3  }
0x95: {  	v3 =	vld [tilespmem:s24+$0x0];
	[tilespmem:s21+$0x130] =	vst v4;
	s21 =	sadd.s32 $0x400, s21  }
0x96: {  	v4 =	vld [tilespmem:s24+$0x80];
	[tilespmem:s21+$0x180] =	vst v5  }
0x97: {  	[tilespmem:s21+$0xFFFFFE80] =	vst v0;
	v0 =	vld [tilespmem:s24+$0x190]  }
0x98: {  	[tilespmem:s21+$0xFFFFFF00] =	vst v1;
	v1 =	vld [tilespmem:s24+$0x100]  }
0x99: {  	v5 =	vld [tilespmem:s24+$0xFFFFFE00];
	[tilespmem:s21+$0xFFFFFF80] =	vst v2  }
0x9a: {  	v2 =	vld [tilespmem:s24+$0xFFFFFE90];
	[tilespmem:s21+$0x0] =	vst v3  }
0x9b: {  	v3 =	vld [tilespmem:s24+$0xFFFFFF10];
	[tilespmem:s21+$0x80] =	vst v4  }
0x9c: {  	v4 =	vld [tilespmem:s24+$0xFFFFFF90];
	[tilespmem:s21+$0x190] =	vst v0  }
0x9d: {  	[tilespmem:s21+$0x100] =	vst v1;
	v0 =	vld [tilespmem:s24+$0x1A0]  }
0x9e: {  	[tilespmem:s21+$0xFFFFFE00] =	vst v5;
	v1 =	vld [tilespmem:s24+$0x10]  }
0x9f: {  	v5 =	vld [tilespmem:s24+$0xFFFFFE10];
	[tilespmem:s21+$0xFFFFFE90] =	vst v2  }
0xa0: {  	[tilespmem:s21+$0xFFFFFF10] =	vst v3;
	v2 =	vld [tilespmem:s24+$0x90]  }
0xa1: {  	[tilespmem:s21+$0xFFFFFF90] =	vst v4;
	v3 =	vld [tilespmem:s24+$0x110]  }
0xa2: {  	v4 =	vld [tilespmem:s24+$0xFFFFFEA0];
	[tilespmem:s21+$0x1A0] =	vst v0  }
0xa3: {  	[tilespmem:s21+$0x10] =	vst v1;
	v0 =	vld [tilespmem:s24+$0x1B0]  }
0xa4: {  	[tilespmem:s21+$0xFFFFFE10] =	vst v5;
	v1 =	vld [tilespmem:s24+$0xFFFFFF20]  }
0xa5: {  	v5 =	vld [tilespmem:s24+$0xFFFFFE20];
	[tilespmem:s21+$0x90] =	vst v2  }
0xa6: {  	v2 =	vld [tilespmem:s24+$0xFFFFFFA0];
	[tilespmem:s21+$0x110] =	vst v3  }
0xa7: {  	[tilespmem:s21+$0xFFFFFEA0] =	vst v4;
	v3 =	vld [tilespmem:s24+$0x20]  }
0xa8: {  	v4 =	vld [tilespmem:s24+$0xA0];
	[tilespmem:s21+$0x1B0] =	vst v0  }
0xa9: {  	[tilespmem:s21+$0xFFFFFF20] =	vst v1;
	v6 =	vld [tilespmem:s24+$0x120]  }
0xaa: {  	[tilespmem:s21+$0xFFFFFE20] =	vst v5;
	v5 =	vld [tilespmem:s24+$0xFFFFFEB0]  }
0xab: {  	v7 =	vld [tilespmem:s24+$0xFFFFFE30];
	[tilespmem:s21+$0xFFFFFFA0] =	vst v2  }
.Ltmp4:
0xac: {  	v0 =	vld [tilespmem:s24+$0xFFFFFF30];
	[tilespmem:s21+$0x20] =	vst v3;
	(pc) =	sbr.rel @p0 .LBB2_9-.Ltmp4, $4  }
0xad: {  	v1 =	vld [tilespmem:s24+$0xFFFFFFB0];
	[tilespmem:s21+$0xA0] =	vst v4  }
0xae: {  	v2 =	vld [tilespmem:s24+$0x30];
	[tilespmem:s21+$0x120] =	vst v6  }
0xaf: {  	[tilespmem:s21+$0xFFFFFEB0] =	vst v5;
	v3 =	vld [tilespmem:s24+$0xB0]  }
0xb0: {  	[tilespmem:s21+$0xFFFFFE30] =	vst v7;
	v4 =	vld [tilespmem:s24+$0x130];
	s24 =	sadd.s32 $0x400, s24  }
0xb1: {  	[tilespmem:s21+$0xFFFFFF30] =	vst v0  }
0xb2: {  	[tilespmem:s21+$0xFFFFFFB0] =	vst v1  }
0xb3: {  	p0 =	seq.s32 s20, $0x63;
	[tilespmem:s21+$0x30] =	vst v2  }
0xb4: {  	s23 =	sshll.u32 s20, $0xC;
	s20 =	sshll.u32 @!p0 s20, $0x8;
	[tilespmem:s21+$0xB0] =	vst v3  }
0xb5: {  	s31 =	sadd.s32 s8, s23;
	s23 =	simm.s32 @!p0 $0xA400;
	s20 =	sand.u32 @!p0 $0x3FFFFF00, s20;
	[tilespmem:s21+$0x130] =	vst v4  }
0xb6: {  	[hbm4b:s31+s2] =	stream.linear.scatter [tilespmem:s17], [sflag:$0x4], $0x4000, $0x38;
	[tilespmem:$0x16400] =	vst v63  }
0xb7: {  	p1 =	sne.s32 @!p0 s22, $0x64;
	s20 =	sadd.s32 @!p0 $0x180, s20;
	s21 =	simm.s32 @!p0 $0x80  }
0xb8: {  	[tilespmem:s23], [sflag:$0x2] =	stream.indirect.gather @!p0 [hbm4b:s3+s21], $0x80, s20, s21, $0xb8;
	[tilespmem:$0x16400] =	vst v63  }
0xb9: {  	p0 =	por p0, !p1  }
.Ltmp5:
0xba: {  	_ = 	snop;
	(pc) =	sbr.rel @!p0 .LBB2_2-.Ltmp5, $2  }
0xbb: {  	_ =	sdelay $0x2  }
0xbc: {  	s20 =	smov.u32 s22  }
0xbd: {  	s19 =	sadd.s32 $0x1, s19  }
0xbe: {  	_ =	swait.ge [sflag:s18], $0x4000;
	p0 =	sne.s32 s19, s7  }
.Ltmp6:
0xbf: {  	[sflag:s18] =	ssyncset.done $0x0;
	(pc) =	sbr.rel @p0 .LBB2_1-.Ltmp6, $4  }
0xc0: {  	[sflag:s18] =	ssyncadd.s32 $0xFFFFC000  }
0xc1: {  	_ =	swait.ge [sflag:s16], $0x4000  }
0xc2: {  	[sflag:s16] =	ssyncset.done $0x0  }
0xc3: {  	[sflag:s16] =	ssyncadd.s32 $0xFFFFC000  }
0xc4: {  	_ =	sfence.sel $0x180000  }
0xc5: {  	[bflag:$0x0] =	sbarrier.arrive $0xFFFF  }
0xc6: {  	p0 =	sne.s32 s1, $0x0;
	_ =	strace $0x9000004A  }
0xc7: {  	s0 =	sadd.s32 @!p0 $0x100000, s0;
	[bflag:$0x2] =	sbarrier.arrive $0xFFFF  }
0xc8: {  	[sflag:s0] =	ssyncadd.tile.s32 @!p0 $0x1;
	_ =	shalt  }
.Lfunc_end2:
_tile_overlayer_lowered:
.L_overlay_start_2:
0xc9: {  	(tag) =	ssettag $0x2  }
0xca: {  	s0 =	rddreg [dreg:$0x0];
	s2 =	stileid.u32  }
0xcb: {  	s1 =	rddreg [dreg:$0x1];
	p0 =	sne.s32 s2, $0x0  }
0xcc: {  	s3 =	rddreg [dreg:$0x2];
	[bflag:$0x3] =	sbarrier.arrive $0xFFFF;
	s2 =	simm.s32 @!p0 $0x1C05  }
0xcd: {  	[timem:s3], [sflag:s2] =	dma.local @!p0 [hbm:s0], s1  }
0xce: {  	s0 =	simm.s32 @!p0 $0x5  }
0xcf: {  	_ =	swait.ge @!p0 [sflag:s0], s1  }
0xd0: {  	s1 =	ssub.s32 @!p0 $0x0, s1;
	[sflag:s0] =	ssyncset.done @!p0 $0x0  }
0xd1: {  	[sflag:s0] =	ssyncadd.s32 @!p0 s1  }
0xd2: {  	[bflag:$0x3] =	sbarrier.arrive $0xFFFF  }
0xd3: {  	_ =	shalt  }

// kernel: sparse-core-data-format-call.cloned.1.call-start
scs
called_computation_lowered:
.L_overlay_start_0:
0x0: {  	s2 =	sld [smem:$0x3FD9]  }
0x1: {  	s3 =	sld [smem:$0x3FFE];
	_ =	sdelay $0x1  }
0x2: {  	s1 =	srdreg.scid  }
0x3: {  	s0 =	sand.u32 $0x1, s1  }
0x4: {  	s18 =	sshll.u32 s0, $0xA;
	s2 =	sadd.s32 s3, s2  }
0x5: {  	s2 =	sadd.s32 s2, s18  }
0x6: {  	[smem:$0x3FC6] =	sst s2  }
0x7: {  	_ = 	snop  }
0x8: {  	s2 =	sld [smem:$0x3FD0];
	(tm) =	ssettm $0x1  }
0x9: {  	s19 =	sld [smem:$0x3FFB];
	_ =	sdelay $0x3  }
0xa: {  	_ =	strace s19  }
0xb: {  	s3 =	sld [smem:$0x3FFC];
	_ =	sdelay $0x3  }
0xc: {  	_ =	strace s3  }
0xd: {  	s3 =	sld [smem:$0x3FFD];
	_ =	sdelay $0x3  }
0xe: {  	_ =	strace s3  }
0xf: {  	_ =	strace $0x8FFFFFFF  }
0x10: {  	s20 =	sld [smem:$0x3FDB];
	_ =	sdelay $0x1  }
0x11: {  	s4 =	simm.s32 $_scs_section_size  }
0x12: {  	s5 =	simm.s32 $_size__tile_overlayer_lowered;
	s6 =	simm.s32 $_tile_overlayer_lowered  }
0x13: {  	s23 =	simm.s32 $0x1BFF;
	s22 =	sshll.u32 s6, $0x1;
	s3 =	sadd.s32 s4, s20  }
0x14: {  	s7 =	simm.s32 $0x0;
	s21 =	sshll.u32 s5, $0x1;
	s5 =	sadd.s32 s22, s3  }
0x15: {  	[timem:s7], [sflag:s23] =	dma.local [hbm:s5], s21  }
0x16: {  	_ =	swait.ge [sflag:s23], s21  }
0x17: {  	s4 =	ssub.s32 $0x0, s21;
	[sflag:s23] =	ssyncset.done $0x0  }
0x18: {  	[sflag:s23] =	ssyncadd.s32 s4;
	_ =	sdelay $0x1  }
0x19: {  	s24 =	simm.s32 $0x1B8B  }
0x1a: {  	_ =	swait.ge [sflag:s24], $0x1  }
0x1b: {  	[sflag:s24] =	ssyncset.done $0x0  }
0x1c: {  	s26 =	simm.s32 $0x1B8E;
	s25 =	sld [smem:$0x3FFE];
	[sflag:s24] =	ssyncadd.s32 $0xFFFFFFFF  }
0x1d: {  	s27 =	simm.s32 $execute0_lowered;
	[smem:$0x3FD2] =	sst s26  }
0x1e: {  	s5 =	sshll.u32 s27, $0x1;
	_ =	strace $0x8000004C;
	[dreg:$0x1] =	wrdreg $0xFFFFFFFF  }
0x1f: {  	s28 =	simm.s32 $_size_execute0_lowered;
	s3 =	sadd.s32 s3, s5;
	[dreg:$0x0] =	wrdreg $0x0  }
0x20: {  	s5 =	sshll.u32 s28, $0x1;
	[dreg:$0x2] =	wrdreg s3  }
0x21: {  	[dreg:$0x3] =	wrdreg s5  }
0x22: {  	[dreg:$0x4] =	wrdreg $0xC0  }
0x23: {  	_ =	task [dreg:s7], $0x5FFFF  }
0x24: {  	[dreg:$0x1] =	wrdreg $0xFFFFFFFF  }
0x25: {  	[dreg:$0x0] =	wrdreg $0x60  }
0x26: {  	[dreg:$0x2] =	wrdreg s25  }
0x27: {  	[dreg:$0x3] =	wrdreg s2  }
0x28: {  	[dreg:$0x4] =	wrdreg $0x9  }
0x29: {  	_ =	task.clear_ibuf [dreg:s7], $0x5FFFF;
	_ =	strace $0x9000004C  }
0x2a: {  	s29 =	simm.s32 $0x9;
	_ =	strace $0x8000004E  }
0x2b: {  	_ =	swait.ge [sflag:s29], $0x1  }
0x2c: {  	[sflag:s29] =	ssyncadd.s32 $0xFFFFFFFF  }
0x2d: {  	_ =	strace $0x9000004E  }
0x2e: {  	_ =	sfence  }
0x2f: {  	s30 =	sld [smem:$0x0];
	_ =	sdelay $0x2  }
0x30: {  	s31 =	sshll.u32 s1, $0xD;
	s1 =	sshrl.u32 s1, $0x2  }
0x31: {  	s3 =	sand.u32 $0x4000, s31;
	s1 =	sadd.s32 s1, s30  }
0x32: {  	s0 =	sor.u32 s3, s0;
	s1 =	sshll.u32 s1, $0x11  }
0x33: {  	s0 =	sor.u32 s1, s0  }
0x34: {  	s0 =	sadd.s32 $0x8F2B, s0  }
0x35: {  	[sflag:s0] =	ssyncadd.remote.s32 $0x1  }
0x36: {  	_ =	sfence.sel $0xFFFF  }
0x37: {  	[dreg:$0x0] =	wrdreg $0xFFFFFFFF;
	(pc) =	sbr.abs _section_cstart, $3  }
0x38: {  	[dreg:$0x1] =	wrdreg $0xFFFFFFFF  }
0x39: {  	_ =	task.clear_ibuf [dreg:s7], $0x2FFFF;
	_ =	strace $0x9FFFFFFF  }
0x3a: {  	(tm) =	ssettm $0x7FFFFFFF  }
0x3b: {  	_ =	shalt  }
tec
execute0_lowered:
.L_overlay_start_1:
0x0: {  	(tag) =	ssettag $0x1  }
0x1: {  	s0 =	srdreg.scid  }
0x2: {  	s1 =	sshll.u32 s0, $0x4  }
0x3: {  	s0 =	stileid.u32;
	s1 =	sand.u32 $0x10, s1  }
0x4: {  	s1 =	sor.u32 s0, s1  }
0x5: {  	s6 =	rddreg [dreg:$0x0];
	s4 =	simm.s32 $0x1;
	s2 =	sshll.u32 s1, $0x7  }
0x6: {  	s7 =	simm.s32 $0x2;
	s12 =	simm.s32 $0x0;
	s1 =	ssub.s32 $0x1000, s2  }
0x7: {  	s8 =	simm.s32 $0x8000;
	s13 =	simm.s32 $0x0;
	s3 =	sand.u32 $0xF80, s1  }
0x8: {  	s9 =	simm.s32 $0x0;
	s5 =	sshrl.u32 s1, $0xC;
	p0 =	sne.s32 s3, $0x0  }
.Ltmp0:
0x9: {  	s1 =	rddreg [dreg:$0x2];
	s4 =	simm.s32 @!p0 $0x0;
	(pc) =	sbr.rel .LBB1_1-.Ltmp0, $4  }
0xa: {  	s11 =	simm.s32 $0x0;
	s3 =	rddreg [dreg:$0x1];
	s5 =	sadd.s32 s4, s5  }
0xb: {  	_ =	strace $0x8000004D;
	s4 =	simm.s32 $0x1;
	s5 =	smul.u32 $0xC8, s5  }
0xc: {  	s6 =	sadd.s32 $0xF43800, s6;
	s10 =	smov.u32 s2;
	[sflag:s4] =	ssyncpa.u1 $0x0  }
0xd: {  	p0 =	por $0x0, $0x0;
	[sflag:s7] =	ssyncpa.u1 $0x0;
	s7 =	sor.u32 $0x1, s5  }
.LBB1_4:
0xe: {  	s16 =	sshll.u32 s13, $0x3;
	s17 =	sand.u32 $0x78, s13  }
0xf: {  	s30 =	sand.u32 $0x7E00, s13;
	s12 =	sshll.u32 s12, $0xF;
	s16 =	sand.u32 $0xC00, s16  }
0x10: {  	[tilespmem:s15+$0x810 ss:$0x81] =	vst.msk $0xffff, v2;
	s31 =	sand.u32 $0x7, s13;
	s16 =	sor.u32 s17, s16;
	s17 =	sadd.s32 s3, s30  }
0x11: {  	[tilespmem:s15+$0x1020 ss:$0x81] =	vst.msk $0xffff, v0;
	s13 =	sshll.u32 s31, $0x12;
	s12 =	sadd.s32 s12, s17;
	s16 =	sshrl.u32 s16, $0x3  }
0x12: {  	[tilespmem:s15+$0x0 ss:$0x81] =	vst.msk $0xffff, v1;
	s13 =	sor.u32 $0x400, s13;
	s12 =	sadd.s32 s16, s12  }
0x13: {  	[hbm4b:s12+s13] =	stream.strided.scatter [tilespmem:s14], [sflag:$0x2], $0x2000, s8, s13, $0x20;
	[tilespmem:$0x8080] =	vst v63  }
.LBB1_5:
0x14: {  	s14 =	sadd.s32 $0x1, s9  }
0x15: {  	s12 =	sadd.s32 $0x1000, s10;
	s16 =	smov.u32 s10;
	p2 =	sgt.s32 s14, $0xC7  }
0x16: {  	s16 =	smov.u32 @p2 s12  }
0x17: {  	s14 =	simm.s32 @p2 $0x0;
	p2 =	sgt.s32 s16, $0xFFF  }
0x18: {  	s16 =	smov.u32 @p2 s2;
	p2 =	sne.s32 s11, s7  }
.Ltmp1:
0x19: {  	p1 =	slt.u32 s11, $0x2;
	(pc) =	sbr.rel @!p2 .LBB1_6-.Ltmp1, $4  }
0x1a: {  	s15 =	simm.s32 @!p1 $0x2  }
0x1b: {  	s13 =	smov.u32 s10;
	p0 =	por !p0, !p0;
	_ =	swait.ge @!p1 [sflag:s15], $0x2000  }
0x1c: {  	s12 =	smov.u32 s9;
	[sflag:s15] =	ssyncset.done @!p1 $0x0;
	s9 =	smov.u32 s14  }
0x1d: {  	s11 =	sadd.s32 $0x1, s11;
	[sflag:s15] =	ssyncadd.s32 @!p1 $0xFFFFE000;
	s10 =	smov.u32 s16  }
.LBB1_1:
0x1e: {  	p1 =	sge.u32 s11, s5  }
0x1f: {  	s14 =	sand.u32 @!p1 $0x1FFFFFF, s9  }
0x20: {  	s15 =	smulhi.u32 @!p1 $0x147AE15, s14;
	_ =	sdelay $0x1  }
0x21: {  	s15 =	smul.u32 @!p1 $0xC8, s15  }
0x22: {  	s16 =	sxor.u32 @!p1 $0xFFFFFFFF, s11;
	s17 =	smul.u32 @!p1 $0xC80, s10  }
0x23: {  	s31 =	sadd.s32 $0xFFFFFFFF, s11;
	s16 =	sshll.u32 @!p1 s16, $0xD;
	s14 =	ssub.s32 @!p1 s14, s15  }
0x24: {  	s15 =	sand.u32 @!p1 $0x2000, s16;
	s16 =	sadd.s32 @!p1 s6, s17;
	s14 =	sshll.u32 @!p1 s14, $0x4  }
0x25: {  	s17 =	simm.s32 @!p1 $0x6400;
	s14 =	sadd.s32 @!p1 s14, s16;
	s16 =	simm.s32 @!p1 $0x40  }
0x26: {  	[tilespmem:s15], [sflag:$0x1] =	stream.strided.gather @!p1 [hbm4b:s14+s16], $0x2000, s17, s16, $0x38;
	[tilespmem:$0x8080] =	vst v63  }
0x27: {  	p1 =	sge.u32 s31, s5  }
.Ltmp2:
0x28: {  	_ = 	snop;
	(pc) =	sbr.rel @p1 .LBB1_5-.Ltmp2, $1  }
0x29: {  	_ =	sdelay $0x3  }
0x2a: {  	s14 =	simm.s32 $0x1  }
0x2b: {  	_ =	swait.ge [sflag:s4], $0x2000;
	s14 =	simm.s32 @!p0 $0x0  }
0x2c: {  	[sflag:s4] =	ssyncset.done $0x0;
	s15 =	sshll.u32 s14, $0xD  }
0x2d: {  	[sflag:s4] =	ssyncadd.s32 $0xFFFFE000;
	s18 =	sor.u32 $0x20, s15  }
0x2e: {  	s14 =	smul.u32 $0x8100, s14;
	v3 =	vld [tilespmem:s18+$0x10]  }
0x2f: {  	s30 =	sand.u32 $0x1, s11;
	v2 =	vld [tilespmem:s18+$0xFFFFFFF0]  }
0x30: {  	s15 =	smul.u32 $0x8100, s30;
	s14 =	sshrl.u32 s14, $0x2;
	v0 =	vld [tilespmem:s18+$0x0]  }
0x31: {  	v1 =	vld [tilespmem:s18+$0xFFFFFFE0];
	s16 =	sor.u32 $0x4000, s14  }
0x32: {  	s31 =	sshrl.u32 s15, $0x2;
	s15 =	sadd.s32 $0x0, s16  }
0x33: {  	s17 =	simm.s32 $0x4;
	s18 =	sadd.s32 $0x40, s18;
	s14 =	sor.u32 $0x4000, s31;
	[tilespmem:s15+$0x1830 ss:$0x81] =	vst.msk $0xffff, v3  }
.LBB1_3:
0x34: {  	v3 =	vld [tilespmem:s18+$0x10];
	p1 =	sne.s32 s17, $0x1FC;
	[tilespmem:s15+$0x810 ss:$0x81] =	vst.msk $0xffff, v2;
	s19 =	smov.u32 s17;
	s17 =	sadd.s32 $0x4, s17  }
.Ltmp3:
0x35: {  	v2 =	vld [tilespmem:s18+$0xFFFFFFF0];
	[tilespmem:s15+$0x1020 ss:$0x81] =	vst.msk $0xffff, v0;
	(pc) =	sbr.rel @p1 .LBB1_3-.Ltmp3, $4  }
0x36: {  	v0 =	vld [tilespmem:s18+$0x0];
	[tilespmem:s15+$0x0 ss:$0x81] =	vst.msk $0xffff, v1  }
0x37: {  	s15 =	sshra.s32 s19, $0x2;
	v1 =	vld [tilespmem:s18+$0xFFFFFFE0]  }
0x38: {  	s15 =	sadd.s32 s15, s16  }
0x39: {  	s18 =	sadd.s32 $0x40, s18;
	[tilespmem:s15+$0x1830 ss:$0x81] =	vst.msk $0xffff, v3  }
.Ltmp4:
0x3a: {  	_ = 	snop;
	(pc) =	sbr.rel .LBB1_4-.Ltmp4, $1  }
0x3b: {  	_ =	sdelay $0x3  }
.LBB1_6:
0x3c: {  	_ =	sfence.sel $0x180000  }
0x3d: {  	s2 =	simm.s32 $0x1;
	[bflag:$0x0] =	sbarrier.arrive $0xFFFF  }
0x3e: {  	s31 =	simm.s32 $0x2;
	[sflag:s2] =	ssyncpa.u1 $0x1  }
0x3f: {  	[sflag:s31] =	ssyncpa.u1 $0x1  }
0x40: {  	p0 =	sne.s32 s0, $0x0;
	_ =	strace $0x9000004D  }
0x41: {  	s0 =	sadd.s32 @!p0 $0x100000, s1;
	[bflag:$0x2] =	sbarrier.arrive $0xFFFF  }
0x42: {  	[sflag:s0] =	ssyncadd.tile.s32 @!p0 $0x1;
	_ =	shalt  }
.Lfunc_end1:
_tile_overlayer_lowered:
.L_overlay_start_2:
0x43: {  	(tag) =	ssettag $0x2  }
0x44: {  	s0 =	rddreg [dreg:$0x0];
	s2 =	stileid.u32  }
0x45: {  	s1 =	rddreg [dreg:$0x1];
	p0 =	sne.s32 s2, $0x0  }
0x46: {  	s3 =	rddreg [dreg:$0x2];
	[bflag:$0x3] =	sbarrier.arrive $0xFFFF;
	s2 =	simm.s32 @!p0 $0x1C01  }
0x47: {  	[timem:s3], [sflag:s2] =	dma.local @!p0 [hbm:s0], s1  }
0x48: {  	s0 =	simm.s32 @!p0 $0x1  }
0x49: {  	_ =	swait.ge @!p0 [sflag:s0], s1  }
0x4a: {  	s1 =	ssub.s32 @!p0 $0x0, s1;
	[sflag:s0] =	ssyncset.done @!p0 $0x0  }
0x4b: {  	[sflag:s0] =	ssyncadd.s32 @!p0 s1  }
0x4c: {  	[bflag:$0x3] =	sbarrier.arrive $0xFFFF  }
0x4d: {  	_ =	shalt  }

</sc_bundles>
